<compile_context>
chip_gen: v7x
topology: tpu7x:2x2x1
jax: 0.10.2.dev20260603
libtpu: 0.0.44.dev20260713+nightly
codegen_flags: <defaults>
</compile_context>

<pallas_src>
import functools

import jax
import jax.numpy as jnp
from jax import lax
from jax.experimental import pallas as pl
from jax.experimental.pallas import tpu as pltpu
from jax.experimental.pallas import tpu_sc as plsc

N = 10000
E = 320000
G = 128

K = 80
NBT = E // (16 * K)
NBD = E // (32 * K)
NPAD = 10016
RPS = NPAD // 16
TRS = N // 16


_MESH = plsc.VectorSubcoreMesh(core_axis_name="c", subcore_axis_name="s")
_SC_PARAMS = pltpu.CompilerParams(use_tc_tiling_on_sc=False)


def _make_edge_scatter(hh):

    @functools.partial(
        pl.kernel,
        mesh=_MESH,
        compiler_params=_SC_PARAMS,
        out_type=jax.ShapeDtypeStruct((NPAD, 128), jnp.float32),
        scratch_types=[
            pltpu.VMEM((NBT, K), jnp.int32),
            pltpu.VMEM((NBT, K), jnp.int32),
            pltpu.VMEM((K, hh), jnp.float32),
            pltpu.VMEM((K, hh), jnp.float32),
            pltpu.VMEM_SHARED((N, hh), jnp.float32),
            pltpu.VMEM_SHARED((NPAD, hh), jnp.float32),
            pltpu.SemaphoreType.DMA,
            pltpu.SemaphoreType.DMA,
            pltpu.SemaphoreType.DMA,
            pltpu.SemaphoreType.DMA,
        ],
    )
    def scatter_kernel(q_hbm, edges_hbm, z_hbm, out_hbm,
                       src_v, dst_v, b0, b1, table, acc, g0, g1, s0, s1):
        c = lax.axis_index("c")
        s = lax.axis_index("s")
        bufs = [b0, b1]
        gsems = [g0, g1]
        ssems = [s0, s1]
        pltpu.sync_copy(z_hbm.at[:, pl.ds(0, hh)],
                        acc.at[pl.ds(s * RPS, RPS)])
        pltpu.sync_copy(q_hbm.at[pl.ds(s * TRS, TRS), pl.ds(c * hh, hh)],
                        table.at[pl.ds(s * TRS, TRS)])
        pltpu.sync_copy(edges_hbm.at[0, s], src_v)
        pltpu.sync_copy(edges_hbm.at[1, s], dst_v)
        plsc.subcore_barrier()

        def g_issue(j, b):
            pltpu.async_copy(table.at[src_v.at[j]], bufs[b], gsems[b])

        def g_wait(j, b):
            pltpu.make_async_copy(
                table.at[src_v.at[j]], bufs[b], gsems[b]).wait()

        def s_issue(j, b):
            pltpu.async_copy(bufs[b], acc.at[dst_v.at[j]], ssems[b],
                             add=True)

        def s_wait(j, b):
            pltpu.make_async_copy(
                bufs[b], acc.at[dst_v.at[j]], ssems[b]).wait()

        g_issue(0, 0)
        g_wait(0, 0); s_issue(0, 0); g_issue(1, 1)
        g_wait(1, 1); s_issue(1, 1); s_wait(0, 0); g_issue(2, 0)

        @pl.loop(2, NBT - 2, step=2)
        def _(jr):
            for b in range(2):
                j = jr + b
                g_wait(j, b)
                s_issue(j, b)
                s_wait(j - 1, 1 - b)
                g_issue(j + 1, 1 - b)

        jr = NBT - 2
        g_wait(jr, 0); s_issue(jr, 0); s_wait(jr - 1, 1)
        g_issue(jr + 1, 1)
        g_wait(jr + 1, 1); s_issue(jr + 1, 1); s_wait(jr, 0)
        s_wait(jr + 1, 1)

        plsc.subcore_barrier()
        pltpu.sync_copy(acc.at[pl.ds(s * RPS, RPS)],
                        out_hbm.at[pl.ds(s * RPS, RPS), pl.ds(c * hh, hh)])

    return scatter_kernel


@functools.partial(
    pl.kernel,
    mesh=_MESH,
    compiler_params=_SC_PARAMS,
    out_type=jax.ShapeDtypeStruct((NPAD, 128), jnp.float32),
    scratch_types=[
        pltpu.VMEM((NBD, K), jnp.int32),
        pltpu.VMEM((K, 16), jnp.float32),
        pltpu.VMEM_SHARED((NPAD, 16), jnp.float32),
        pltpu.SemaphoreType.DMA,
    ],
)
def _deg_kernel(edges_hbm, ones_hbm, z_hbm, out_hbm, dst_v, ones_v, acc, sem):
    c = lax.axis_index("c")
    s = lax.axis_index("s")
    pltpu.sync_copy(z_hbm.at[:, pl.ds(0, 16)], acc.at[pl.ds(s * RPS, RPS)])
    pltpu.sync_copy(ones_hbm, ones_v)
    pltpu.sync_copy(edges_hbm.at[1, s, pl.ds(c * NBD, NBD)], dst_v)
    plsc.subcore_barrier()

    @pl.loop(0, NBD, step=5)
    def _(j):
        for i in range(5):
            pltpu.async_copy(ones_v, acc.at[dst_v.at[j + i]], sem, add=True)
        for i in range(5):
            pltpu.make_async_copy(
                ones_v, acc.at[dst_v.at[j + i]], sem).wait()

    plsc.subcore_barrier()
    pltpu.sync_copy(acc.at[pl.ds(s * RPS, RPS)],
                    out_hbm.at[pl.ds(s * RPS, RPS), pl.ds(c * 16, 16)])


_scatter64 = _make_edge_scatter(64)
_scatter32 = _make_edge_scatter(32)


def _pre_body(x_ref, w_ref, degp_ref, q_ref, dinv_ref):
    deg = degp_ref[:N, 0:1] + degp_ref[:N, 16:17] + 1.0
    dinv = lax.rsqrt(deg)
    dinv_ref[...] = dinv
    q_ref[...] = jnp.dot(x_ref[...], w_ref[...],
                         preferred_element_type=jnp.float32) * dinv


def _mid_body(sp_ref, q_ref, dinv_ref, b_ref, g_ref, be_ref, w_ref, qn_ref):
    hw = w_ref.shape[1]
    dinv = dinv_ref[...]
    t = (sp_ref[:N, :] + q_ref[...]) * dinv + b_ref[...]
    m = jnp.mean(t, axis=0, keepdims=True)
    cdev = t - m
    v = jnp.mean(cdev * cdev, axis=0, keepdims=True)
    h = jnp.maximum(cdev * lax.rsqrt(v + 1e-5) * g_ref[...] + be_ref[...], 0.0)
    qn = jnp.dot(h, w_ref[...], preferred_element_type=jnp.float32) * dinv
    qn_ref[:, :hw] = qn
    if hw < 128:
        qn_ref[:, hw:] = jnp.zeros((N, 128 - hw), jnp.float32)


def _post_body(sp_ref, q_ref, dinv_ref, b_ref, g_ref, be_ref, batch_ref,
               fcw_ref, fcb_ref, out_ref):
    t = (sp_ref[:N, :64] + q_ref[:, :64]) * dinv_ref[...] + b_ref[...]
    m = jnp.mean(t, axis=0, keepdims=True)
    cdev = t - m
    v = jnp.mean(cdev * cdev, axis=0, keepdims=True)
    h = jnp.maximum(cdev * lax.rsqrt(v + 1e-5) * g_ref[...] + be_ref[...], 0.0)
    onehot_t = (batch_ref[...] ==
                lax.broadcasted_iota(jnp.int32, (G, N), 0)).astype(jnp.float32)
    sums = jnp.dot(onehot_t, h, preferred_element_type=jnp.float32)
    cnt = jnp.sum(onehot_t, axis=1, keepdims=True)
    pooled = sums / jnp.maximum(cnt, 1.0)
    out_ref[...] = jnp.dot(pooled, fcw_ref[...],
                           preferred_element_type=jnp.float32) + fcb_ref[...]


def kernel(x, edge_index, batch, W1, b1, g1, be1, W2, b2, g2, be2,
           W3, b3, g3, be3, fcW, fcb):
    f32 = jnp.float32
    edges4 = edge_index.reshape(2, 16, NBT, K)
    z128 = jnp.zeros((RPS, 128), f32)
    ones16 = jnp.ones((K, 16), f32)

    degp = _deg_kernel(edges4, ones16, z128)

    q1, dinv = pl.pallas_call(
        _pre_body,
        out_shape=[jax.ShapeDtypeStruct((N, 128), f32),
                   jax.ShapeDtypeStruct((N, 1), f32)],
    )(x, W1, degp)

    s1 = _scatter64(q1, edges4, z128)
    q2 = pl.pallas_call(
        _mid_body, out_shape=jax.ShapeDtypeStruct((N, 128), f32),
    )(s1, q1, dinv, b1.reshape(1, -1), g1.reshape(1, -1), be1.reshape(1, -1),
      W2)

    s2 = _scatter64(q2, edges4, z128)
    q3 = pl.pallas_call(
        _mid_body, out_shape=jax.ShapeDtypeStruct((N, 128), f32),
    )(s2, q2, dinv, b2.reshape(1, -1), g2.reshape(1, -1), be2.reshape(1, -1),
      W3)

    s3 = _scatter32(q3, edges4, z128)
    out = pl.pallas_call(
        _post_body, out_shape=jax.ShapeDtypeStruct((G, 10), f32),
    )(s3, q3, dinv, b3.reshape(1, -1), g3.reshape(1, -1), be3.reshape(1, -1),
      batch.reshape(1, -1), fcW, fcb.reshape(1, -1))
    return out

# --- scband reference (transcript-rebuilt; emitter-appended) ---
"""Pipeline reference for scband-optimized-gcn-56702158241984 (READ-ONLY COPY).

The authoritative reference and input builder live on the scoring server;
editing this copy changes nothing except your own understanding.
"""

import jax, jax.numpy as jnp
import numpy as np

N = 10000
E = 320000
D_IN = 128
H = 128
C = 10
G = 128


def setup_inputs(seed: int = 0):
    key = jax.random.key(seed)
    ks = jax.random.split(key, 8)
    x = jax.random.normal(ks[0], (N, D_IN), dtype=jnp.float32)
    edge_index = jax.random.randint(ks[1], (2, E), 0, N, dtype=jnp.int32)
    batch = jnp.sort(jax.random.randint(ks[2], (N,), 0, G, dtype=jnp.int32))
    def lin(k, i, o):
        return (jax.random.normal(k, (i, o), dtype=jnp.float32) / np.sqrt(i)).astype(jnp.float32)
    W1 = lin(ks[3], D_IN, H); b1 = jnp.zeros((H,), jnp.float32)
    W2 = lin(ks[4], H, H); b2 = jnp.zeros((H,), jnp.float32)
    W3 = lin(ks[5], H, H // 2); b3 = jnp.zeros((H // 2,), jnp.float32)
    g1 = jnp.ones((H,), jnp.float32); be1 = jnp.zeros((H,), jnp.float32)
    g2 = jnp.ones((H,), jnp.float32); be2 = jnp.zeros((H,), jnp.float32)
    g3 = jnp.ones((H // 2,), jnp.float32); be3 = jnp.zeros((H // 2,), jnp.float32)
    fcW = lin(ks[6], H // 2, C); fcb = jnp.zeros((C,), jnp.float32)
    return {"x": x, "edge_index": edge_index, "batch": batch,
            "W1": W1, "b1": b1, "g1": g1, "be1": be1,
            "W2": W2, "b2": b2, "g2": g2, "be2": be2,
            "W3": W3, "b3": b3, "g3": g3, "be3": be3,
            "fcW": fcW, "fcb": fcb}


def _bn(x, g, b):
    m = jnp.mean(x, axis=0)
    v = jnp.var(x, axis=0)
    return (x - m) / jnp.sqrt(v + 1e-5) * g + b


def reference(x, edge_index, batch, W1, b1, g1, be1, W2, b2, g2, be2, W3, b3, g3, be3, fcW, fcb):
    # GCNConv with self-loops and symmetric normalization (PyG semantics)
    loops = jnp.arange(N, dtype=edge_index.dtype)
    src = jnp.concatenate([edge_index[0], loops])
    dst = jnp.concatenate([edge_index[1], loops])
    deg = jax.ops.segment_sum(jnp.ones_like(src, dtype=jnp.float32), dst, num_segments=N)
    dinv = jnp.where(deg > 0, jax.lax.rsqrt(jnp.maximum(deg, 1e-12)), 0.0)
    norm = dinv[src] * dinv[dst]

    def gcn(h, W, b):
        h = h @ W
        msg = h[src] * norm[:, None]
        return jax.ops.segment_sum(msg, dst, num_segments=N) + b

    h = jax.nn.relu(_bn(gcn(x, W1, b1), g1, be1))
    # dropout is identity in eval mode
    h = jax.nn.relu(_bn(gcn(h, W2, b2), g2, be2))
    h = jax.nn.relu(_bn(gcn(h, W3, b3), g3, be3))
    sums = jax.ops.segment_sum(h, batch, num_segments=G)
    cnt = jax.ops.segment_sum(jnp.ones((N,), jnp.float32), batch, num_segments=G)
    pooled = sums / jnp.maximum(cnt, 1.0)[:, None]
    return pooled @ fcW + fcb

if __name__ == "__main__":
    import jax
    _d = setup_inputs()
    print(jax.jit(kernel)(*tuple(_d.values())))

</pallas_src>

<mosaic_0001>
#map = affine_map<(d0, d1) -> (0, 0)>
#map1 = affine_map<(d0, d1) -> (0, 0, 0, 0)>
module attributes {stable_mosaic.version = 14 : i64} {
  func.func @scatter_kernel(%arg0: i32, %arg1: i32, %arg2: memref<10000x128xf32, #tpu.memory_space<hbm>>, %arg3: memref<2x16x250x80xi32, #tpu.memory_space<hbm>>, %arg4: memref<626x128xf32, #tpu.memory_space<hbm>>, %arg5: memref<10016x128xf32, #tpu.memory_space<hbm>>, %arg6: memref<250x80xi32, #tpu.memory_space<vmem>>, %arg7: memref<250x80xi32, #tpu.memory_space<vmem>>, %arg8: memref<80x32xf32, #tpu.memory_space<vmem>>, %arg9: memref<80x32xf32, #tpu.memory_space<vmem>>, %arg10: memref<10000x32xf32, #tpu.memory_space<vmem_shared>>, %arg11: memref<10016x32xf32, #tpu.memory_space<vmem_shared>>, %arg12: memref<!tpu.dma_semaphore, #tpu.memory_space<semaphore_mem>>, %arg13: memref<!tpu.dma_semaphore, #tpu.memory_space<semaphore_mem>>, %arg14: memref<!tpu.dma_semaphore, #tpu.memory_space<semaphore_mem>>, %arg15: memref<!tpu.dma_semaphore, #tpu.memory_space<semaphore_mem>>) attributes {dimension_semantics = [#tpu.dimension_semantics<core_parallel>, #tpu.dimension_semantics<subcore_parallel>], iteration_bounds = array<i64: 2, 16>, scalar_prefetch = 0 : i64, scratch_operands = 10 : i64, tpu.core_type = #tpu.core_type<sc_vector_subcore>, window_params = [{transform_indices = #map}, {transform_indices = #map1}, {transform_indices = #map}, {transform_indices = #map}]} {
    %mul3A = arith.constant 626 : i32
    %mul3A_0 = arith.muli %arg1, %mul3A : i32
    "tpu.region"() ({
      %run_scoped3A_129 = tpu.sem_alloc : memref<!tpu.dma_semaphore, #tpu.memory_space<semaphore_mem>>
      %dma_start3A_130 = arith.constant 0 : i32
      %dma_start3A_131 = tpu.memref_slice %arg11[%mul3A_0, %dma_start3A_130] : memref<10016x32xf32, #tpu.memory_space<vmem_shared>> -> memref<626x32xf32, #tpu.memory_space<vmem_shared>>
      %dma_start3A_132 = arith.constant 0 : i32
      %dma_start3A_133 = arith.constant 0 : i32
      %dma_start3A_134 = tpu.memref_slice %arg4[%dma_start3A_132, %dma_start3A_133] : memref<626x128xf32, #tpu.memory_space<hbm>> -> memref<626x32xf32, #tpu.memory_space<hbm>>
      tpu.enqueue_dma source(%dma_start3A_134 : memref<626x32xf32, #tpu.memory_space<hbm>>) target(%dma_start3A_131 : memref<626x32xf32, #tpu.memory_space<vmem_shared>>) target_semaphore(%run_scoped3A_129 : memref<!tpu.dma_semaphore, #tpu.memory_space<semaphore_mem>>)
      %dma_wait3A_135 = arith.constant 0 : i32
      %dma_wait3A_136 = tpu.memref_slice %arg11[%mul3A_0, %dma_wait3A_135] : memref<10016x32xf32, #tpu.memory_space<vmem_shared>> -> memref<626x32xf32, #tpu.memory_space<vmem_shared>>
      %dma_wait3A_137 = arith.constant 0 : i32
      %dma_wait3A_138 = arith.constant 0 : i32
      %dma_wait3A_139 = tpu.memref_slice %arg4[%dma_wait3A_137, %dma_wait3A_138] : memref<626x128xf32, #tpu.memory_space<hbm>> -> memref<626x32xf32, #tpu.memory_space<hbm>>
      tpu.wait_dma2 semaphore(%run_scoped3A_129 : memref<!tpu.dma_semaphore, #tpu.memory_space<semaphore_mem>>) src(%dma_wait3A_139 : memref<626x32xf32, #tpu.memory_space<hbm>>) dst(%dma_wait3A_136 : memref<626x32xf32, #tpu.memory_space<vmem_shared>>)
      tpu.yield
    }) : () -> ()
    %mul3A_1 = arith.constant 625 : i32
    %mul3A_2 = arith.muli %arg1, %mul3A_1 : i32
    %mul3A_3 = arith.constant 32 : i32
    %mul3A_4 = arith.muli %arg0, %mul3A_3 : i32
    %mul3A_5 = arith.constant 625 : i32
    %mul3A_6 = arith.muli %arg1, %mul3A_5 : i32
    "tpu.region"() ({
      %run_scoped3A_129 = tpu.sem_alloc : memref<!tpu.dma_semaphore, #tpu.memory_space<semaphore_mem>>
      %dma_start3A_130 = arith.constant 0 : i32
      %dma_start3A_131 = tpu.memref_slice %arg10[%mul3A_6, %dma_start3A_130] : memref<10000x32xf32, #tpu.memory_space<vmem_shared>> -> memref<625x32xf32, #tpu.memory_space<vmem_shared>>
      %dma_start3A_132 = tpu.memref_slice %arg2[%mul3A_2, %mul3A_4] : memref<10000x128xf32, #tpu.memory_space<hbm>> -> memref<625x32xf32, #tpu.memory_space<hbm>>
      tpu.enqueue_dma source(%dma_start3A_132 : memref<625x32xf32, #tpu.memory_space<hbm>>) target(%dma_start3A_131 : memref<625x32xf32, #tpu.memory_space<vmem_shared>>) target_semaphore(%run_scoped3A_129 : memref<!tpu.dma_semaphore, #tpu.memory_space<semaphore_mem>>)
      %dma_wait3A_133 = arith.constant 0 : i32
      %dma_wait3A_134 = tpu.memref_slice %arg10[%mul3A_6, %dma_wait3A_133] : memref<10000x32xf32, #tpu.memory_space<vmem_shared>> -> memref<625x32xf32, #tpu.memory_space<vmem_shared>>
      %dma_wait3A_135 = tpu.memref_slice %arg2[%mul3A_2, %mul3A_4] : memref<10000x128xf32, #tpu.memory_space<hbm>> -> memref<625x32xf32, #tpu.memory_space<hbm>>
      tpu.wait_dma2 semaphore(%run_scoped3A_129 : memref<!tpu.dma_semaphore, #tpu.memory_space<semaphore_mem>>) src(%dma_wait3A_135 : memref<625x32xf32, #tpu.memory_space<hbm>>) dst(%dma_wait3A_134 : memref<625x32xf32, #tpu.memory_space<vmem_shared>>)
      tpu.yield
    }) : () -> ()
    %run_scoped3A = arith.constant 0 : i32
    "tpu.region"() ({
      %run_scoped3A_129 = tpu.sem_alloc : memref<!tpu.dma_semaphore, #tpu.memory_space<semaphore_mem>>
      %dma_start3A_130 = arith.constant 0 : i32
      %dma_start3A_131 = arith.constant 0 : i32
      %dma_start3A_132 = tpu.memref_slice %arg3[%run_scoped3A, %arg1, %dma_start3A_130, %dma_start3A_131] : memref<2x16x250x80xi32, #tpu.memory_space<hbm>> -> memref<1x1x250x80xi32, #tpu.memory_space<hbm>>
      %dma_start3A_133 = tpu.memref_squeeze %dma_start3A_132 : memref<1x1x250x80xi32, #tpu.memory_space<hbm>> -> memref<250x80xi32, #tpu.memory_space<hbm>>
      %dma_start3A_134 = arith.constant 0 : i32
      %dma_start3A_135 = arith.constant 0 : i32
      %dma_start3A_136 = tpu.memref_slice %arg3[%run_scoped3A, %arg1, %dma_start3A_134, %dma_start3A_135] : memref<2x16x250x80xi32, #tpu.memory_space<hbm>> -> memref<1x1x250x80xi32, #tpu.memory_space<hbm>>
      %dma_start3A_137 = tpu.memref_squeeze %dma_start3A_136 : memref<1x1x250x80xi32, #tpu.memory_space<hbm>> -> memref<250x80xi32, #tpu.memory_space<hbm>>
      tpu.enqueue_dma source(%dma_start3A_137 : memref<250x80xi32, #tpu.memory_space<hbm>>) target(%arg6 : memref<250x80xi32, #tpu.memory_space<vmem>>) target_semaphore(%run_scoped3A_129 : memref<!tpu.dma_semaphore, #tpu.memory_space<semaphore_mem>>)
      %dma_wait3A_138 = arith.constant 0 : i32
      %dma_wait3A_139 = arith.constant 0 : i32
      %dma_wait3A_140 = tpu.memref_slice %arg3[%run_scoped3A, %arg1, %dma_wait3A_138, %dma_wait3A_139] : memref<2x16x250x80xi32, #tpu.memory_space<hbm>> -> memref<1x1x250x80xi32, #tpu.memory_space<hbm>>
      %dma_wait3A_141 = tpu.memref_squeeze %dma_wait3A_140 : memref<1x1x250x80xi32, #tpu.memory_space<hbm>> -> memref<250x80xi32, #tpu.memory_space<hbm>>
      %dma_wait3A_142 = arith.constant 0 : i32
      %dma_wait3A_143 = arith.constant 0 : i32
      %dma_wait3A_144 = tpu.memref_slice %arg3[%run_scoped3A, %arg1, %dma_wait3A_142, %dma_wait3A_143] : memref<2x16x250x80xi32, #tpu.memory_space<hbm>> -> memref<1x1x250x80xi32, #tpu.memory_space<hbm>>
      %dma_wait3A_145 = tpu.memref_squeeze %dma_wait3A_144 : memref<1x1x250x80xi32, #tpu.memory_space<hbm>> -> memref<250x80xi32, #tpu.memory_space<hbm>>
      tpu.wait_dma2 semaphore(%run_scoped3A_129 : memref<!tpu.dma_semaphore, #tpu.memory_space<semaphore_mem>>) src(%dma_wait3A_145 : memref<250x80xi32, #tpu.memory_space<hbm>>) dst(%arg6 : memref<250x80xi32, #tpu.memory_space<vmem>>)
      tpu.yield
    }) : () -> ()
    %run_scoped3A_7 = arith.constant 1 : i32
    "tpu.region"() ({
      %run_scoped3A_129 = tpu.sem_alloc : memref<!tpu.dma_semaphore, #tpu.memory_space<semaphore_mem>>
      %dma_start3A_130 = arith.constant 0 : i32
      %dma_start3A_131 = arith.constant 0 : i32
      %dma_start3A_132 = tpu.memref_slice %arg3[%run_scoped3A_7, %arg1, %dma_start3A_130, %dma_start3A_131] : memref<2x16x250x80xi32, #tpu.memory_space<hbm>> -> memref<1x1x250x80xi32, #tpu.memory_space<hbm>>
      %dma_start3A_133 = tpu.memref_squeeze %dma_start3A_132 : memref<1x1x250x80xi32, #tpu.memory_space<hbm>> -> memref<250x80xi32, #tpu.memory_space<hbm>>
      %dma_start3A_134 = arith.constant 0 : i32
      %dma_start3A_135 = arith.constant 0 : i32
      %dma_start3A_136 = tpu.memref_slice %arg3[%run_scoped3A_7, %arg1, %dma_start3A_134, %dma_start3A_135] : memref<2x16x250x80xi32, #tpu.memory_space<hbm>> -> memref<1x1x250x80xi32, #tpu.memory_space<hbm>>
      %dma_start3A_137 = tpu.memref_squeeze %dma_start3A_136 : memref<1x1x250x80xi32, #tpu.memory_space<hbm>> -> memref<250x80xi32, #tpu.memory_space<hbm>>
      tpu.enqueue_dma source(%dma_start3A_137 : memref<250x80xi32, #tpu.memory_space<hbm>>) target(%arg7 : memref<250x80xi32, #tpu.memory_space<vmem>>) target_semaphore(%run_scoped3A_129 : memref<!tpu.dma_semaphore, #tpu.memory_space<semaphore_mem>>)
      %dma_wait3A_138 = arith.constant 0 : i32
      %dma_wait3A_139 = arith.constant 0 : i32
      %dma_wait3A_140 = tpu.memref_slice %arg3[%run_scoped3A_7, %arg1, %dma_wait3A_138, %dma_wait3A_139] : memref<2x16x250x80xi32, #tpu.memory_space<hbm>> -> memref<1x1x250x80xi32, #tpu.memory_space<hbm>>
      %dma_wait3A_141 = tpu.memref_squeeze %dma_wait3A_140 : memref<1x1x250x80xi32, #tpu.memory_space<hbm>> -> memref<250x80xi32, #tpu.memory_space<hbm>>
      %dma_wait3A_142 = arith.constant 0 : i32
      %dma_wait3A_143 = arith.constant 0 : i32
      %dma_wait3A_144 = tpu.memref_slice %arg3[%run_scoped3A_7, %arg1, %dma_wait3A_142, %dma_wait3A_143] : memref<2x16x250x80xi32, #tpu.memory_space<hbm>> -> memref<1x1x250x80xi32, #tpu.memory_space<hbm>>
      %dma_wait3A_145 = tpu.memref_squeeze %dma_wait3A_144 : memref<1x1x250x80xi32, #tpu.memory_space<hbm>> -> memref<250x80xi32, #tpu.memory_space<hbm>>
      tpu.wait_dma2 semaphore(%run_scoped3A_129 : memref<!tpu.dma_semaphore, #tpu.memory_space<semaphore_mem>>) src(%dma_wait3A_145 : memref<250x80xi32, #tpu.memory_space<hbm>>) dst(%arg7 : memref<250x80xi32, #tpu.memory_space<vmem>>)
      tpu.yield
    }) : () -> ()
    %barrier3A = arith.constant 0 : index
    tpu.barrier barrier_id(%barrier3A)
    %dma_start3A = arith.constant 0 : i32
    %dma_start3A_8 = arith.constant 0 : i32
    %dma_start3A_9 = tpu.memref_slice %arg6[%dma_start3A, %dma_start3A_8] : memref<250x80xi32, #tpu.memory_space<vmem>> -> memref<1x80xi32, #tpu.memory_space<vmem>>
    %dma_start3A_10 = tpu.memref_squeeze %dma_start3A_9 : memref<1x80xi32, #tpu.memory_space<vmem>> -> memref<80xi32, #tpu.memory_space<vmem>>
    %dma_start3A_11 = arith.constant 0 : i32
    %dma_start3A_12 = arith.constant 0 : i32
    %dma_start3A_13 = tpu.memref_slice %arg10[%dma_start3A_11, %dma_start3A_12] : memref<10000x32xf32, #tpu.memory_space<vmem_shared>> -> memref<10000x32xf32, #tpu.memory_space<vmem_shared>>
    tpu.enqueue_indirect_dma source(%dma_start3A_13 : memref<10000x32xf32, #tpu.memory_space<vmem_shared>>) target(%arg8 : memref<80x32xf32, #tpu.memory_space<vmem>>) offsets(%dma_start3A_10 : memref<80xi32, #tpu.memory_space<vmem>>) semaphore(%arg12 : memref<!tpu.dma_semaphore, #tpu.memory_space<semaphore_mem>>)
    %dma_wait3A = arith.constant 0 : i32
    %dma_wait3A_14 = arith.constant 0 : i32
    %dma_wait3A_15 = tpu.memref_slice %arg6[%dma_wait3A, %dma_wait3A_14] : memref<250x80xi32, #tpu.memory_space<vmem>> -> memref<1x80xi32, #tpu.memory_space<vmem>>
    %dma_wait3A_16 = tpu.memref_squeeze %dma_wait3A_15 : memref<1x80xi32, #tpu.memory_space<vmem>> -> memref<80xi32, #tpu.memory_space<vmem>>
    %dma_wait3A_17 = arith.constant 0 : i32
    %dma_wait3A_18 = arith.constant 0 : i32
    %dma_wait3A_19 = tpu.memref_slice %arg10[%dma_wait3A_17, %dma_wait3A_18] : memref<10000x32xf32, #tpu.memory_space<vmem_shared>> -> memref<10000x32xf32, #tpu.memory_space<vmem_shared>>
    tpu.wait_indirect_dma semaphore(%arg12 : memref<!tpu.dma_semaphore, #tpu.memory_space<semaphore_mem>>) src(%dma_wait3A_19 : memref<10000x32xf32, #tpu.memory_space<vmem_shared>>) dst(%arg8 : memref<80x32xf32, #tpu.memory_space<vmem>>)
    %dma_start3A_20 = arith.constant 0 : i32
    %dma_start3A_21 = arith.constant 0 : i32
    %dma_start3A_22 = tpu.memref_slice %arg7[%dma_start3A_20, %dma_start3A_21] : memref<250x80xi32, #tpu.memory_space<vmem>> -> memref<1x80xi32, #tpu.memory_space<vmem>>
    %dma_start3A_23 = tpu.memref_squeeze %dma_start3A_22 : memref<1x80xi32, #tpu.memory_space<vmem>> -> memref<80xi32, #tpu.memory_space<vmem>>
    %dma_start3A_24 = arith.constant 0 : i32
    %dma_start3A_25 = arith.constant 0 : i32
    %dma_start3A_26 = tpu.memref_slice %arg11[%dma_start3A_24, %dma_start3A_25] : memref<10016x32xf32, #tpu.memory_space<vmem_shared>> -> memref<10016x32xf32, #tpu.memory_space<vmem_shared>>
    tpu.enqueue_indirect_dma source(%arg8 : memref<80x32xf32, #tpu.memory_space<vmem>>) target(%dma_start3A_26 : memref<10016x32xf32, #tpu.memory_space<vmem_shared>>) offsets(%dma_start3A_23 : memref<80xi32, #tpu.memory_space<vmem>>) semaphore(%arg14 : memref<!tpu.dma_semaphore, #tpu.memory_space<semaphore_mem>>) {add = true}
    %dma_start3A_27 = arith.constant 1 : i32
    %dma_start3A_28 = arith.constant 0 : i32
    %dma_start3A_29 = tpu.memref_slice %arg6[%dma_start3A_27, %dma_start3A_28] : memref<250x80xi32, #tpu.memory_space<vmem>> -> memref<1x80xi32, #tpu.memory_space<vmem>>
    %dma_start3A_30 = tpu.memref_squeeze %dma_start3A_29 : memref<1x80xi32, #tpu.memory_space<vmem>> -> memref<80xi32, #tpu.memory_space<vmem>>
    %dma_start3A_31 = arith.constant 0 : i32
    %dma_start3A_32 = arith.constant 0 : i32
    %dma_start3A_33 = tpu.memref_slice %arg10[%dma_start3A_31, %dma_start3A_32] : memref<10000x32xf32, #tpu.memory_space<vmem_shared>> -> memref<10000x32xf32, #tpu.memory_space<vmem_shared>>
    tpu.enqueue_indirect_dma source(%dma_start3A_33 : memref<10000x32xf32, #tpu.memory_space<vmem_shared>>) target(%arg9 : memref<80x32xf32, #tpu.memory_space<vmem>>) offsets(%dma_start3A_30 : memref<80xi32, #tpu.memory_space<vmem>>) semaphore(%arg13 : memref<!tpu.dma_semaphore, #tpu.memory_space<semaphore_mem>>)
    %dma_wait3A_34 = arith.constant 1 : i32
    %dma_wait3A_35 = arith.constant 0 : i32
    %dma_wait3A_36 = tpu.memref_slice %arg6[%dma_wait3A_34, %dma_wait3A_35] : memref<250x80xi32, #tpu.memory_space<vmem>> -> memref<1x80xi32, #tpu.memory_space<vmem>>
    %dma_wait3A_37 = tpu.memref_squeeze %dma_wait3A_36 : memref<1x80xi32, #tpu.memory_space<vmem>> -> memref<80xi32, #tpu.memory_space<vmem>>
    %dma_wait3A_38 = arith.constant 0 : i32
    %dma_wait3A_39 = arith.constant 0 : i32
    %dma_wait3A_40 = tpu.memref_slice %arg10[%dma_wait3A_38, %dma_wait3A_39] : memref<10000x32xf32, #tpu.memory_space<vmem_shared>> -> memref<10000x32xf32, #tpu.memory_space<vmem_shared>>
    tpu.wait_indirect_dma semaphore(%arg13 : memref<!tpu.dma_semaphore, #tpu.memory_space<semaphore_mem>>) src(%dma_wait3A_40 : memref<10000x32xf32, #tpu.memory_space<vmem_shared>>) dst(%arg9 : memref<80x32xf32, #tpu.memory_space<vmem>>)
    %dma_start3A_41 = arith.constant 1 : i32
    %dma_start3A_42 = arith.constant 0 : i32
    %dma_start3A_43 = tpu.memref_slice %arg7[%dma_start3A_41, %dma_start3A_42] : memref<250x80xi32, #tpu.memory_space<vmem>> -> memref<1x80xi32, #tpu.memory_space<vmem>>
    %dma_start3A_44 = tpu.memref_squeeze %dma_start3A_43 : memref<1x80xi32, #tpu.memory_space<vmem>> -> memref<80xi32, #tpu.memory_space<vmem>>
    %dma_start3A_45 = arith.constant 0 : i32
    %dma_start3A_46 = arith.constant 0 : i32
    %dma_start3A_47 = tpu.memref_slice %arg11[%dma_start3A_45, %dma_start3A_46] : memref<10016x32xf32, #tpu.memory_space<vmem_shared>> -> memref<10016x32xf32, #tpu.memory_space<vmem_shared>>
    tpu.enqueue_indirect_dma source(%arg9 : memref<80x32xf32, #tpu.memory_space<vmem>>) target(%dma_start3A_47 : memref<10016x32xf32, #tpu.memory_space<vmem_shared>>) offsets(%dma_start3A_44 : memref<80xi32, #tpu.memory_space<vmem>>) semaphore(%arg15 : memref<!tpu.dma_semaphore, #tpu.memory_space<semaphore_mem>>) {add = true}
    %dma_wait3A_48 = arith.constant 0 : i32
    %dma_wait3A_49 = arith.constant 0 : i32
    %dma_wait3A_50 = tpu.memref_slice %arg7[%dma_wait3A_48, %dma_wait3A_49] : memref<250x80xi32, #tpu.memory_space<vmem>> -> memref<1x80xi32, #tpu.memory_space<vmem>>
    %dma_wait3A_51 = tpu.memref_squeeze %dma_wait3A_50 : memref<1x80xi32, #tpu.memory_space<vmem>> -> memref<80xi32, #tpu.memory_space<vmem>>
    %dma_wait3A_52 = arith.constant 0 : i32
    %dma_wait3A_53 = arith.constant 0 : i32
    %dma_wait3A_54 = tpu.memref_slice %arg11[%dma_wait3A_52, %dma_wait3A_53] : memref<10016x32xf32, #tpu.memory_space<vmem_shared>> -> memref<10016x32xf32, #tpu.memory_space<vmem_shared>>
    tpu.wait_indirect_dma semaphore(%arg14 : memref<!tpu.dma_semaphore, #tpu.memory_space<semaphore_mem>>) src(%arg8 : memref<80x32xf32, #tpu.memory_space<vmem>>) dst(%dma_wait3A_54 : memref<10016x32xf32, #tpu.memory_space<vmem_shared>>)
    %dma_start3A_55 = arith.constant 2 : i32
    %dma_start3A_56 = arith.constant 0 : i32
    %dma_start3A_57 = tpu.memref_slice %arg6[%dma_start3A_55, %dma_start3A_56] : memref<250x80xi32, #tpu.memory_space<vmem>> -> memref<1x80xi32, #tpu.memory_space<vmem>>
    %dma_start3A_58 = tpu.memref_squeeze %dma_start3A_57 : memref<1x80xi32, #tpu.memory_space<vmem>> -> memref<80xi32, #tpu.memory_space<vmem>>
    %dma_start3A_59 = arith.constant 0 : i32
    %dma_start3A_60 = arith.constant 0 : i32
    %dma_start3A_61 = tpu.memref_slice %arg10[%dma_start3A_59, %dma_start3A_60] : memref<10000x32xf32, #tpu.memory_space<vmem_shared>> -> memref<10000x32xf32, #tpu.memory_space<vmem_shared>>
    tpu.enqueue_indirect_dma source(%dma_start3A_61 : memref<10000x32xf32, #tpu.memory_space<vmem_shared>>) target(%arg8 : memref<80x32xf32, #tpu.memory_space<vmem>>) offsets(%dma_start3A_58 : memref<80xi32, #tpu.memory_space<vmem>>) semaphore(%arg12 : memref<!tpu.dma_semaphore, #tpu.memory_space<semaphore_mem>>)
    %scan3A = arith.constant 0 : i32
    %scan3A_62 = arith.constant 123 : i32
    %scan3A_63 = arith.addi %scan3A, %scan3A_62 : i32
    %scan3A_64 = arith.constant 1 : i32
    scf.for %scan3A_129 = %scan3A to %scan3A_63 step %scan3A_64  : i32 {
      %mul3A_130 = arith.constant 2 : i32
      %mul3A_131 = arith.muli %scan3A_129, %mul3A_130 : i32
      %add3A = arith.constant 2 : i32
      %add3A_132 = arith.addi %add3A, %mul3A_131 : i32
      %add3A_133 = arith.constant 0 : i32
      %add3A_134 = arith.addi %add3A_132, %add3A_133 : i32
      %dma_wait3A_135 = arith.constant 0 : i32
      %dma_wait3A_136 = tpu.memref_slice %arg6[%add3A_134, %dma_wait3A_135] : memref<250x80xi32, #tpu.memory_space<vmem>> -> memref<1x80xi32, #tpu.memory_space<vmem>>
      %dma_wait3A_137 = tpu.memref_squeeze %dma_wait3A_136 : memref<1x80xi32, #tpu.memory_space<vmem>> -> memref<80xi32, #tpu.memory_space<vmem>>
      %dma_wait3A_138 = arith.constant 0 : i32
      %dma_wait3A_139 = arith.constant 0 : i32
      %dma_wait3A_140 = tpu.memref_slice %arg10[%dma_wait3A_138, %dma_wait3A_139] : memref<10000x32xf32, #tpu.memory_space<vmem_shared>> -> memref<10000x32xf32, #tpu.memory_space<vmem_shared>>
      tpu.wait_indirect_dma semaphore(%arg12 : memref<!tpu.dma_semaphore, #tpu.memory_space<semaphore_mem>>) src(%dma_wait3A_140 : memref<10000x32xf32, #tpu.memory_space<vmem_shared>>) dst(%arg8 : memref<80x32xf32, #tpu.memory_space<vmem>>)
      %dma_start3A_141 = arith.constant 0 : i32
      %dma_start3A_142 = tpu.memref_slice %arg7[%add3A_134, %dma_start3A_141] : memref<250x80xi32, #tpu.memory_space<vmem>> -> memref<1x80xi32, #tpu.memory_space<vmem>>
      %dma_start3A_143 = tpu.memref_squeeze %dma_start3A_142 : memref<1x80xi32, #tpu.memory_space<vmem>> -> memref<80xi32, #tpu.memory_space<vmem>>
      %dma_start3A_144 = arith.constant 0 : i32
      %dma_start3A_145 = arith.constant 0 : i32
      %dma_start3A_146 = tpu.memref_slice %arg11[%dma_start3A_144, %dma_start3A_145] : memref<10016x32xf32, #tpu.memory_space<vmem_shared>> -> memref<10016x32xf32, #tpu.memory_space<vmem_shared>>
      tpu.enqueue_indirect_dma source(%arg8 : memref<80x32xf32, #tpu.memory_space<vmem>>) target(%dma_start3A_146 : memref<10016x32xf32, #tpu.memory_space<vmem_shared>>) offsets(%dma_start3A_143 : memref<80xi32, #tpu.memory_space<vmem>>) semaphore(%arg14 : memref<!tpu.dma_semaphore, #tpu.memory_space<semaphore_mem>>) {add = true}
      %sub3A = arith.constant 1 : i32
      %sub3A_147 = arith.subi %add3A_134, %sub3A : i32
      %dma_wait3A_148 = arith.constant 0 : i32
      %dma_wait3A_149 = tpu.memref_slice %arg7[%sub3A_147, %dma_wait3A_148] : memref<250x80xi32, #tpu.memory_space<vmem>> -> memref<1x80xi32, #tpu.memory_space<vmem>>
      %dma_wait3A_150 = tpu.memref_squeeze %dma_wait3A_149 : memref<1x80xi32, #tpu.memory_space<vmem>> -> memref<80xi32, #tpu.memory_space<vmem>>
      %dma_wait3A_151 = arith.constant 0 : i32
      %dma_wait3A_152 = arith.constant 0 : i32
      %dma_wait3A_153 = tpu.memref_slice %arg11[%dma_wait3A_151, %dma_wait3A_152] : memref<10016x32xf32, #tpu.memory_space<vmem_shared>> -> memref<10016x32xf32, #tpu.memory_space<vmem_shared>>
      tpu.wait_indirect_dma semaphore(%arg15 : memref<!tpu.dma_semaphore, #tpu.memory_space<semaphore_mem>>) src(%arg9 : memref<80x32xf32, #tpu.memory_space<vmem>>) dst(%dma_wait3A_153 : memref<10016x32xf32, #tpu.memory_space<vmem_shared>>)
      %add3A_154 = arith.constant 1 : i32
      %add3A_155 = arith.addi %add3A_134, %add3A_154 : i32
      %dma_start3A_156 = arith.constant 0 : i32
      %dma_start3A_157 = tpu.memref_slice %arg6[%add3A_155, %dma_start3A_156] : memref<250x80xi32, #tpu.memory_space<vmem>> -> memref<1x80xi32, #tpu.memory_space<vmem>>
      %dma_start3A_158 = tpu.memref_squeeze %dma_start3A_157 : memref<1x80xi32, #tpu.memory_space<vmem>> -> memref<80xi32, #tpu.memory_space<vmem>>
      %dma_start3A_159 = arith.constant 0 : i32
      %dma_start3A_160 = arith.constant 0 : i32
      %dma_start3A_161 = tpu.memref_slice %arg10[%dma_start3A_159, %dma_start3A_160] : memref<10000x32xf32, #tpu.memory_space<vmem_shared>> -> memref<10000x32xf32, #tpu.memory_space<vmem_shared>>
      tpu.enqueue_indirect_dma source(%dma_start3A_161 : memref<10000x32xf32, #tpu.memory_space<vmem_shared>>) target(%arg9 : memref<80x32xf32, #tpu.memory_space<vmem>>) offsets(%dma_start3A_158 : memref<80xi32, #tpu.memory_space<vmem>>) semaphore(%arg13 : memref<!tpu.dma_semaphore, #tpu.memory_space<semaphore_mem>>)
      %add3A_162 = arith.constant 1 : i32
      %add3A_163 = arith.addi %add3A_132, %add3A_162 : i32
      %dma_wait3A_164 = arith.constant 0 : i32
      %dma_wait3A_165 = tpu.memref_slice %arg6[%add3A_163, %dma_wait3A_164] : memref<250x80xi32, #tpu.memory_space<vmem>> -> memref<1x80xi32, #tpu.memory_space<vmem>>
      %dma_wait3A_166 = tpu.memref_squeeze %dma_wait3A_165 : memref<1x80xi32, #tpu.memory_space<vmem>> -> memref<80xi32, #tpu.memory_space<vmem>>
      %dma_wait3A_167 = arith.constant 0 : i32
      %dma_wait3A_168 = arith.constant 0 : i32
      %dma_wait3A_169 = tpu.memref_slice %arg10[%dma_wait3A_167, %dma_wait3A_168] : memref<10000x32xf32, #tpu.memory_space<vmem_shared>> -> memref<10000x32xf32, #tpu.memory_space<vmem_shared>>
      tpu.wait_indirect_dma semaphore(%arg13 : memref<!tpu.dma_semaphore, #tpu.memory_space<semaphore_mem>>) src(%dma_wait3A_169 : memref<10000x32xf32, #tpu.memory_space<vmem_shared>>) dst(%arg9 : memref<80x32xf32, #tpu.memory_space<vmem>>)
      %dma_start3A_170 = arith.constant 0 : i32
      %dma_start3A_171 = tpu.memref_slice %arg7[%add3A_163, %dma_start3A_170] : memref<250x80xi32, #tpu.memory_space<vmem>> -> memref<1x80xi32, #tpu.memory_space<vmem>>
      %dma_start3A_172 = tpu.memref_squeeze %dma_start3A_171 : memref<1x80xi32, #tpu.memory_space<vmem>> -> memref<80xi32, #tpu.memory_space<vmem>>
      %dma_start3A_173 = arith.constant 0 : i32
      %dma_start3A_174 = arith.constant 0 : i32
      %dma_start3A_175 = tpu.memref_slice %arg11[%dma_start3A_173, %dma_start3A_174] : memref<10016x32xf32, #tpu.memory_space<vmem_shared>> -> memref<10016x32xf32, #tpu.memory_space<vmem_shared>>
      tpu.enqueue_indirect_dma source(%arg9 : memref<80x32xf32, #tpu.memory_space<vmem>>) target(%dma_start3A_175 : memref<10016x32xf32, #tpu.memory_space<vmem_shared>>) offsets(%dma_start3A_172 : memref<80xi32, #tpu.memory_space<vmem>>) semaphore(%arg15 : memref<!tpu.dma_semaphore, #tpu.memory_space<semaphore_mem>>) {add = true}
      %sub3A_176 = arith.constant 1 : i32
      %sub3A_177 = arith.subi %add3A_163, %sub3A_176 : i32
      %dma_wait3A_178 = arith.constant 0 : i32
      %dma_wait3A_179 = tpu.memref_slice %arg7[%sub3A_177, %dma_wait3A_178] : memref<250x80xi32, #tpu.memory_space<vmem>> -> memref<1x80xi32, #tpu.memory_space<vmem>>
      %dma_wait3A_180 = tpu.memref_squeeze %dma_wait3A_179 : memref<1x80xi32, #tpu.memory_space<vmem>> -> memref<80xi32, #tpu.memory_space<vmem>>
      %dma_wait3A_181 = arith.constant 0 : i32
      %dma_wait3A_182 = arith.constant 0 : i32
      %dma_wait3A_183 = tpu.memref_slice %arg11[%dma_wait3A_181, %dma_wait3A_182] : memref<10016x32xf32, #tpu.memory_space<vmem_shared>> -> memref<10016x32xf32, #tpu.memory_space<vmem_shared>>
      tpu.wait_indirect_dma semaphore(%arg14 : memref<!tpu.dma_semaphore, #tpu.memory_space<semaphore_mem>>) src(%arg8 : memref<80x32xf32, #tpu.memory_space<vmem>>) dst(%dma_wait3A_183 : memref<10016x32xf32, #tpu.memory_space<vmem_shared>>)
      %add3A_184 = arith.constant 1 : i32
      %add3A_185 = arith.addi %add3A_163, %add3A_184 : i32
      %dma_start3A_186 = arith.constant 0 : i32
      %dma_start3A_187 = tpu.memref_slice %arg6[%add3A_185, %dma_start3A_186] : memref<250x80xi32, #tpu.memory_space<vmem>> -> memref<1x80xi32, #tpu.memory_space<vmem>>
      %dma_start3A_188 = tpu.memref_squeeze %dma_start3A_187 : memref<1x80xi32, #tpu.memory_space<vmem>> -> memref<80xi32, #tpu.memory_space<vmem>>
      %dma_start3A_189 = arith.constant 0 : i32
      %dma_start3A_190 = arith.constant 0 : i32
      %dma_start3A_191 = tpu.memref_slice %arg10[%dma_start3A_189, %dma_start3A_190] : memref<10000x32xf32, #tpu.memory_space<vmem_shared>> -> memref<10000x32xf32, #tpu.memory_space<vmem_shared>>
      tpu.enqueue_indirect_dma source(%dma_start3A_191 : memref<10000x32xf32, #tpu.memory_space<vmem_shared>>) target(%arg8 : memref<80x32xf32, #tpu.memory_space<vmem>>) offsets(%dma_start3A_188 : memref<80xi32, #tpu.memory_space<vmem>>) semaphore(%arg12 : memref<!tpu.dma_semaphore, #tpu.memory_space<semaphore_mem>>)
    }
    %scan3A_65 = arith.constant 123 : i32
    %dma_wait3A_66 = arith.constant 248 : i32
    %dma_wait3A_67 = arith.constant 0 : i32
    %dma_wait3A_68 = tpu.memref_slice %arg6[%dma_wait3A_66, %dma_wait3A_67] : memref<250x80xi32, #tpu.memory_space<vmem>> -> memref<1x80xi32, #tpu.memory_space<vmem>>
    %dma_wait3A_69 = tpu.memref_squeeze %dma_wait3A_68 : memref<1x80xi32, #tpu.memory_space<vmem>> -> memref<80xi32, #tpu.memory_space<vmem>>
    %dma_wait3A_70 = arith.constant 0 : i32
    %dma_wait3A_71 = arith.constant 0 : i32
    %dma_wait3A_72 = tpu.memref_slice %arg10[%dma_wait3A_70, %dma_wait3A_71] : memref<10000x32xf32, #tpu.memory_space<vmem_shared>> -> memref<10000x32xf32, #tpu.memory_space<vmem_shared>>
    tpu.wait_indirect_dma semaphore(%arg12 : memref<!tpu.dma_semaphore, #tpu.memory_space<semaphore_mem>>) src(%dma_wait3A_72 : memref<10000x32xf32, #tpu.memory_space<vmem_shared>>) dst(%arg8 : memref<80x32xf32, #tpu.memory_space<vmem>>)
    %dma_start3A_73 = arith.constant 248 : i32
    %dma_start3A_74 = arith.constant 0 : i32
    %dma_start3A_75 = tpu.memref_slice %arg7[%dma_start3A_73, %dma_start3A_74] : memref<250x80xi32, #tpu.memory_space<vmem>> -> memref<1x80xi32, #tpu.memory_space<vmem>>
    %dma_start3A_76 = tpu.memref_squeeze %dma_start3A_75 : memref<1x80xi32, #tpu.memory_space<vmem>> -> memref<80xi32, #tpu.memory_space<vmem>>
    %dma_start3A_77 = arith.constant 0 : i32
    %dma_start3A_78 = arith.constant 0 : i32
    %dma_start3A_79 = tpu.memref_slice %arg11[%dma_start3A_77, %dma_start3A_78] : memref<10016x32xf32, #tpu.memory_space<vmem_shared>> -> memref<10016x32xf32, #tpu.memory_space<vmem_shared>>
    tpu.enqueue_indirect_dma source(%arg8 : memref<80x32xf32, #tpu.memory_space<vmem>>) target(%dma_start3A_79 : memref<10016x32xf32, #tpu.memory_space<vmem_shared>>) offsets(%dma_start3A_76 : memref<80xi32, #tpu.memory_space<vmem>>) semaphore(%arg14 : memref<!tpu.dma_semaphore, #tpu.memory_space<semaphore_mem>>) {add = true}
    %dma_wait3A_80 = arith.constant 247 : i32
    %dma_wait3A_81 = arith.constant 0 : i32
    %dma_wait3A_82 = tpu.memref_slice %arg7[%dma_wait3A_80, %dma_wait3A_81] : memref<250x80xi32, #tpu.memory_space<vmem>> -> memref<1x80xi32, #tpu.memory_space<vmem>>
    %dma_wait3A_83 = tpu.memref_squeeze %dma_wait3A_82 : memref<1x80xi32, #tpu.memory_space<vmem>> -> memref<80xi32, #tpu.memory_space<vmem>>
    %dma_wait3A_84 = arith.constant 0 : i32
    %dma_wait3A_85 = arith.constant 0 : i32
    %dma_wait3A_86 = tpu.memref_slice %arg11[%dma_wait3A_84, %dma_wait3A_85] : memref<10016x32xf32, #tpu.memory_space<vmem_shared>> -> memref<10016x32xf32, #tpu.memory_space<vmem_shared>>
    tpu.wait_indirect_dma semaphore(%arg15 : memref<!tpu.dma_semaphore, #tpu.memory_space<semaphore_mem>>) src(%arg9 : memref<80x32xf32, #tpu.memory_space<vmem>>) dst(%dma_wait3A_86 : memref<10016x32xf32, #tpu.memory_space<vmem_shared>>)
    %dma_start3A_87 = arith.constant 249 : i32
    %dma_start3A_88 = arith.constant 0 : i32
    %dma_start3A_89 = tpu.memref_slice %arg6[%dma_start3A_87, %dma_start3A_88] : memref<250x80xi32, #tpu.memory_space<vmem>> -> memref<1x80xi32, #tpu.memory_space<vmem>>
    %dma_start3A_90 = tpu.memref_squeeze %dma_start3A_89 : memref<1x80xi32, #tpu.memory_space<vmem>> -> memref<80xi32, #tpu.memory_space<vmem>>
    %dma_start3A_91 = arith.constant 0 : i32
    %dma_start3A_92 = arith.constant 0 : i32
    %dma_start3A_93 = tpu.memref_slice %arg10[%dma_start3A_91, %dma_start3A_92] : memref<10000x32xf32, #tpu.memory_space<vmem_shared>> -> memref<10000x32xf32, #tpu.memory_space<vmem_shared>>
    tpu.enqueue_indirect_dma source(%dma_start3A_93 : memref<10000x32xf32, #tpu.memory_space<vmem_shared>>) target(%arg9 : memref<80x32xf32, #tpu.memory_space<vmem>>) offsets(%dma_start3A_90 : memref<80xi32, #tpu.memory_space<vmem>>) semaphore(%arg13 : memref<!tpu.dma_semaphore, #tpu.memory_space<semaphore_mem>>)
    %dma_wait3A_94 = arith.constant 249 : i32
    %dma_wait3A_95 = arith.constant 0 : i32
    %dma_wait3A_96 = tpu.memref_slice %arg6[%dma_wait3A_94, %dma_wait3A_95] : memref<250x80xi32, #tpu.memory_space<vmem>> -> memref<1x80xi32, #tpu.memory_space<vmem>>
    %dma_wait3A_97 = tpu.memref_squeeze %dma_wait3A_96 : memref<1x80xi32, #tpu.memory_space<vmem>> -> memref<80xi32, #tpu.memory_space<vmem>>
    %dma_wait3A_98 = arith.constant 0 : i32
    %dma_wait3A_99 = arith.constant 0 : i32
    %dma_wait3A_100 = tpu.memref_slice %arg10[%dma_wait3A_98, %dma_wait3A_99] : memref<10000x32xf32, #tpu.memory_space<vmem_shared>> -> memref<10000x32xf32, #tpu.memory_space<vmem_shared>>
    tpu.wait_indirect_dma semaphore(%arg13 : memref<!tpu.dma_semaphore, #tpu.memory_space<semaphore_mem>>) src(%dma_wait3A_100 : memref<10000x32xf32, #tpu.memory_space<vmem_shared>>) dst(%arg9 : memref<80x32xf32, #tpu.memory_space<vmem>>)
    %dma_start3A_101 = arith.constant 249 : i32
    %dma_start3A_102 = arith.constant 0 : i32
    %dma_start3A_103 = tpu.memref_slice %arg7[%dma_start3A_101, %dma_start3A_102] : memref<250x80xi32, #tpu.memory_space<vmem>> -> memref<1x80xi32, #tpu.memory_space<vmem>>
    %dma_start3A_104 = tpu.memref_squeeze %dma_start3A_103 : memref<1x80xi32, #tpu.memory_space<vmem>> -> memref<80xi32, #tpu.memory_space<vmem>>
    %dma_start3A_105 = arith.constant 0 : i32
    %dma_start3A_106 = arith.constant 0 : i32
    %dma_start3A_107 = tpu.memref_slice %arg11[%dma_start3A_105, %dma_start3A_106] : memref<10016x32xf32, #tpu.memory_space<vmem_shared>> -> memref<10016x32xf32, #tpu.memory_space<vmem_shared>>
    tpu.enqueue_indirect_dma source(%arg9 : memref<80x32xf32, #tpu.memory_space<vmem>>) target(%dma_start3A_107 : memref<10016x32xf32, #tpu.memory_space<vmem_shared>>) offsets(%dma_start3A_104 : memref<80xi32, #tpu.memory_space<vmem>>) semaphore(%arg15 : memref<!tpu.dma_semaphore, #tpu.memory_space<semaphore_mem>>) {add = true}
    %dma_wait3A_108 = arith.constant 248 : i32
    %dma_wait3A_109 = arith.constant 0 : i32
    %dma_wait3A_110 = tpu.memref_slice %arg7[%dma_wait3A_108, %dma_wait3A_109] : memref<250x80xi32, #tpu.memory_space<vmem>> -> memref<1x80xi32, #tpu.memory_space<vmem>>
    %dma_wait3A_111 = tpu.memref_squeeze %dma_wait3A_110 : memref<1x80xi32, #tpu.memory_space<vmem>> -> memref<80xi32, #tpu.memory_space<vmem>>
    %dma_wait3A_112 = arith.constant 0 : i32
    %dma_wait3A_113 = arith.constant 0 : i32
    %dma_wait3A_114 = tpu.memref_slice %arg11[%dma_wait3A_112, %dma_wait3A_113] : memref<10016x32xf32, #tpu.memory_space<vmem_shared>> -> memref<10016x32xf32, #tpu.memory_space<vmem_shared>>
    tpu.wait_indirect_dma semaphore(%arg14 : memref<!tpu.dma_semaphore, #tpu.memory_space<semaphore_mem>>) src(%arg8 : memref<80x32xf32, #tpu.memory_space<vmem>>) dst(%dma_wait3A_114 : memref<10016x32xf32, #tpu.memory_space<vmem_shared>>)
    %dma_wait3A_115 = arith.constant 249 : i32
    %dma_wait3A_116 = arith.constant 0 : i32
    %dma_wait3A_117 = tpu.memref_slice %arg7[%dma_wait3A_115, %dma_wait3A_116] : memref<250x80xi32, #tpu.memory_space<vmem>> -> memref<1x80xi32, #tpu.memory_space<vmem>>
    %dma_wait3A_118 = tpu.memref_squeeze %dma_wait3A_117 : memref<1x80xi32, #tpu.memory_space<vmem>> -> memref<80xi32, #tpu.memory_space<vmem>>
    %dma_wait3A_119 = arith.constant 0 : i32
    %dma_wait3A_120 = arith.constant 0 : i32
    %dma_wait3A_121 = tpu.memref_slice %arg11[%dma_wait3A_119, %dma_wait3A_120] : memref<10016x32xf32, #tpu.memory_space<vmem_shared>> -> memref<10016x32xf32, #tpu.memory_space<vmem_shared>>
    tpu.wait_indirect_dma semaphore(%arg15 : memref<!tpu.dma_semaphore, #tpu.memory_space<semaphore_mem>>) src(%arg9 : memref<80x32xf32, #tpu.memory_space<vmem>>) dst(%dma_wait3A_121 : memref<10016x32xf32, #tpu.memory_space<vmem_shared>>)
    %barrier3A_122 = arith.constant 0 : index
    tpu.barrier barrier_id(%barrier3A_122)
    %mul3A_123 = arith.constant 626 : i32
    %mul3A_124 = arith.muli %arg1, %mul3A_123 : i32
    %mul3A_125 = arith.constant 626 : i32
    %mul3A_126 = arith.muli %arg1, %mul3A_125 : i32
    %mul3A_127 = arith.constant 32 : i32
    %mul3A_128 = arith.muli %arg0, %mul3A_127 : i32
    "tpu.region"() ({
      %run_scoped3A_129 = tpu.sem_alloc : memref<!tpu.dma_semaphore, #tpu.memory_space<semaphore_mem>>
      %dma_start3A_130 = tpu.memref_slice %arg5[%mul3A_126, %mul3A_128] : memref<10016x128xf32, #tpu.memory_space<hbm>> -> memref<626x32xf32, #tpu.memory_space<hbm>>
      %dma_start3A_131 = arith.constant 0 : i32
      %dma_start3A_132 = tpu.memref_slice %arg11[%mul3A_124, %dma_start3A_131] : memref<10016x32xf32, #tpu.memory_space<vmem_shared>> -> memref<626x32xf32, #tpu.memory_space<vmem_shared>>
      tpu.enqueue_dma source(%dma_start3A_132 : memref<626x32xf32, #tpu.memory_space<vmem_shared>>) target(%dma_start3A_130 : memref<626x32xf32, #tpu.memory_space<hbm>>) target_semaphore(%run_scoped3A_129 : memref<!tpu.dma_semaphore, #tpu.memory_space<semaphore_mem>>)
      %dma_wait3A_133 = tpu.memref_slice %arg5[%mul3A_126, %mul3A_128] : memref<10016x128xf32, #tpu.memory_space<hbm>> -> memref<626x32xf32, #tpu.memory_space<hbm>>
      %dma_wait3A_134 = arith.constant 0 : i32
      %dma_wait3A_135 = tpu.memref_slice %arg11[%mul3A_124, %dma_wait3A_134] : memref<10016x32xf32, #tpu.memory_space<vmem_shared>> -> memref<626x32xf32, #tpu.memory_space<vmem_shared>>
      tpu.wait_dma2 semaphore(%run_scoped3A_129 : memref<!tpu.dma_semaphore, #tpu.memory_space<semaphore_mem>>) src(%dma_wait3A_135 : memref<626x32xf32, #tpu.memory_space<vmem_shared>>) dst(%dma_wait3A_133 : memref<626x32xf32, #tpu.memory_space<hbm>>)
      tpu.yield
    }) : () -> ()
    return
  }
}

#map = affine_map<(d0, d1) -> (0, 0)>
#map1 = affine_map<(d0, d1) -> (0, 0, 0, 0)>
module attributes {stable_mosaic.version = 14 : i64} {
  func.func @scatter_kernel(%arg0: i32, %arg1: i32, %arg2: memref<10000x128xf32, #tpu.memory_space<hbm>>, %arg3: memref<2x16x250x80xi32, #tpu.memory_space<hbm>>, %arg4: memref<626x128xf32, #tpu.memory_space<hbm>>, %arg5: memref<10016x128xf32, #tpu.memory_space<hbm>>, %arg6: memref<250x80xi32, #tpu.memory_space<vmem>>, %arg7: memref<250x80xi32, #tpu.memory_space<vmem>>, %arg8: memref<80x64xf32, #tpu.memory_space<vmem>>, %arg9: memref<80x64xf32, #tpu.memory_space<vmem>>, %arg10: memref<10000x64xf32, #tpu.memory_space<vmem_shared>>, %arg11: memref<10016x64xf32, #tpu.memory_space<vmem_shared>>, %arg12: memref<!tpu.dma_semaphore, #tpu.memory_space<semaphore_mem>>, %arg13: memref<!tpu.dma_semaphore, #tpu.memory_space<semaphore_mem>>, %arg14: memref<!tpu.dma_semaphore, #tpu.memory_space<semaphore_mem>>, %arg15: memref<!tpu.dma_semaphore, #tpu.memory_space<semaphore_mem>>) attributes {dimension_semantics = [#tpu.dimension_semantics<core_parallel>, #tpu.dimension_semantics<subcore_parallel>], iteration_bounds = array<i64: 2, 16>, scalar_prefetch = 0 : i64, scratch_operands = 10 : i64, tpu.core_type = #tpu.core_type<sc_vector_subcore>, window_params = [{transform_indices = #map}, {transform_indices = #map1}, {transform_indices = #map}, {transform_indices = #map}]} {
    %mul3A = arith.constant 626 : i32
    %mul3A_0 = arith.muli %arg1, %mul3A : i32
    "tpu.region"() ({
      %run_scoped3A_129 = tpu.sem_alloc : memref<!tpu.dma_semaphore, #tpu.memory_space<semaphore_mem>>
      %dma_start3A_130 = arith.constant 0 : i32
      %dma_start3A_131 = tpu.memref_slice %arg11[%mul3A_0, %dma_start3A_130] : memref<10016x64xf32, #tpu.memory_space<vmem_shared>> -> memref<626x64xf32, #tpu.memory_space<vmem_shared>>
      %dma_start3A_132 = arith.constant 0 : i32
      %dma_start3A_133 = arith.constant 0 : i32
      %dma_start3A_134 = tpu.memref_slice %arg4[%dma_start3A_132, %dma_start3A_133] : memref<626x128xf32, #tpu.memory_space<hbm>> -> memref<626x64xf32, #tpu.memory_space<hbm>>
      tpu.enqueue_dma source(%dma_start3A_134 : memref<626x64xf32, #tpu.memory_space<hbm>>) target(%dma_start3A_131 : memref<626x64xf32, #tpu.memory_space<vmem_shared>>) target_semaphore(%run_scoped3A_129 : memref<!tpu.dma_semaphore, #tpu.memory_space<semaphore_mem>>)
      %dma_wait3A_135 = arith.constant 0 : i32
      %dma_wait3A_136 = tpu.memref_slice %arg11[%mul3A_0, %dma_wait3A_135] : memref<10016x64xf32, #tpu.memory_space<vmem_shared>> -> memref<626x64xf32, #tpu.memory_space<vmem_shared>>
      %dma_wait3A_137 = arith.constant 0 : i32
      %dma_wait3A_138 = arith.constant 0 : i32
      %dma_wait3A_139 = tpu.memref_slice %arg4[%dma_wait3A_137, %dma_wait3A_138] : memref<626x128xf32, #tpu.memory_space<hbm>> -> memref<626x64xf32, #tpu.memory_space<hbm>>
      tpu.wait_dma2 semaphore(%run_scoped3A_129 : memref<!tpu.dma_semaphore, #tpu.memory_space<semaphore_mem>>) src(%dma_wait3A_139 : memref<626x64xf32, #tpu.memory_space<hbm>>) dst(%dma_wait3A_136 : memref<626x64xf32, #tpu.memory_space<vmem_shared>>)
      tpu.yield
    }) : () -> ()
    %mul3A_1 = arith.constant 625 : i32
    %mul3A_2 = arith.muli %arg1, %mul3A_1 : i32
    %mul3A_3 = arith.constant 64 : i32
    %mul3A_4 = arith.muli %arg0, %mul3A_3 : i32
    %mul3A_5 = arith.constant 625 : i32
    %mul3A_6 = arith.muli %arg1, %mul3A_5 : i32
    "tpu.region"() ({
      %run_scoped3A_129 = tpu.sem_alloc : memref<!tpu.dma_semaphore, #tpu.memory_space<semaphore_mem>>
      %dma_start3A_130 = arith.constant 0 : i32
      %dma_start3A_131 = tpu.memref_slice %arg10[%mul3A_6, %dma_start3A_130] : memref<10000x64xf32, #tpu.memory_space<vmem_shared>> -> memref<625x64xf32, #tpu.memory_space<vmem_shared>>
      %dma_start3A_132 = tpu.memref_slice %arg2[%mul3A_2, %mul3A_4] : memref<10000x128xf32, #tpu.memory_space<hbm>> -> memref<625x64xf32, #tpu.memory_space<hbm>>
      tpu.enqueue_dma source(%dma_start3A_132 : memref<625x64xf32, #tpu.memory_space<hbm>>) target(%dma_start3A_131 : memref<625x64xf32, #tpu.memory_space<vmem_shared>>) target_semaphore(%run_scoped3A_129 : memref<!tpu.dma_semaphore, #tpu.memory_space<semaphore_mem>>)
      %dma_wait3A_133 = arith.constant 0 : i32
      %dma_wait3A_134 = tpu.memref_slice %arg10[%mul3A_6, %dma_wait3A_133] : memref<10000x64xf32, #tpu.memory_space<vmem_shared>> -> memref<625x64xf32, #tpu.memory_space<vmem_shared>>
      %dma_wait3A_135 = tpu.memref_slice %arg2[%mul3A_2, %mul3A_4] : memref<10000x128xf32, #tpu.memory_space<hbm>> -> memref<625x64xf32, #tpu.memory_space<hbm>>
      tpu.wait_dma2 semaphore(%run_scoped3A_129 : memref<!tpu.dma_semaphore, #tpu.memory_space<semaphore_mem>>) src(%dma_wait3A_135 : memref<625x64xf32, #tpu.memory_space<hbm>>) dst(%dma_wait3A_134 : memref<625x64xf32, #tpu.memory_space<vmem_shared>>)
      tpu.yield
    }) : () -> ()
    %run_scoped3A = arith.constant 0 : i32
    "tpu.region"() ({
      %run_scoped3A_129 = tpu.sem_alloc : memref<!tpu.dma_semaphore, #tpu.memory_space<semaphore_mem>>
      %dma_start3A_130 = arith.constant 0 : i32
      %dma_start3A_131 = arith.constant 0 : i32
      %dma_start3A_132 = tpu.memref_slice %arg3[%run_scoped3A, %arg1, %dma_start3A_130, %dma_start3A_131] : memref<2x16x250x80xi32, #tpu.memory_space<hbm>> -> memref<1x1x250x80xi32, #tpu.memory_space<hbm>>
      %dma_start3A_133 = tpu.memref_squeeze %dma_start3A_132 : memref<1x1x250x80xi32, #tpu.memory_space<hbm>> -> memref<250x80xi32, #tpu.memory_space<hbm>>
      %dma_start3A_134 = arith.constant 0 : i32
      %dma_start3A_135 = arith.constant 0 : i32
      %dma_start3A_136 = tpu.memref_slice %arg3[%run_scoped3A, %arg1, %dma_start3A_134, %dma_start3A_135] : memref<2x16x250x80xi32, #tpu.memory_space<hbm>> -> memref<1x1x250x80xi32, #tpu.memory_space<hbm>>
      %dma_start3A_137 = tpu.memref_squeeze %dma_start3A_136 : memref<1x1x250x80xi32, #tpu.memory_space<hbm>> -> memref<250x80xi32, #tpu.memory_space<hbm>>
      tpu.enqueue_dma source(%dma_start3A_137 : memref<250x80xi32, #tpu.memory_space<hbm>>) target(%arg6 : memref<250x80xi32, #tpu.memory_space<vmem>>) target_semaphore(%run_scoped3A_129 : memref<!tpu.dma_semaphore, #tpu.memory_space<semaphore_mem>>)
      %dma_wait3A_138 = arith.constant 0 : i32
      %dma_wait3A_139 = arith.constant 0 : i32
      %dma_wait3A_140 = tpu.memref_slice %arg3[%run_scoped3A, %arg1, %dma_wait3A_138, %dma_wait3A_139] : memref<2x16x250x80xi32, #tpu.memory_space<hbm>> -> memref<1x1x250x80xi32, #tpu.memory_space<hbm>>
      %dma_wait3A_141 = tpu.memref_squeeze %dma_wait3A_140 : memref<1x1x250x80xi32, #tpu.memory_space<hbm>> -> memref<250x80xi32, #tpu.memory_space<hbm>>
      %dma_wait3A_142 = arith.constant 0 : i32
      %dma_wait3A_143 = arith.constant 0 : i32
      %dma_wait3A_144 = tpu.memref_slice %arg3[%run_scoped3A, %arg1, %dma_wait3A_142, %dma_wait3A_143] : memref<2x16x250x80xi32, #tpu.memory_space<hbm>> -> memref<1x1x250x80xi32, #tpu.memory_space<hbm>>
      %dma_wait3A_145 = tpu.memref_squeeze %dma_wait3A_144 : memref<1x1x250x80xi32, #tpu.memory_space<hbm>> -> memref<250x80xi32, #tpu.memory_space<hbm>>
      tpu.wait_dma2 semaphore(%run_scoped3A_129 : memref<!tpu.dma_semaphore, #tpu.memory_space<semaphore_mem>>) src(%dma_wait3A_145 : memref<250x80xi32, #tpu.memory_space<hbm>>) dst(%arg6 : memref<250x80xi32, #tpu.memory_space<vmem>>)
      tpu.yield
    }) : () -> ()
    %run_scoped3A_7 = arith.constant 1 : i32
    "tpu.region"() ({
      %run_scoped3A_129 = tpu.sem_alloc : memref<!tpu.dma_semaphore, #tpu.memory_space<semaphore_mem>>
      %dma_start3A_130 = arith.constant 0 : i32
      %dma_start3A_131 = arith.constant 0 : i32
      %dma_start3A_132 = tpu.memref_slice %arg3[%run_scoped3A_7, %arg1, %dma_start3A_130, %dma_start3A_131] : memref<2x16x250x80xi32, #tpu.memory_space<hbm>> -> memref<1x1x250x80xi32, #tpu.memory_space<hbm>>
      %dma_start3A_133 = tpu.memref_squeeze %dma_start3A_132 : memref<1x1x250x80xi32, #tpu.memory_space<hbm>> -> memref<250x80xi32, #tpu.memory_space<hbm>>
      %dma_start3A_134 = arith.constant 0 : i32
      %dma_start3A_135 = arith.constant 0 : i32
      %dma_start3A_136 = tpu.memref_slice %arg3[%run_scoped3A_7, %arg1, %dma_start3A_134, %dma_start3A_135] : memref<2x16x250x80xi32, #tpu.memory_space<hbm>> -> memref<1x1x250x80xi32, #tpu.memory_space<hbm>>
      %dma_start3A_137 = tpu.memref_squeeze %dma_start3A_136 : memref<1x1x250x80xi32, #tpu.memory_space<hbm>> -> memref<250x80xi32, #tpu.memory_space<hbm>>
      tpu.enqueue_dma source(%dma_start3A_137 : memref<250x80xi32, #tpu.memory_space<hbm>>) target(%arg7 : memref<250x80xi32, #tpu.memory_space<vmem>>) target_semaphore(%run_scoped3A_129 : memref<!tpu.dma_semaphore, #tpu.memory_space<semaphore_mem>>)
      %dma_wait3A_138 = arith.constant 0 : i32
      %dma_wait3A_139 = arith.constant 0 : i32
      %dma_wait3A_140 = tpu.memref_slice %arg3[%run_scoped3A_7, %arg1, %dma_wait3A_138, %dma_wait3A_139] : memref<2x16x250x80xi32, #tpu.memory_space<hbm>> -> memref<1x1x250x80xi32, #tpu.memory_space<hbm>>
      %dma_wait3A_141 = tpu.memref_squeeze %dma_wait3A_140 : memref<1x1x250x80xi32, #tpu.memory_space<hbm>> -> memref<250x80xi32, #tpu.memory_space<hbm>>
      %dma_wait3A_142 = arith.constant 0 : i32
      %dma_wait3A_143 = arith.constant 0 : i32
      %dma_wait3A_144 = tpu.memref_slice %arg3[%run_scoped3A_7, %arg1, %dma_wait3A_142, %dma_wait3A_143] : memref<2x16x250x80xi32, #tpu.memory_space<hbm>> -> memref<1x1x250x80xi32, #tpu.memory_space<hbm>>
      %dma_wait3A_145 = tpu.memref_squeeze %dma_wait3A_144 : memref<1x1x250x80xi32, #tpu.memory_space<hbm>> -> memref<250x80xi32, #tpu.memory_space<hbm>>
      tpu.wait_dma2 semaphore(%run_scoped3A_129 : memref<!tpu.dma_semaphore, #tpu.memory_space<semaphore_mem>>) src(%dma_wait3A_145 : memref<250x80xi32, #tpu.memory_space<hbm>>) dst(%arg7 : memref<250x80xi32, #tpu.memory_space<vmem>>)
      tpu.yield
    }) : () -> ()
    %barrier3A = arith.constant 0 : index
    tpu.barrier barrier_id(%barrier3A)
    %dma_start3A = arith.constant 0 : i32
    %dma_start3A_8 = arith.constant 0 : i32
    %dma_start3A_9 = tpu.memref_slice %arg6[%dma_start3A, %dma_start3A_8] : memref<250x80xi32, #tpu.memory_space<vmem>> -> memref<1x80xi32, #tpu.memory_space<vmem>>
    %dma_start3A_10 = tpu.memref_squeeze %dma_start3A_9 : memref<1x80xi32, #tpu.memory_space<vmem>> -> memref<80xi32, #tpu.memory_space<vmem>>
    %dma_start3A_11 = arith.constant 0 : i32
    %dma_start3A_12 = arith.constant 0 : i32
    %dma_start3A_13 = tpu.memref_slice %arg10[%dma_start3A_11, %dma_start3A_12] : memref<10000x64xf32, #tpu.memory_space<vmem_shared>> -> memref<10000x64xf32, #tpu.memory_space<vmem_shared>>
    tpu.enqueue_indirect_dma source(%dma_start3A_13 : memref<10000x64xf32, #tpu.memory_space<vmem_shared>>) target(%arg8 : memref<80x64xf32, #tpu.memory_space<vmem>>) offsets(%dma_start3A_10 : memref<80xi32, #tpu.memory_space<vmem>>) semaphore(%arg12 : memref<!tpu.dma_semaphore, #tpu.memory_space<semaphore_mem>>)
    %dma_wait3A = arith.constant 0 : i32
    %dma_wait3A_14 = arith.constant 0 : i32
    %dma_wait3A_15 = tpu.memref_slice %arg6[%dma_wait3A, %dma_wait3A_14] : memref<250x80xi32, #tpu.memory_space<vmem>> -> memref<1x80xi32, #tpu.memory_space<vmem>>
    %dma_wait3A_16 = tpu.memref_squeeze %dma_wait3A_15 : memref<1x80xi32, #tpu.memory_space<vmem>> -> memref<80xi32, #tpu.memory_space<vmem>>
    %dma_wait3A_17 = arith.constant 0 : i32
    %dma_wait3A_18 = arith.constant 0 : i32
    %dma_wait3A_19 = tpu.memref_slice %arg10[%dma_wait3A_17, %dma_wait3A_18] : memref<10000x64xf32, #tpu.memory_space<vmem_shared>> -> memref<10000x64xf32, #tpu.memory_space<vmem_shared>>
    tpu.wait_indirect_dma semaphore(%arg12 : memref<!tpu.dma_semaphore, #tpu.memory_space<semaphore_mem>>) src(%dma_wait3A_19 : memref<10000x64xf32, #tpu.memory_space<vmem_shared>>) dst(%arg8 : memref<80x64xf32, #tpu.memory_space<vmem>>)
    %dma_start3A_20 = arith.constant 0 : i32
    %dma_start3A_21 = arith.constant 0 : i32
    %dma_start3A_22 = tpu.memref_slice %arg7[%dma_start3A_20, %dma_start3A_21] : memref<250x80xi32, #tpu.memory_space<vmem>> -> memref<1x80xi32, #tpu.memory_space<vmem>>
    %dma_start3A_23 = tpu.memref_squeeze %dma_start3A_22 : memref<1x80xi32, #tpu.memory_space<vmem>> -> memref<80xi32, #tpu.memory_space<vmem>>
    %dma_start3A_24 = arith.constant 0 : i32
    %dma_start3A_25 = arith.constant 0 : i32
    %dma_start3A_26 = tpu.memref_slice %arg11[%dma_start3A_24, %dma_start3A_25] : memref<10016x64xf32, #tpu.memory_space<vmem_shared>> -> memref<10016x64xf32, #tpu.memory_space<vmem_shared>>
    tpu.enqueue_indirect_dma source(%arg8 : memref<80x64xf32, #tpu.memory_space<vmem>>) target(%dma_start3A_26 : memref<10016x64xf32, #tpu.memory_space<vmem_shared>>) offsets(%dma_start3A_23 : memref<80xi32, #tpu.memory_space<vmem>>) semaphore(%arg14 : memref<!tpu.dma_semaphore, #tpu.memory_space<semaphore_mem>>) {add = true}
    %dma_start3A_27 = arith.constant 1 : i32
    %dma_start3A_28 = arith.constant 0 : i32
    %dma_start3A_29 = tpu.memref_slice %arg6[%dma_start3A_27, %dma_start3A_28] : memref<250x80xi32, #tpu.memory_space<vmem>> -> memref<1x80xi32, #tpu.memory_space<vmem>>
    %dma_start3A_30 = tpu.memref_squeeze %dma_start3A_29 : memref<1x80xi32, #tpu.memory_space<vmem>> -> memref<80xi32, #tpu.memory_space<vmem>>
    %dma_start3A_31 = arith.constant 0 : i32
    %dma_start3A_32 = arith.constant 0 : i32
    %dma_start3A_33 = tpu.memref_slice %arg10[%dma_start3A_31, %dma_start3A_32] : memref<10000x64xf32, #tpu.memory_space<vmem_shared>> -> memref<10000x64xf32, #tpu.memory_space<vmem_shared>>
    tpu.enqueue_indirect_dma source(%dma_start3A_33 : memref<10000x64xf32, #tpu.memory_space<vmem_shared>>) target(%arg9 : memref<80x64xf32, #tpu.memory_space<vmem>>) offsets(%dma_start3A_30 : memref<80xi32, #tpu.memory_space<vmem>>) semaphore(%arg13 : memref<!tpu.dma_semaphore, #tpu.memory_space<semaphore_mem>>)
    %dma_wait3A_34 = arith.constant 1 : i32
    %dma_wait3A_35 = arith.constant 0 : i32
    %dma_wait3A_36 = tpu.memref_slice %arg6[%dma_wait3A_34, %dma_wait3A_35] : memref<250x80xi32, #tpu.memory_space<vmem>> -> memref<1x80xi32, #tpu.memory_space<vmem>>
    %dma_wait3A_37 = tpu.memref_squeeze %dma_wait3A_36 : memref<1x80xi32, #tpu.memory_space<vmem>> -> memref<80xi32, #tpu.memory_space<vmem>>
    %dma_wait3A_38 = arith.constant 0 : i32
    %dma_wait3A_39 = arith.constant 0 : i32
    %dma_wait3A_40 = tpu.memref_slice %arg10[%dma_wait3A_38, %dma_wait3A_39] : memref<10000x64xf32, #tpu.memory_space<vmem_shared>> -> memref<10000x64xf32, #tpu.memory_space<vmem_shared>>
    tpu.wait_indirect_dma semaphore(%arg13 : memref<!tpu.dma_semaphore, #tpu.memory_space<semaphore_mem>>) src(%dma_wait3A_40 : memref<10000x64xf32, #tpu.memory_space<vmem_shared>>) dst(%arg9 : memref<80x64xf32, #tpu.memory_space<vmem>>)
    %dma_start3A_41 = arith.constant 1 : i32
    %dma_start3A_42 = arith.constant 0 : i32
    %dma_start3A_43 = tpu.memref_slice %arg7[%dma_start3A_41, %dma_start3A_42] : memref<250x80xi32, #tpu.memory_space<vmem>> -> memref<1x80xi32, #tpu.memory_space<vmem>>
    %dma_start3A_44 = tpu.memref_squeeze %dma_start3A_43 : memref<1x80xi32, #tpu.memory_space<vmem>> -> memref<80xi32, #tpu.memory_space<vmem>>
    %dma_start3A_45 = arith.constant 0 : i32
    %dma_start3A_46 = arith.constant 0 : i32
    %dma_start3A_47 = tpu.memref_slice %arg11[%dma_start3A_45, %dma_start3A_46] : memref<10016x64xf32, #tpu.memory_space<vmem_shared>> -> memref<10016x64xf32, #tpu.memory_space<vmem_shared>>
    tpu.enqueue_indirect_dma source(%arg9 : memref<80x64xf32, #tpu.memory_space<vmem>>) target(%dma_start3A_47 : memref<10016x64xf32, #tpu.memory_space<vmem_shared>>) offsets(%dma_start3A_44 : memref<80xi32, #tpu.memory_space<vmem>>) semaphore(%arg15 : memref<!tpu.dma_semaphore, #tpu.memory_space<semaphore_mem>>) {add = true}
    %dma_wait3A_48 = arith.constant 0 : i32
    %dma_wait3A_49 = arith.constant 0 : i32
    %dma_wait3A_50 = tpu.memref_slice %arg7[%dma_wait3A_48, %dma_wait3A_49] : memref<250x80xi32, #tpu.memory_space<vmem>> -> memref<1x80xi32, #tpu.memory_space<vmem>>
    %dma_wait3A_51 = tpu.memref_squeeze %dma_wait3A_50 : memref<1x80xi32, #tpu.memory_space<vmem>> -> memref<80xi32, #tpu.memory_space<vmem>>
    %dma_wait3A_52 = arith.constant 0 : i32
    %dma_wait3A_53 = arith.constant 0 : i32
    %dma_wait3A_54 = tpu.memref_slice %arg11[%dma_wait3A_52, %dma_wait3A_53] : memref<10016x64xf32, #tpu.memory_space<vmem_shared>> -> memref<10016x64xf32, #tpu.memory_space<vmem_shared>>
    tpu.wait_indirect_dma semaphore(%arg14 : memref<!tpu.dma_semaphore, #tpu.memory_space<semaphore_mem>>) src(%arg8 : memref<80x64xf32, #tpu.memory_space<vmem>>) dst(%dma_wait3A_54 : memref<10016x64xf32, #tpu.memory_space<vmem_shared>>)
    %dma_start3A_55 = arith.constant 2 : i32
    %dma_start3A_56 = arith.constant 0 : i32
    %dma_start3A_57 = tpu.memref_slice %arg6[%dma_start3A_55, %dma_start3A_56] : memref<250x80xi32, #tpu.memory_space<vmem>> -> memref<1x80xi32, #tpu.memory_space<vmem>>
    %dma_start3A_58 = tpu.memref_squeeze %dma_start3A_57 : memref<1x80xi32, #tpu.memory_space<vmem>> -> memref<80xi32, #tpu.memory_space<vmem>>
    %dma_start3A_59 = arith.constant 0 : i32
    %dma_start3A_60 = arith.constant 0 : i32
    %dma_start3A_61 = tpu.memref_slice %arg10[%dma_start3A_59, %dma_start3A_60] : memref<10000x64xf32, #tpu.memory_space<vmem_shared>> -> memref<10000x64xf32, #tpu.memory_space<vmem_shared>>
    tpu.enqueue_indirect_dma source(%dma_start3A_61 : memref<10000x64xf32, #tpu.memory_space<vmem_shared>>) target(%arg8 : memref<80x64xf32, #tpu.memory_space<vmem>>) offsets(%dma_start3A_58 : memref<80xi32, #tpu.memory_space<vmem>>) semaphore(%arg12 : memref<!tpu.dma_semaphore, #tpu.memory_space<semaphore_mem>>)
    %scan3A = arith.constant 0 : i32
    %scan3A_62 = arith.constant 123 : i32
    %scan3A_63 = arith.addi %scan3A, %scan3A_62 : i32
    %scan3A_64 = arith.constant 1 : i32
    scf.for %scan3A_129 = %scan3A to %scan3A_63 step %scan3A_64  : i32 {
      %mul3A_130 = arith.constant 2 : i32
      %mul3A_131 = arith.muli %scan3A_129, %mul3A_130 : i32
      %add3A = arith.constant 2 : i32
      %add3A_132 = arith.addi %add3A, %mul3A_131 : i32
      %add3A_133 = arith.constant 0 : i32
      %add3A_134 = arith.addi %add3A_132, %add3A_133 : i32
      %dma_wait3A_135 = arith.constant 0 : i32
      %dma_wait3A_136 = tpu.memref_slice %arg6[%add3A_134, %dma_wait3A_135] : memref<250x80xi32, #tpu.memory_space<vmem>> -> memref<1x80xi32, #tpu.memory_space<vmem>>
      %dma_wait3A_137 = tpu.memref_squeeze %dma_wait3A_136 : memref<1x80xi32, #tpu.memory_space<vmem>> -> memref<80xi32, #tpu.memory_space<vmem>>
      %dma_wait3A_138 = arith.constant 0 : i32
      %dma_wait3A_139 = arith.constant 0 : i32
      %dma_wait3A_140 = tpu.memref_slice %arg10[%dma_wait3A_138, %dma_wait3A_139] : memref<10000x64xf32, #tpu.memory_space<vmem_shared>> -> memref<10000x64xf32, #tpu.memory_space<vmem_shared>>
      tpu.wait_indirect_dma semaphore(%arg12 : memref<!tpu.dma_semaphore, #tpu.memory_space<semaphore_mem>>) src(%dma_wait3A_140 : memref<10000x64xf32, #tpu.memory_space<vmem_shared>>) dst(%arg8 : memref<80x64xf32, #tpu.memory_space<vmem>>)
      %dma_start3A_141 = arith.constant 0 : i32
      %dma_start3A_142 = tpu.memref_slice %arg7[%add3A_134, %dma_start3A_141] : memref<250x80xi32, #tpu.memory_space<vmem>> -> memref<1x80xi32, #tpu.memory_space<vmem>>
      %dma_start3A_143 = tpu.memref_squeeze %dma_start3A_142 : memref<1x80xi32, #tpu.memory_space<vmem>> -> memref<80xi32, #tpu.memory_space<vmem>>
      %dma_start3A_144 = arith.constant 0 : i32
      %dma_start3A_145 = arith.constant 0 : i32
      %dma_start3A_146 = tpu.memref_slice %arg11[%dma_start3A_144, %dma_start3A_145] : memref<10016x64xf32, #tpu.memory_space<vmem_shared>> -> memref<10016x64xf32, #tpu.memory_space<vmem_shared>>
      tpu.enqueue_indirect_dma source(%arg8 : memref<80x64xf32, #tpu.memory_space<vmem>>) target(%dma_start3A_146 : memref<10016x64xf32, #tpu.memory_space<vmem_shared>>) offsets(%dma_start3A_143 : memref<80xi32, #tpu.memory_space<vmem>>) semaphore(%arg14 : memref<!tpu.dma_semaphore, #tpu.memory_space<semaphore_mem>>) {add = true}
      %sub3A = arith.constant 1 : i32
      %sub3A_147 = arith.subi %add3A_134, %sub3A : i32
      %dma_wait3A_148 = arith.constant 0 : i32
      %dma_wait3A_149 = tpu.memref_slice %arg7[%sub3A_147, %dma_wait3A_148] : memref<250x80xi32, #tpu.memory_space<vmem>> -> memref<1x80xi32, #tpu.memory_space<vmem>>
      %dma_wait3A_150 = tpu.memref_squeeze %dma_wait3A_149 : memref<1x80xi32, #tpu.memory_space<vmem>> -> memref<80xi32, #tpu.memory_space<vmem>>
      %dma_wait3A_151 = arith.constant 0 : i32
      %dma_wait3A_152 = arith.constant 0 : i32
      %dma_wait3A_153 = tpu.memref_slice %arg11[%dma_wait3A_151, %dma_wait3A_152] : memref<10016x64xf32, #tpu.memory_space<vmem_shared>> -> memref<10016x64xf32, #tpu.memory_space<vmem_shared>>
      tpu.wait_indirect_dma semaphore(%arg15 : memref<!tpu.dma_semaphore, #tpu.memory_space<semaphore_mem>>) src(%arg9 : memref<80x64xf32, #tpu.memory_space<vmem>>) dst(%dma_wait3A_153 : memref<10016x64xf32, #tpu.memory_space<vmem_shared>>)
      %add3A_154 = arith.constant 1 : i32
      %add3A_155 = arith.addi %add3A_134, %add3A_154 : i32
      %dma_start3A_156 = arith.constant 0 : i32
      %dma_start3A_157 = tpu.memref_slice %arg6[%add3A_155, %dma_start3A_156] : memref<250x80xi32, #tpu.memory_space<vmem>> -> memref<1x80xi32, #tpu.memory_space<vmem>>
      %dma_start3A_158 = tpu.memref_squeeze %dma_start3A_157 : memref<1x80xi32, #tpu.memory_space<vmem>> -> memref<80xi32, #tpu.memory_space<vmem>>
      %dma_start3A_159 = arith.constant 0 : i32
      %dma_start3A_160 = arith.constant 0 : i32
      %dma_start3A_161 = tpu.memref_slice %arg10[%dma_start3A_159, %dma_start3A_160] : memref<10000x64xf32, #tpu.memory_space<vmem_shared>> -> memref<10000x64xf32, #tpu.memory_space<vmem_shared>>
      tpu.enqueue_indirect_dma source(%dma_start3A_161 : memref<10000x64xf32, #tpu.memory_space<vmem_shared>>) target(%arg9 : memref<80x64xf32, #tpu.memory_space<vmem>>) offsets(%dma_start3A_158 : memref<80xi32, #tpu.memory_space<vmem>>) semaphore(%arg13 : memref<!tpu.dma_semaphore, #tpu.memory_space<semaphore_mem>>)
      %add3A_162 = arith.constant 1 : i32
      %add3A_163 = arith.addi %add3A_132, %add3A_162 : i32
      %dma_wait3A_164 = arith.constant 0 : i32
      %dma_wait3A_165 = tpu.memref_slice %arg6[%add3A_163, %dma_wait3A_164] : memref<250x80xi32, #tpu.memory_space<vmem>> -> memref<1x80xi32, #tpu.memory_space<vmem>>
      %dma_wait3A_166 = tpu.memref_squeeze %dma_wait3A_165 : memref<1x80xi32, #tpu.memory_space<vmem>> -> memref<80xi32, #tpu.memory_space<vmem>>
      %dma_wait3A_167 = arith.constant 0 : i32
      %dma_wait3A_168 = arith.constant 0 : i32
      %dma_wait3A_169 = tpu.memref_slice %arg10[%dma_wait3A_167, %dma_wait3A_168] : memref<10000x64xf32, #tpu.memory_space<vmem_shared>> -> memref<10000x64xf32, #tpu.memory_space<vmem_shared>>
      tpu.wait_indirect_dma semaphore(%arg13 : memref<!tpu.dma_semaphore, #tpu.memory_space<semaphore_mem>>) src(%dma_wait3A_169 : memref<10000x64xf32, #tpu.memory_space<vmem_shared>>) dst(%arg9 : memref<80x64xf32, #tpu.memory_space<vmem>>)
      %dma_start3A_170 = arith.constant 0 : i32
      %dma_start3A_171 = tpu.memref_slice %arg7[%add3A_163, %dma_start3A_170] : memref<250x80xi32, #tpu.memory_space<vmem>> -> memref<1x80xi32, #tpu.memory_space<vmem>>
      %dma_start3A_172 = tpu.memref_squeeze %dma_start3A_171 : memref<1x80xi32, #tpu.memory_space<vmem>> -> memref<80xi32, #tpu.memory_space<vmem>>
      %dma_start3A_173 = arith.constant 0 : i32
      %dma_start3A_174 = arith.constant 0 : i32
      %dma_start3A_175 = tpu.memref_slice %arg11[%dma_start3A_173, %dma_start3A_174] : memref<10016x64xf32, #tpu.memory_space<vmem_shared>> -> memref<10016x64xf32, #tpu.memory_space<vmem_shared>>
      tpu.enqueue_indirect_dma source(%arg9 : memref<80x64xf32, #tpu.memory_space<vmem>>) target(%dma_start3A_175 : memref<10016x64xf32, #tpu.memory_space<vmem_shared>>) offsets(%dma_start3A_172 : memref<80xi32, #tpu.memory_space<vmem>>) semaphore(%arg15 : memref<!tpu.dma_semaphore, #tpu.memory_space<semaphore_mem>>) {add = true}
      %sub3A_176 = arith.constant 1 : i32
      %sub3A_177 = arith.subi %add3A_163, %sub3A_176 : i32
      %dma_wait3A_178 = arith.constant 0 : i32
      %dma_wait3A_179 = tpu.memref_slice %arg7[%sub3A_177, %dma_wait3A_178] : memref<250x80xi32, #tpu.memory_space<vmem>> -> memref<1x80xi32, #tpu.memory_space<vmem>>
      %dma_wait3A_180 = tpu.memref_squeeze %dma_wait3A_179 : memref<1x80xi32, #tpu.memory_space<vmem>> -> memref<80xi32, #tpu.memory_space<vmem>>
      %dma_wait3A_181 = arith.constant 0 : i32
      %dma_wait3A_182 = arith.constant 0 : i32
      %dma_wait3A_183 = tpu.memref_slice %arg11[%dma_wait3A_181, %dma_wait3A_182] : memref<10016x64xf32, #tpu.memory_space<vmem_shared>> -> memref<10016x64xf32, #tpu.memory_space<vmem_shared>>
      tpu.wait_indirect_dma semaphore(%arg14 : memref<!tpu.dma_semaphore, #tpu.memory_space<semaphore_mem>>) src(%arg8 : memref<80x64xf32, #tpu.memory_space<vmem>>) dst(%dma_wait3A_183 : memref<10016x64xf32, #tpu.memory_space<vmem_shared>>)
      %add3A_184 = arith.constant 1 : i32
      %add3A_185 = arith.addi %add3A_163, %add3A_184 : i32
      %dma_start3A_186 = arith.constant 0 : i32
      %dma_start3A_187 = tpu.memref_slice %arg6[%add3A_185, %dma_start3A_186] : memref<250x80xi32, #tpu.memory_space<vmem>> -> memref<1x80xi32, #tpu.memory_space<vmem>>
      %dma_start3A_188 = tpu.memref_squeeze %dma_start3A_187 : memref<1x80xi32, #tpu.memory_space<vmem>> -> memref<80xi32, #tpu.memory_space<vmem>>
      %dma_start3A_189 = arith.constant 0 : i32
      %dma_start3A_190 = arith.constant 0 : i32
      %dma_start3A_191 = tpu.memref_slice %arg10[%dma_start3A_189, %dma_start3A_190] : memref<10000x64xf32, #tpu.memory_space<vmem_shared>> -> memref<10000x64xf32, #tpu.memory_space<vmem_shared>>
      tpu.enqueue_indirect_dma source(%dma_start3A_191 : memref<10000x64xf32, #tpu.memory_space<vmem_shared>>) target(%arg8 : memref<80x64xf32, #tpu.memory_space<vmem>>) offsets(%dma_start3A_188 : memref<80xi32, #tpu.memory_space<vmem>>) semaphore(%arg12 : memref<!tpu.dma_semaphore, #tpu.memory_space<semaphore_mem>>)
    }
    %scan3A_65 = arith.constant 123 : i32
    %dma_wait3A_66 = arith.constant 248 : i32
    %dma_wait3A_67 = arith.constant 0 : i32
    %dma_wait3A_68 = tpu.memref_slice %arg6[%dma_wait3A_66, %dma_wait3A_67] : memref<250x80xi32, #tpu.memory_space<vmem>> -> memref<1x80xi32, #tpu.memory_space<vmem>>
    %dma_wait3A_69 = tpu.memref_squeeze %dma_wait3A_68 : memref<1x80xi32, #tpu.memory_space<vmem>> -> memref<80xi32, #tpu.memory_space<vmem>>
    %dma_wait3A_70 = arith.constant 0 : i32
    %dma_wait3A_71 = arith.constant 0 : i32
    %dma_wait3A_72 = tpu.memref_slice %arg10[%dma_wait3A_70, %dma_wait3A_71] : memref<10000x64xf32, #tpu.memory_space<vmem_shared>> -> memref<10000x64xf32, #tpu.memory_space<vmem_shared>>
    tpu.wait_indirect_dma semaphore(%arg12 : memref<!tpu.dma_semaphore, #tpu.memory_space<semaphore_mem>>) src(%dma_wait3A_72 : memref<10000x64xf32, #tpu.memory_space<vmem_shared>>) dst(%arg8 : memref<80x64xf32, #tpu.memory_space<vmem>>)
    %dma_start3A_73 = arith.constant 248 : i32
    %dma_start3A_74 = arith.constant 0 : i32
    %dma_start3A_75 = tpu.memref_slice %arg7[%dma_start3A_73, %dma_start3A_74] : memref<250x80xi32, #tpu.memory_space<vmem>> -> memref<1x80xi32, #tpu.memory_space<vmem>>
    %dma_start3A_76 = tpu.memref_squeeze %dma_start3A_75 : memref<1x80xi32, #tpu.memory_space<vmem>> -> memref<80xi32, #tpu.memory_space<vmem>>
    %dma_start3A_77 = arith.constant 0 : i32
    %dma_start3A_78 = arith.constant 0 : i32
    %dma_start3A_79 = tpu.memref_slice %arg11[%dma_start3A_77, %dma_start3A_78] : memref<10016x64xf32, #tpu.memory_space<vmem_shared>> -> memref<10016x64xf32, #tpu.memory_space<vmem_shared>>
    tpu.enqueue_indirect_dma source(%arg8 : memref<80x64xf32, #tpu.memory_space<vmem>>) target(%dma_start3A_79 : memref<10016x64xf32, #tpu.memory_space<vmem_shared>>) offsets(%dma_start3A_76 : memref<80xi32, #tpu.memory_space<vmem>>) semaphore(%arg14 : memref<!tpu.dma_semaphore, #tpu.memory_space<semaphore_mem>>) {add = true}
    %dma_wait3A_80 = arith.constant 247 : i32
    %dma_wait3A_81 = arith.constant 0 : i32
    %dma_wait3A_82 = tpu.memref_slice %arg7[%dma_wait3A_80, %dma_wait3A_81] : memref<250x80xi32, #tpu.memory_space<vmem>> -> memref<1x80xi32, #tpu.memory_space<vmem>>
    %dma_wait3A_83 = tpu.memref_squeeze %dma_wait3A_82 : memref<1x80xi32, #tpu.memory_space<vmem>> -> memref<80xi32, #tpu.memory_space<vmem>>
    %dma_wait3A_84 = arith.constant 0 : i32
    %dma_wait3A_85 = arith.constant 0 : i32
    %dma_wait3A_86 = tpu.memref_slice %arg11[%dma_wait3A_84, %dma_wait3A_85] : memref<10016x64xf32, #tpu.memory_space<vmem_shared>> -> memref<10016x64xf32, #tpu.memory_space<vmem_shared>>
    tpu.wait_indirect_dma semaphore(%arg15 : memref<!tpu.dma_semaphore, #tpu.memory_space<semaphore_mem>>) src(%arg9 : memref<80x64xf32, #tpu.memory_space<vmem>>) dst(%dma_wait3A_86 : memref<10016x64xf32, #tpu.memory_space<vmem_shared>>)
    %dma_start3A_87 = arith.constant 249 : i32
    %dma_start3A_88 = arith.constant 0 : i32
    %dma_start3A_89 = tpu.memref_slice %arg6[%dma_start3A_87, %dma_start3A_88] : memref<250x80xi32, #tpu.memory_space<vmem>> -> memref<1x80xi32, #tpu.memory_space<vmem>>
    %dma_start3A_90 = tpu.memref_squeeze %dma_start3A_89 : memref<1x80xi32, #tpu.memory_space<vmem>> -> memref<80xi32, #tpu.memory_space<vmem>>
    %dma_start3A_91 = arith.constant 0 : i32
    %dma_start3A_92 = arith.constant 0 : i32
    %dma_start3A_93 = tpu.memref_slice %arg10[%dma_start3A_91, %dma_start3A_92] : memref<10000x64xf32, #tpu.memory_space<vmem_shared>> -> memref<10000x64xf32, #tpu.memory_space<vmem_shared>>
    tpu.enqueue_indirect_dma source(%dma_start3A_93 : memref<10000x64xf32, #tpu.memory_space<vmem_shared>>) target(%arg9 : memref<80x64xf32, #tpu.memory_space<vmem>>) offsets(%dma_start3A_90 : memref<80xi32, #tpu.memory_space<vmem>>) semaphore(%arg13 : memref<!tpu.dma_semaphore, #tpu.memory_space<semaphore_mem>>)
    %dma_wait3A_94 = arith.constant 249 : i32
    %dma_wait3A_95 = arith.constant 0 : i32
    %dma_wait3A_96 = tpu.memref_slice %arg6[%dma_wait3A_94, %dma_wait3A_95] : memref<250x80xi32, #tpu.memory_space<vmem>> -> memref<1x80xi32, #tpu.memory_space<vmem>>
    %dma_wait3A_97 = tpu.memref_squeeze %dma_wait3A_96 : memref<1x80xi32, #tpu.memory_space<vmem>> -> memref<80xi32, #tpu.memory_space<vmem>>
    %dma_wait3A_98 = arith.constant 0 : i32
    %dma_wait3A_99 = arith.constant 0 : i32
    %dma_wait3A_100 = tpu.memref_slice %arg10[%dma_wait3A_98, %dma_wait3A_99] : memref<10000x64xf32, #tpu.memory_space<vmem_shared>> -> memref<10000x64xf32, #tpu.memory_space<vmem_shared>>
    tpu.wait_indirect_dma semaphore(%arg13 : memref<!tpu.dma_semaphore, #tpu.memory_space<semaphore_mem>>) src(%dma_wait3A_100 : memref<10000x64xf32, #tpu.memory_space<vmem_shared>>) dst(%arg9 : memref<80x64xf32, #tpu.memory_space<vmem>>)
    %dma_start3A_101 = arith.constant 249 : i32
    %dma_start3A_102 = arith.constant 0 : i32
    %dma_start3A_103 = tpu.memref_slice %arg7[%dma_start3A_101, %dma_start3A_102] : memref<250x80xi32, #tpu.memory_space<vmem>> -> memref<1x80xi32, #tpu.memory_space<vmem>>
    %dma_start3A_104 = tpu.memref_squeeze %dma_start3A_103 : memref<1x80xi32, #tpu.memory_space<vmem>> -> memref<80xi32, #tpu.memory_space<vmem>>
    %dma_start3A_105 = arith.constant 0 : i32
    %dma_start3A_106 = arith.constant 0 : i32
    %dma_start3A_107 = tpu.memref_slice %arg11[%dma_start3A_105, %dma_start3A_106] : memref<10016x64xf32, #tpu.memory_space<vmem_shared>> -> memref<10016x64xf32, #tpu.memory_space<vmem_shared>>
    tpu.enqueue_indirect_dma source(%arg9 : memref<80x64xf32, #tpu.memory_space<vmem>>) target(%dma_start3A_107 : memref<10016x64xf32, #tpu.memory_space<vmem_shared>>) offsets(%dma_start3A_104 : memref<80xi32, #tpu.memory_space<vmem>>) semaphore(%arg15 : memref<!tpu.dma_semaphore, #tpu.memory_space<semaphore_mem>>) {add = true}
    %dma_wait3A_108 = arith.constant 248 : i32
    %dma_wait3A_109 = arith.constant 0 : i32
    %dma_wait3A_110 = tpu.memref_slice %arg7[%dma_wait3A_108, %dma_wait3A_109] : memref<250x80xi32, #tpu.memory_space<vmem>> -> memref<1x80xi32, #tpu.memory_space<vmem>>
    %dma_wait3A_111 = tpu.memref_squeeze %dma_wait3A_110 : memref<1x80xi32, #tpu.memory_space<vmem>> -> memref<80xi32, #tpu.memory_space<vmem>>
    %dma_wait3A_112 = arith.constant 0 : i32
    %dma_wait3A_113 = arith.constant 0 : i32
    %dma_wait3A_114 = tpu.memref_slice %arg11[%dma_wait3A_112, %dma_wait3A_113] : memref<10016x64xf32, #tpu.memory_space<vmem_shared>> -> memref<10016x64xf32, #tpu.memory_space<vmem_shared>>
    tpu.wait_indirect_dma semaphore(%arg14 : memref<!tpu.dma_semaphore, #tpu.memory_space<semaphore_mem>>) src(%arg8 : memref<80x64xf32, #tpu.memory_space<vmem>>) dst(%dma_wait3A_114 : memref<10016x64xf32, #tpu.memory_space<vmem_shared>>)
    %dma_wait3A_115 = arith.constant 249 : i32
    %dma_wait3A_116 = arith.constant 0 : i32
    %dma_wait3A_117 = tpu.memref_slice %arg7[%dma_wait3A_115, %dma_wait3A_116] : memref<250x80xi32, #tpu.memory_space<vmem>> -> memref<1x80xi32, #tpu.memory_space<vmem>>
    %dma_wait3A_118 = tpu.memref_squeeze %dma_wait3A_117 : memref<1x80xi32, #tpu.memory_space<vmem>> -> memref<80xi32, #tpu.memory_space<vmem>>
    %dma_wait3A_119 = arith.constant 0 : i32
    %dma_wait3A_120 = arith.constant 0 : i32
    %dma_wait3A_121 = tpu.memref_slice %arg11[%dma_wait3A_119, %dma_wait3A_120] : memref<10016x64xf32, #tpu.memory_space<vmem_shared>> -> memref<10016x64xf32, #tpu.memory_space<vmem_shared>>
    tpu.wait_indirect_dma semaphore(%arg15 : memref<!tpu.dma_semaphore, #tpu.memory_space<semaphore_mem>>) src(%arg9 : memref<80x64xf32, #tpu.memory_space<vmem>>) dst(%dma_wait3A_121 : memref<10016x64xf32, #tpu.memory_space<vmem_shared>>)
    %barrier3A_122 = arith.constant 0 : index
    tpu.barrier barrier_id(%barrier3A_122)
    %mul3A_123 = arith.constant 626 : i32
    %mul3A_124 = arith.muli %arg1, %mul3A_123 : i32
    %mul3A_125 = arith.constant 626 : i32
    %mul3A_126 = arith.muli %arg1, %mul3A_125 : i32
    %mul3A_127 = arith.constant 64 : i32
    %mul3A_128 = arith.muli %arg0, %mul3A_127 : i32
    "tpu.region"() ({
      %run_scoped3A_129 = tpu.sem_alloc : memref<!tpu.dma_semaphore, #tpu.memory_space<semaphore_mem>>
      %dma_start3A_130 = tpu.memref_slice %arg5[%mul3A_126, %mul3A_128] : memref<10016x128xf32, #tpu.memory_space<hbm>> -> memref<626x64xf32, #tpu.memory_space<hbm>>
      %dma_start3A_131 = arith.constant 0 : i32
      %dma_start3A_132 = tpu.memref_slice %arg11[%mul3A_124, %dma_start3A_131] : memref<10016x64xf32, #tpu.memory_space<vmem_shared>> -> memref<626x64xf32, #tpu.memory_space<vmem_shared>>
      tpu.enqueue_dma source(%dma_start3A_132 : memref<626x64xf32, #tpu.memory_space<vmem_shared>>) target(%dma_start3A_130 : memref<626x64xf32, #tpu.memory_space<hbm>>) target_semaphore(%run_scoped3A_129 : memref<!tpu.dma_semaphore, #tpu.memory_space<semaphore_mem>>)
      %dma_wait3A_133 = tpu.memref_slice %arg5[%mul3A_126, %mul3A_128] : memref<10016x128xf32, #tpu.memory_space<hbm>> -> memref<626x64xf32, #tpu.memory_space<hbm>>
      %dma_wait3A_134 = arith.constant 0 : i32
      %dma_wait3A_135 = tpu.memref_slice %arg11[%mul3A_124, %dma_wait3A_134] : memref<10016x64xf32, #tpu.memory_space<vmem_shared>> -> memref<626x64xf32, #tpu.memory_space<vmem_shared>>
      tpu.wait_dma2 semaphore(%run_scoped3A_129 : memref<!tpu.dma_semaphore, #tpu.memory_space<semaphore_mem>>) src(%dma_wait3A_135 : memref<626x64xf32, #tpu.memory_space<vmem_shared>>) dst(%dma_wait3A_133 : memref<626x64xf32, #tpu.memory_space<hbm>>)
      tpu.yield
    }) : () -> ()
    return
  }
}

#map = affine_map<(d0, d1) -> (0, 0, 0, 0)>
#map1 = affine_map<(d0, d1) -> (0, 0)>
module attributes {stable_mosaic.version = 14 : i64} {
  func.func @_deg_kernel(%arg0: i32, %arg1: i32, %arg2: memref<2x16x250x80xi32, #tpu.memory_space<hbm>>, %arg3: memref<80x16xf32, #tpu.memory_space<hbm>>, %arg4: memref<626x128xf32, #tpu.memory_space<hbm>>, %arg5: memref<10016x128xf32, #tpu.memory_space<hbm>>, %arg6: memref<125x80xi32, #tpu.memory_space<vmem>>, %arg7: memref<80x16xf32, #tpu.memory_space<vmem>>, %arg8: memref<10016x16xf32, #tpu.memory_space<vmem_shared>>, %arg9: memref<!tpu.dma_semaphore, #tpu.memory_space<semaphore_mem>>) attributes {dimension_semantics = [#tpu.dimension_semantics<core_parallel>, #tpu.dimension_semantics<subcore_parallel>], iteration_bounds = array<i64: 2, 16>, scalar_prefetch = 0 : i64, scratch_operands = 4 : i64, tpu.core_type = #tpu.core_type<sc_vector_subcore>, window_params = [{transform_indices = #map}, {transform_indices = #map1}, {transform_indices = #map1}, {transform_indices = #map1}]} {
    %mul3A = arith.constant 626 : i32
    %mul3A_0 = arith.muli %arg1, %mul3A : i32
    "tpu.region"() ({
      %run_scoped3A_14 = tpu.sem_alloc : memref<!tpu.dma_semaphore, #tpu.memory_space<semaphore_mem>>
      %dma_start3A = arith.constant 0 : i32
      %dma_start3A_15 = tpu.memref_slice %arg8[%mul3A_0, %dma_start3A] : memref<10016x16xf32, #tpu.memory_space<vmem_shared>> -> memref<626x16xf32, #tpu.memory_space<vmem_shared>>
      %dma_start3A_16 = arith.constant 0 : i32
      %dma_start3A_17 = arith.constant 0 : i32
      %dma_start3A_18 = tpu.memref_slice %arg4[%dma_start3A_16, %dma_start3A_17] : memref<626x128xf32, #tpu.memory_space<hbm>> -> memref<626x16xf32, #tpu.memory_space<hbm>>
      tpu.enqueue_dma source(%dma_start3A_18 : memref<626x16xf32, #tpu.memory_space<hbm>>) target(%dma_start3A_15 : memref<626x16xf32, #tpu.memory_space<vmem_shared>>) target_semaphore(%run_scoped3A_14 : memref<!tpu.dma_semaphore, #tpu.memory_space<semaphore_mem>>)
      %dma_wait3A = arith.constant 0 : i32
      %dma_wait3A_19 = tpu.memref_slice %arg8[%mul3A_0, %dma_wait3A] : memref<10016x16xf32, #tpu.memory_space<vmem_shared>> -> memref<626x16xf32, #tpu.memory_space<vmem_shared>>
      %dma_wait3A_20 = arith.constant 0 : i32
      %dma_wait3A_21 = arith.constant 0 : i32
      %dma_wait3A_22 = tpu.memref_slice %arg4[%dma_wait3A_20, %dma_wait3A_21] : memref<626x128xf32, #tpu.memory_space<hbm>> -> memref<626x16xf32, #tpu.memory_space<hbm>>
      tpu.wait_dma2 semaphore(%run_scoped3A_14 : memref<!tpu.dma_semaphore, #tpu.memory_space<semaphore_mem>>) src(%dma_wait3A_22 : memref<626x16xf32, #tpu.memory_space<hbm>>) dst(%dma_wait3A_19 : memref<626x16xf32, #tpu.memory_space<vmem_shared>>)
      tpu.yield
    }) : () -> ()
    "tpu.region"() ({
      %run_scoped3A_14 = tpu.sem_alloc : memref<!tpu.dma_semaphore, #tpu.memory_space<semaphore_mem>>
      tpu.enqueue_dma source(%arg3 : memref<80x16xf32, #tpu.memory_space<hbm>>) target(%arg7 : memref<80x16xf32, #tpu.memory_space<vmem>>) target_semaphore(%run_scoped3A_14 : memref<!tpu.dma_semaphore, #tpu.memory_space<semaphore_mem>>)
      tpu.wait_dma2 semaphore(%run_scoped3A_14 : memref<!tpu.dma_semaphore, #tpu.memory_space<semaphore_mem>>) src(%arg3 : memref<80x16xf32, #tpu.memory_space<hbm>>) dst(%arg7 : memref<80x16xf32, #tpu.memory_space<vmem>>)
      tpu.yield
    }) : () -> ()
    %mul3A_1 = arith.constant 125 : i32
    %mul3A_2 = arith.muli %arg0, %mul3A_1 : i32
    %run_scoped3A = arith.constant 1 : i32
    "tpu.region"() ({
      %run_scoped3A_14 = tpu.sem_alloc : memref<!tpu.dma_semaphore, #tpu.memory_space<semaphore_mem>>
      %dma_start3A = arith.constant 0 : i32
      %dma_start3A_15 = tpu.memref_slice %arg2[%run_scoped3A, %arg1, %mul3A_2, %dma_start3A] : memref<2x16x250x80xi32, #tpu.memory_space<hbm>> -> memref<1x1x125x80xi32, #tpu.memory_space<hbm>>
      %dma_start3A_16 = tpu.memref_squeeze %dma_start3A_15 : memref<1x1x125x80xi32, #tpu.memory_space<hbm>> -> memref<125x80xi32, #tpu.memory_space<hbm>>
      %dma_start3A_17 = arith.constant 0 : i32
      %dma_start3A_18 = tpu.memref_slice %arg2[%run_scoped3A, %arg1, %mul3A_2, %dma_start3A_17] : memref<2x16x250x80xi32, #tpu.memory_space<hbm>> -> memref<1x1x125x80xi32, #tpu.memory_space<hbm>>
      %dma_start3A_19 = tpu.memref_squeeze %dma_start3A_18 : memref<1x1x125x80xi32, #tpu.memory_space<hbm>> -> memref<125x80xi32, #tpu.memory_space<hbm>>
      tpu.enqueue_dma source(%dma_start3A_19 : memref<125x80xi32, #tpu.memory_space<hbm>>) target(%arg6 : memref<125x80xi32, #tpu.memory_space<vmem>>) target_semaphore(%run_scoped3A_14 : memref<!tpu.dma_semaphore, #tpu.memory_space<semaphore_mem>>)
      %dma_wait3A = arith.constant 0 : i32
      %dma_wait3A_20 = tpu.memref_slice %arg2[%run_scoped3A, %arg1, %mul3A_2, %dma_wait3A] : memref<2x16x250x80xi32, #tpu.memory_space<hbm>> -> memref<1x1x125x80xi32, #tpu.memory_space<hbm>>
      %dma_wait3A_21 = tpu.memref_squeeze %dma_wait3A_20 : memref<1x1x125x80xi32, #tpu.memory_space<hbm>> -> memref<125x80xi32, #tpu.memory_space<hbm>>
      %dma_wait3A_22 = arith.constant 0 : i32
      %dma_wait3A_23 = tpu.memref_slice %arg2[%run_scoped3A, %arg1, %mul3A_2, %dma_wait3A_22] : memref<2x16x250x80xi32, #tpu.memory_space<hbm>> -> memref<1x1x125x80xi32, #tpu.memory_space<hbm>>
      %dma_wait3A_24 = tpu.memref_squeeze %dma_wait3A_23 : memref<1x1x125x80xi32, #tpu.memory_space<hbm>> -> memref<125x80xi32, #tpu.memory_space<hbm>>
      tpu.wait_dma2 semaphore(%run_scoped3A_14 : memref<!tpu.dma_semaphore, #tpu.memory_space<semaphore_mem>>) src(%dma_wait3A_24 : memref<125x80xi32, #tpu.memory_space<hbm>>) dst(%arg6 : memref<125x80xi32, #tpu.memory_space<vmem>>)
      tpu.yield
    }) : () -> ()
    %barrier3A = arith.constant 0 : index
    tpu.barrier barrier_id(%barrier3A)
    %scan3A = arith.constant 0 : i32
    %scan3A_3 = arith.constant 25 : i32
    %scan3A_4 = arith.addi %scan3A, %scan3A_3 : i32
    %scan3A_5 = arith.constant 1 : i32
    scf.for %scan3A_14 = %scan3A to %scan3A_4 step %scan3A_5  : i32 {
      %mul3A_15 = arith.constant 5 : i32
      %mul3A_16 = arith.muli %scan3A_14, %mul3A_15 : i32
      %add3A = arith.constant 0 : i32
      %add3A_17 = arith.addi %add3A, %mul3A_16 : i32
      %add3A_18 = arith.constant 0 : i32
      %add3A_19 = arith.addi %add3A_17, %add3A_18 : i32
      %dma_start3A = arith.constant 0 : i32
      %dma_start3A_20 = tpu.memref_slice %arg6[%add3A_19, %dma_start3A] : memref<125x80xi32, #tpu.memory_space<vmem>> -> memref<1x80xi32, #tpu.memory_space<vmem>>
      %dma_start3A_21 = tpu.memref_squeeze %dma_start3A_20 : memref<1x80xi32, #tpu.memory_space<vmem>> -> memref<80xi32, #tpu.memory_space<vmem>>
      %dma_start3A_22 = arith.constant 0 : i32
      %dma_start3A_23 = arith.constant 0 : i32
      %dma_start3A_24 = tpu.memref_slice %arg8[%dma_start3A_22, %dma_start3A_23] : memref<10016x16xf32, #tpu.memory_space<vmem_shared>> -> memref<10016x16xf32, #tpu.memory_space<vmem_shared>>
      tpu.enqueue_indirect_dma source(%arg7 : memref<80x16xf32, #tpu.memory_space<vmem>>) target(%dma_start3A_24 : memref<10016x16xf32, #tpu.memory_space<vmem_shared>>) offsets(%dma_start3A_21 : memref<80xi32, #tpu.memory_space<vmem>>) semaphore(%arg9 : memref<!tpu.dma_semaphore, #tpu.memory_space<semaphore_mem>>) {add = true}
      %add3A_25 = arith.constant 1 : i32
      %add3A_26 = arith.addi %add3A_17, %add3A_25 : i32
      %dma_start3A_27 = arith.constant 0 : i32
      %dma_start3A_28 = tpu.memref_slice %arg6[%add3A_26, %dma_start3A_27] : memref<125x80xi32, #tpu.memory_space<vmem>> -> memref<1x80xi32, #tpu.memory_space<vmem>>
      %dma_start3A_29 = tpu.memref_squeeze %dma_start3A_28 : memref<1x80xi32, #tpu.memory_space<vmem>> -> memref<80xi32, #tpu.memory_space<vmem>>
      %dma_start3A_30 = arith.constant 0 : i32
      %dma_start3A_31 = arith.constant 0 : i32
      %dma_start3A_32 = tpu.memref_slice %arg8[%dma_start3A_30, %dma_start3A_31] : memref<10016x16xf32, #tpu.memory_space<vmem_shared>> -> memref<10016x16xf32, #tpu.memory_space<vmem_shared>>
      tpu.enqueue_indirect_dma source(%arg7 : memref<80x16xf32, #tpu.memory_space<vmem>>) target(%dma_start3A_32 : memref<10016x16xf32, #tpu.memory_space<vmem_shared>>) offsets(%dma_start3A_29 : memref<80xi32, #tpu.memory_space<vmem>>) semaphore(%arg9 : memref<!tpu.dma_semaphore, #tpu.memory_space<semaphore_mem>>) {add = true}
      %add3A_33 = arith.constant 2 : i32
      %add3A_34 = arith.addi %add3A_17, %add3A_33 : i32
      %dma_start3A_35 = arith.constant 0 : i32
      %dma_start3A_36 = tpu.memref_slice %arg6[%add3A_34, %dma_start3A_35] : memref<125x80xi32, #tpu.memory_space<vmem>> -> memref<1x80xi32, #tpu.memory_space<vmem>>
      %dma_start3A_37 = tpu.memref_squeeze %dma_start3A_36 : memref<1x80xi32, #tpu.memory_space<vmem>> -> memref<80xi32, #tpu.memory_space<vmem>>
      %dma_start3A_38 = arith.constant 0 : i32
      %dma_start3A_39 = arith.constant 0 : i32
      %dma_start3A_40 = tpu.memref_slice %arg8[%dma_start3A_38, %dma_start3A_39] : memref<10016x16xf32, #tpu.memory_space<vmem_shared>> -> memref<10016x16xf32, #tpu.memory_space<vmem_shared>>
      tpu.enqueue_indirect_dma source(%arg7 : memref<80x16xf32, #tpu.memory_space<vmem>>) target(%dma_start3A_40 : memref<10016x16xf32, #tpu.memory_space<vmem_shared>>) offsets(%dma_start3A_37 : memref<80xi32, #tpu.memory_space<vmem>>) semaphore(%arg9 : memref<!tpu.dma_semaphore, #tpu.memory_space<semaphore_mem>>) {add = true}
      %add3A_41 = arith.constant 3 : i32
      %add3A_42 = arith.addi %add3A_17, %add3A_41 : i32
      %dma_start3A_43 = arith.constant 0 : i32
      %dma_start3A_44 = tpu.memref_slice %arg6[%add3A_42, %dma_start3A_43] : memref<125x80xi32, #tpu.memory_space<vmem>> -> memref<1x80xi32, #tpu.memory_space<vmem>>
      %dma_start3A_45 = tpu.memref_squeeze %dma_start3A_44 : memref<1x80xi32, #tpu.memory_space<vmem>> -> memref<80xi32, #tpu.memory_space<vmem>>
      %dma_start3A_46 = arith.constant 0 : i32
      %dma_start3A_47 = arith.constant 0 : i32
      %dma_start3A_48 = tpu.memref_slice %arg8[%dma_start3A_46, %dma_start3A_47] : memref<10016x16xf32, #tpu.memory_space<vmem_shared>> -> memref<10016x16xf32, #tpu.memory_space<vmem_shared>>
      tpu.enqueue_indirect_dma source(%arg7 : memref<80x16xf32, #tpu.memory_space<vmem>>) target(%dma_start3A_48 : memref<10016x16xf32, #tpu.memory_space<vmem_shared>>) offsets(%dma_start3A_45 : memref<80xi32, #tpu.memory_space<vmem>>) semaphore(%arg9 : memref<!tpu.dma_semaphore, #tpu.memory_space<semaphore_mem>>) {add = true}
      %add3A_49 = arith.constant 4 : i32
      %add3A_50 = arith.addi %add3A_17, %add3A_49 : i32
      %dma_start3A_51 = arith.constant 0 : i32
      %dma_start3A_52 = tpu.memref_slice %arg6[%add3A_50, %dma_start3A_51] : memref<125x80xi32, #tpu.memory_space<vmem>> -> memref<1x80xi32, #tpu.memory_space<vmem>>
      %dma_start3A_53 = tpu.memref_squeeze %dma_start3A_52 : memref<1x80xi32, #tpu.memory_space<vmem>> -> memref<80xi32, #tpu.memory_space<vmem>>
      %dma_start3A_54 = arith.constant 0 : i32
      %dma_start3A_55 = arith.constant 0 : i32
      %dma_start3A_56 = tpu.memref_slice %arg8[%dma_start3A_54, %dma_start3A_55] : memref<10016x16xf32, #tpu.memory_space<vmem_shared>> -> memref<10016x16xf32, #tpu.memory_space<vmem_shared>>
      tpu.enqueue_indirect_dma source(%arg7 : memref<80x16xf32, #tpu.memory_space<vmem>>) target(%dma_start3A_56 : memref<10016x16xf32, #tpu.memory_space<vmem_shared>>) offsets(%dma_start3A_53 : memref<80xi32, #tpu.memory_space<vmem>>) semaphore(%arg9 : memref<!tpu.dma_semaphore, #tpu.memory_space<semaphore_mem>>) {add = true}
      %add3A_57 = arith.constant 0 : i32
      %add3A_58 = arith.addi %add3A_17, %add3A_57 : i32
      %dma_wait3A = arith.constant 0 : i32
      %dma_wait3A_59 = tpu.memref_slice %arg6[%add3A_58, %dma_wait3A] : memref<125x80xi32, #tpu.memory_space<vmem>> -> memref<1x80xi32, #tpu.memory_space<vmem>>
      %dma_wait3A_60 = tpu.memref_squeeze %dma_wait3A_59 : memref<1x80xi32, #tpu.memory_space<vmem>> -> memref<80xi32, #tpu.memory_space<vmem>>
      %dma_wait3A_61 = arith.constant 0 : i32
      %dma_wait3A_62 = arith.constant 0 : i32
      %dma_wait3A_63 = tpu.memref_slice %arg8[%dma_wait3A_61, %dma_wait3A_62] : memref<10016x16xf32, #tpu.memory_space<vmem_shared>> -> memref<10016x16xf32, #tpu.memory_space<vmem_shared>>
      tpu.wait_indirect_dma semaphore(%arg9 : memref<!tpu.dma_semaphore, #tpu.memory_space<semaphore_mem>>) src(%arg7 : memref<80x16xf32, #tpu.memory_space<vmem>>) dst(%dma_wait3A_63 : memref<10016x16xf32, #tpu.memory_space<vmem_shared>>)
      %add3A_64 = arith.constant 1 : i32
      %add3A_65 = arith.addi %add3A_17, %add3A_64 : i32
      %dma_wait3A_66 = arith.constant 0 : i32
      %dma_wait3A_67 = tpu.memref_slice %arg6[%add3A_65, %dma_wait3A_66] : memref<125x80xi32, #tpu.memory_space<vmem>> -> memref<1x80xi32, #tpu.memory_space<vmem>>
      %dma_wait3A_68 = tpu.memref_squeeze %dma_wait3A_67 : memref<1x80xi32, #tpu.memory_space<vmem>> -> memref<80xi32, #tpu.memory_space<vmem>>
      %dma_wait3A_69 = arith.constant 0 : i32
      %dma_wait3A_70 = arith.constant 0 : i32
      %dma_wait3A_71 = tpu.memref_slice %arg8[%dma_wait3A_69, %dma_wait3A_70] : memref<10016x16xf32, #tpu.memory_space<vmem_shared>> -> memref<10016x16xf32, #tpu.memory_space<vmem_shared>>
      tpu.wait_indirect_dma semaphore(%arg9 : memref<!tpu.dma_semaphore, #tpu.memory_space<semaphore_mem>>) src(%arg7 : memref<80x16xf32, #tpu.memory_space<vmem>>) dst(%dma_wait3A_71 : memref<10016x16xf32, #tpu.memory_space<vmem_shared>>)
      %add3A_72 = arith.constant 2 : i32
      %add3A_73 = arith.addi %add3A_17, %add3A_72 : i32
      %dma_wait3A_74 = arith.constant 0 : i32
      %dma_wait3A_75 = tpu.memref_slice %arg6[%add3A_73, %dma_wait3A_74] : memref<125x80xi32, #tpu.memory_space<vmem>> -> memref<1x80xi32, #tpu.memory_space<vmem>>
      %dma_wait3A_76 = tpu.memref_squeeze %dma_wait3A_75 : memref<1x80xi32, #tpu.memory_space<vmem>> -> memref<80xi32, #tpu.memory_space<vmem>>
      %dma_wait3A_77 = arith.constant 0 : i32
      %dma_wait3A_78 = arith.constant 0 : i32
      %dma_wait3A_79 = tpu.memref_slice %arg8[%dma_wait3A_77, %dma_wait3A_78] : memref<10016x16xf32, #tpu.memory_space<vmem_shared>> -> memref<10016x16xf32, #tpu.memory_space<vmem_shared>>
      tpu.wait_indirect_dma semaphore(%arg9 : memref<!tpu.dma_semaphore, #tpu.memory_space<semaphore_mem>>) src(%arg7 : memref<80x16xf32, #tpu.memory_space<vmem>>) dst(%dma_wait3A_79 : memref<10016x16xf32, #tpu.memory_space<vmem_shared>>)
      %add3A_80 = arith.constant 3 : i32
      %add3A_81 = arith.addi %add3A_17, %add3A_80 : i32
      %dma_wait3A_82 = arith.constant 0 : i32
      %dma_wait3A_83 = tpu.memref_slice %arg6[%add3A_81, %dma_wait3A_82] : memref<125x80xi32, #tpu.memory_space<vmem>> -> memref<1x80xi32, #tpu.memory_space<vmem>>
      %dma_wait3A_84 = tpu.memref_squeeze %dma_wait3A_83 : memref<1x80xi32, #tpu.memory_space<vmem>> -> memref<80xi32, #tpu.memory_space<vmem>>
      %dma_wait3A_85 = arith.constant 0 : i32
      %dma_wait3A_86 = arith.constant 0 : i32
      %dma_wait3A_87 = tpu.memref_slice %arg8[%dma_wait3A_85, %dma_wait3A_86] : memref<10016x16xf32, #tpu.memory_space<vmem_shared>> -> memref<10016x16xf32, #tpu.memory_space<vmem_shared>>
      tpu.wait_indirect_dma semaphore(%arg9 : memref<!tpu.dma_semaphore, #tpu.memory_space<semaphore_mem>>) src(%arg7 : memref<80x16xf32, #tpu.memory_space<vmem>>) dst(%dma_wait3A_87 : memref<10016x16xf32, #tpu.memory_space<vmem_shared>>)
      %add3A_88 = arith.constant 4 : i32
      %add3A_89 = arith.addi %add3A_17, %add3A_88 : i32
      %dma_wait3A_90 = arith.constant 0 : i32
      %dma_wait3A_91 = tpu.memref_slice %arg6[%add3A_89, %dma_wait3A_90] : memref<125x80xi32, #tpu.memory_space<vmem>> -> memref<1x80xi32, #tpu.memory_space<vmem>>
      %dma_wait3A_92 = tpu.memref_squeeze %dma_wait3A_91 : memref<1x80xi32, #tpu.memory_space<vmem>> -> memref<80xi32, #tpu.memory_space<vmem>>
      %dma_wait3A_93 = arith.constant 0 : i32
      %dma_wait3A_94 = arith.constant 0 : i32
      %dma_wait3A_95 = tpu.memref_slice %arg8[%dma_wait3A_93, %dma_wait3A_94] : memref<10016x16xf32, #tpu.memory_space<vmem_shared>> -> memref<10016x16xf32, #tpu.memory_space<vmem_shared>>
      tpu.wait_indirect_dma semaphore(%arg9 : memref<!tpu.dma_semaphore, #tpu.memory_space<semaphore_mem>>) src(%arg7 : memref<80x16xf32, #tpu.memory_space<vmem>>) dst(%dma_wait3A_95 : memref<10016x16xf32, #tpu.memory_space<vmem_shared>>)
    }
    %scan3A_6 = arith.constant 25 : i32
    %barrier3A_7 = arith.constant 0 : index
    tpu.barrier barrier_id(%barrier3A_7)
    %mul3A_8 = arith.constant 626 : i32
    %mul3A_9 = arith.muli %arg1, %mul3A_8 : i32
    %mul3A_10 = arith.constant 626 : i32
    %mul3A_11 = arith.muli %arg1, %mul3A_10 : i32
    %mul3A_12 = arith.constant 16 : i32
    %mul3A_13 = arith.muli %arg0, %mul3A_12 : i32
    "tpu.region"() ({
      %run_scoped3A_14 = tpu.sem_alloc : memref<!tpu.dma_semaphore, #tpu.memory_space<semaphore_mem>>
      %dma_start3A = tpu.memref_slice %arg5[%mul3A_11, %mul3A_13] : memref<10016x128xf32, #tpu.memory_space<hbm>> -> memref<626x16xf32, #tpu.memory_space<hbm>>
      %dma_start3A_15 = arith.constant 0 : i32
      %dma_start3A_16 = tpu.memref_slice %arg8[%mul3A_9, %dma_start3A_15] : memref<10016x16xf32, #tpu.memory_space<vmem_shared>> -> memref<626x16xf32, #tpu.memory_space<vmem_shared>>
      tpu.enqueue_dma source(%dma_start3A_16 : memref<626x16xf32, #tpu.memory_space<vmem_shared>>) target(%dma_start3A : memref<626x16xf32, #tpu.memory_space<hbm>>) target_semaphore(%run_scoped3A_14 : memref<!tpu.dma_semaphore, #tpu.memory_space<semaphore_mem>>)
      %dma_wait3A = tpu.memref_slice %arg5[%mul3A_11, %mul3A_13] : memref<10016x128xf32, #tpu.memory_space<hbm>> -> memref<626x16xf32, #tpu.memory_space<hbm>>
      %dma_wait3A_17 = arith.constant 0 : i32
      %dma_wait3A_18 = tpu.memref_slice %arg8[%mul3A_9, %dma_wait3A_17] : memref<10016x16xf32, #tpu.memory_space<vmem_shared>> -> memref<626x16xf32, #tpu.memory_space<vmem_shared>>
      tpu.wait_dma2 semaphore(%run_scoped3A_14 : memref<!tpu.dma_semaphore, #tpu.memory_space<semaphore_mem>>) src(%dma_wait3A_18 : memref<626x16xf32, #tpu.memory_space<vmem_shared>>) dst(%dma_wait3A : memref<626x16xf32, #tpu.memory_space<hbm>>)
      tpu.yield
    }) : () -> ()
    return
  }
}

#map = affine_map<(d0, d1) -> (0, 0)>
#map1 = affine_map<(d0, d1) -> (0, 0, 0, 0)>
module attributes {stable_mosaic.version = 14 : i64} {
  func.func @scatter_kernel(%arg0: i32, %arg1: i32, %arg2: memref<10000x128xf32, #tpu.memory_space<hbm>>, %arg3: memref<2x16x250x80xi32, #tpu.memory_space<hbm>>, %arg4: memref<626x128xf32, #tpu.memory_space<hbm>>, %arg5: memref<10016x128xf32, #tpu.memory_space<hbm>>, %arg6: memref<250x80xi32, #tpu.memory_space<vmem>>, %arg7: memref<250x80xi32, #tpu.memory_space<vmem>>, %arg8: memref<80x64xf32, #tpu.memory_space<vmem>>, %arg9: memref<80x64xf32, #tpu.memory_space<vmem>>, %arg10: memref<10000x64xf32, #tpu.memory_space<vmem_shared>>, %arg11: memref<10016x64xf32, #tpu.memory_space<vmem_shared>>, %arg12: memref<!tpu.dma_semaphore, #tpu.memory_space<semaphore_mem>>, %arg13: memref<!tpu.dma_semaphore, #tpu.memory_space<semaphore_mem>>, %arg14: memref<!tpu.dma_semaphore, #tpu.memory_space<semaphore_mem>>, %arg15: memref<!tpu.dma_semaphore, #tpu.memory_space<semaphore_mem>>) attributes {dimension_semantics = [#tpu.dimension_semantics<core_parallel>, #tpu.dimension_semantics<subcore_parallel>], iteration_bounds = array<i64: 2, 16>, scalar_prefetch = 0 : i64, scratch_operands = 10 : i64, tpu.core_type = #tpu.core_type<sc_vector_subcore>, window_params = [{transform_indices = #map}, {transform_indices = #map1}, {transform_indices = #map}, {transform_indices = #map}]} {
    %mul3A = arith.constant 626 : i32
    %mul3A_0 = arith.muli %arg1, %mul3A : i32
    "tpu.region"() ({
      %run_scoped3A_129 = tpu.sem_alloc : memref<!tpu.dma_semaphore, #tpu.memory_space<semaphore_mem>>
      %dma_start3A_130 = arith.constant 0 : i32
      %dma_start3A_131 = tpu.memref_slice %arg11[%mul3A_0, %dma_start3A_130] : memref<10016x64xf32, #tpu.memory_space<vmem_shared>> -> memref<626x64xf32, #tpu.memory_space<vmem_shared>>
      %dma_start3A_132 = arith.constant 0 : i32
      %dma_start3A_133 = arith.constant 0 : i32
      %dma_start3A_134 = tpu.memref_slice %arg4[%dma_start3A_132, %dma_start3A_133] : memref<626x128xf32, #tpu.memory_space<hbm>> -> memref<626x64xf32, #tpu.memory_space<hbm>>
      tpu.enqueue_dma source(%dma_start3A_134 : memref<626x64xf32, #tpu.memory_space<hbm>>) target(%dma_start3A_131 : memref<626x64xf32, #tpu.memory_space<vmem_shared>>) target_semaphore(%run_scoped3A_129 : memref<!tpu.dma_semaphore, #tpu.memory_space<semaphore_mem>>)
      %dma_wait3A_135 = arith.constant 0 : i32
      %dma_wait3A_136 = tpu.memref_slice %arg11[%mul3A_0, %dma_wait3A_135] : memref<10016x64xf32, #tpu.memory_space<vmem_shared>> -> memref<626x64xf32, #tpu.memory_space<vmem_shared>>
      %dma_wait3A_137 = arith.constant 0 : i32
      %dma_wait3A_138 = arith.constant 0 : i32
      %dma_wait3A_139 = tpu.memref_slice %arg4[%dma_wait3A_137, %dma_wait3A_138] : memref<626x128xf32, #tpu.memory_space<hbm>> -> memref<626x64xf32, #tpu.memory_space<hbm>>
      tpu.wait_dma2 semaphore(%run_scoped3A_129 : memref<!tpu.dma_semaphore, #tpu.memory_space<semaphore_mem>>) src(%dma_wait3A_139 : memref<626x64xf32, #tpu.memory_space<hbm>>) dst(%dma_wait3A_136 : memref<626x64xf32, #tpu.memory_space<vmem_shared>>)
      tpu.yield
    }) : () -> ()
    %mul3A_1 = arith.constant 625 : i32
    %mul3A_2 = arith.muli %arg1, %mul3A_1 : i32
    %mul3A_3 = arith.constant 64 : i32
    %mul3A_4 = arith.muli %arg0, %mul3A_3 : i32
    %mul3A_5 = arith.constant 625 : i32
    %mul3A_6 = arith.muli %arg1, %mul3A_5 : i32
    "tpu.region"() ({
      %run_scoped3A_129 = tpu.sem_alloc : memref<!tpu.dma_semaphore, #tpu.memory_space<semaphore_mem>>
      %dma_start3A_130 = arith.constant 0 : i32
      %dma_start3A_131 = tpu.memref_slice %arg10[%mul3A_6, %dma_start3A_130] : memref<10000x64xf32, #tpu.memory_space<vmem_shared>> -> memref<625x64xf32, #tpu.memory_space<vmem_shared>>
      %dma_start3A_132 = tpu.memref_slice %arg2[%mul3A_2, %mul3A_4] : memref<10000x128xf32, #tpu.memory_space<hbm>> -> memref<625x64xf32, #tpu.memory_space<hbm>>
      tpu.enqueue_dma source(%dma_start3A_132 : memref<625x64xf32, #tpu.memory_space<hbm>>) target(%dma_start3A_131 : memref<625x64xf32, #tpu.memory_space<vmem_shared>>) target_semaphore(%run_scoped3A_129 : memref<!tpu.dma_semaphore, #tpu.memory_space<semaphore_mem>>)
      %dma_wait3A_133 = arith.constant 0 : i32
      %dma_wait3A_134 = tpu.memref_slice %arg10[%mul3A_6, %dma_wait3A_133] : memref<10000x64xf32, #tpu.memory_space<vmem_shared>> -> memref<625x64xf32, #tpu.memory_space<vmem_shared>>
      %dma_wait3A_135 = tpu.memref_slice %arg2[%mul3A_2, %mul3A_4] : memref<10000x128xf32, #tpu.memory_space<hbm>> -> memref<625x64xf32, #tpu.memory_space<hbm>>
      tpu.wait_dma2 semaphore(%run_scoped3A_129 : memref<!tpu.dma_semaphore, #tpu.memory_space<semaphore_mem>>) src(%dma_wait3A_135 : memref<625x64xf32, #tpu.memory_space<hbm>>) dst(%dma_wait3A_134 : memref<625x64xf32, #tpu.memory_space<vmem_shared>>)
      tpu.yield
    }) : () -> ()
    %run_scoped3A = arith.constant 0 : i32
    "tpu.region"() ({
      %run_scoped3A_129 = tpu.sem_alloc : memref<!tpu.dma_semaphore, #tpu.memory_space<semaphore_mem>>
      %dma_start3A_130 = arith.constant 0 : i32
      %dma_start3A_131 = arith.constant 0 : i32
      %dma_start3A_132 = tpu.memref_slice %arg3[%run_scoped3A, %arg1, %dma_start3A_130, %dma_start3A_131] : memref<2x16x250x80xi32, #tpu.memory_space<hbm>> -> memref<1x1x250x80xi32, #tpu.memory_space<hbm>>
      %dma_start3A_133 = tpu.memref_squeeze %dma_start3A_132 : memref<1x1x250x80xi32, #tpu.memory_space<hbm>> -> memref<250x80xi32, #tpu.memory_space<hbm>>
      %dma_start3A_134 = arith.constant 0 : i32
      %dma_start3A_135 = arith.constant 0 : i32
      %dma_start3A_136 = tpu.memref_slice %arg3[%run_scoped3A, %arg1, %dma_start3A_134, %dma_start3A_135] : memref<2x16x250x80xi32, #tpu.memory_space<hbm>> -> memref<1x1x250x80xi32, #tpu.memory_space<hbm>>
      %dma_start3A_137 = tpu.memref_squeeze %dma_start3A_136 : memref<1x1x250x80xi32, #tpu.memory_space<hbm>> -> memref<250x80xi32, #tpu.memory_space<hbm>>
      tpu.enqueue_dma source(%dma_start3A_137 : memref<250x80xi32, #tpu.memory_space<hbm>>) target(%arg6 : memref<250x80xi32, #tpu.memory_space<vmem>>) target_semaphore(%run_scoped3A_129 : memref<!tpu.dma_semaphore, #tpu.memory_space<semaphore_mem>>)
      %dma_wait3A_138 = arith.constant 0 : i32
      %dma_wait3A_139 = arith.constant 0 : i32
      %dma_wait3A_140 = tpu.memref_slice %arg3[%run_scoped3A, %arg1, %dma_wait3A_138, %dma_wait3A_139] : memref<2x16x250x80xi32, #tpu.memory_space<hbm>> -> memref<1x1x250x80xi32, #tpu.memory_space<hbm>>
      %dma_wait3A_141 = tpu.memref_squeeze %dma_wait3A_140 : memref<1x1x250x80xi32, #tpu.memory_space<hbm>> -> memref<250x80xi32, #tpu.memory_space<hbm>>
      %dma_wait3A_142 = arith.constant 0 : i32
      %dma_wait3A_143 = arith.constant 0 : i32
      %dma_wait3A_144 = tpu.memref_slice %arg3[%run_scoped3A, %arg1, %dma_wait3A_142, %dma_wait3A_143] : memref<2x16x250x80xi32, #tpu.memory_space<hbm>> -> memref<1x1x250x80xi32, #tpu.memory_space<hbm>>
      %dma_wait3A_145 = tpu.memref_squeeze %dma_wait3A_144 : memref<1x1x250x80xi32, #tpu.memory_space<hbm>> -> memref<250x80xi32, #tpu.memory_space<hbm>>
      tpu.wait_dma2 semaphore(%run_scoped3A_129 : memref<!tpu.dma_semaphore, #tpu.memory_space<semaphore_mem>>) src(%dma_wait3A_145 : memref<250x80xi32, #tpu.memory_space<hbm>>) dst(%arg6 : memref<250x80xi32, #tpu.memory_space<vmem>>)
      tpu.yield
    }) : () -> ()
    %run_scoped3A_7 = arith.constant 1 : i32
    "tpu.region"() ({
      %run_scoped3A_129 = tpu.sem_alloc : memref<!tpu.dma_semaphore, #tpu.memory_space<semaphore_mem>>
      %dma_start3A_130 = arith.constant 0 : i32
      %dma_start3A_131 = arith.constant 0 : i32
      %dma_start3A_132 = tpu.memref_slice %arg3[%run_scoped3A_7, %arg1, %dma_start3A_130, %dma_start3A_131] : memref<2x16x250x80xi32, #tpu.memory_space<hbm>> -> memref<1x1x250x80xi32, #tpu.memory_space<hbm>>
      %dma_start3A_133 = tpu.memref_squeeze %dma_start3A_132 : memref<1x1x250x80xi32, #tpu.memory_space<hbm>> -> memref<250x80xi32, #tpu.memory_space<hbm>>
      %dma_start3A_134 = arith.constant 0 : i32
      %dma_start3A_135 = arith.constant 0 : i32
      %dma_start3A_136 = tpu.memref_slice %arg3[%run_scoped3A_7, %arg1, %dma_start3A_134, %dma_start3A_135] : memref<2x16x250x80xi32, #tpu.memory_space<hbm>> -> memref<1x1x250x80xi32, #tpu.memory_space<hbm>>
      %dma_start3A_137 = tpu.memref_squeeze %dma_start3A_136 : memref<1x1x250x80xi32, #tpu.memory_space<hbm>> -> memref<250x80xi32, #tpu.memory_space<hbm>>
      tpu.enqueue_dma source(%dma_start3A_137 : memref<250x80xi32, #tpu.memory_space<hbm>>) target(%arg7 : memref<250x80xi32, #tpu.memory_space<vmem>>) target_semaphore(%run_scoped3A_129 : memref<!tpu.dma_semaphore, #tpu.memory_space<semaphore_mem>>)
      %dma_wait3A_138 = arith.constant 0 : i32
      %dma_wait3A_139 = arith.constant 0 : i32
      %dma_wait3A_140 = tpu.memref_slice %arg3[%run_scoped3A_7, %arg1, %dma_wait3A_138, %dma_wait3A_139] : memref<2x16x250x80xi32, #tpu.memory_space<hbm>> -> memref<1x1x250x80xi32, #tpu.memory_space<hbm>>
      %dma_wait3A_141 = tpu.memref_squeeze %dma_wait3A_140 : memref<1x1x250x80xi32, #tpu.memory_space<hbm>> -> memref<250x80xi32, #tpu.memory_space<hbm>>
      %dma_wait3A_142 = arith.constant 0 : i32
      %dma_wait3A_143 = arith.constant 0 : i32
      %dma_wait3A_144 = tpu.memref_slice %arg3[%run_scoped3A_7, %arg1, %dma_wait3A_142, %dma_wait3A_143] : memref<2x16x250x80xi32, #tpu.memory_space<hbm>> -> memref<1x1x250x80xi32, #tpu.memory_space<hbm>>
      %dma_wait3A_145 = tpu.memref_squeeze %dma_wait3A_144 : memref<1x1x250x80xi32, #tpu.memory_space<hbm>> -> memref<250x80xi32, #tpu.memory_space<hbm>>
      tpu.wait_dma2 semaphore(%run_scoped3A_129 : memref<!tpu.dma_semaphore, #tpu.memory_space<semaphore_mem>>) src(%dma_wait3A_145 : memref<250x80xi32, #tpu.memory_space<hbm>>) dst(%arg7 : memref<250x80xi32, #tpu.memory_space<vmem>>)
      tpu.yield
    }) : () -> ()
    %barrier3A = arith.constant 0 : index
    tpu.barrier barrier_id(%barrier3A)
    %dma_start3A = arith.constant 0 : i32
    %dma_start3A_8 = arith.constant 0 : i32
    %dma_start3A_9 = tpu.memref_slice %arg6[%dma_start3A, %dma_start3A_8] : memref<250x80xi32, #tpu.memory_space<vmem>> -> memref<1x80xi32, #tpu.memory_space<vmem>>
    %dma_start3A_10 = tpu.memref_squeeze %dma_start3A_9 : memref<1x80xi32, #tpu.memory_space<vmem>> -> memref<80xi32, #tpu.memory_space<vmem>>
    %dma_start3A_11 = arith.constant 0 : i32
    %dma_start3A_12 = arith.constant 0 : i32
    %dma_start3A_13 = tpu.memref_slice %arg10[%dma_start3A_11, %dma_start3A_12] : memref<10000x64xf32, #tpu.memory_space<vmem_shared>> -> memref<10000x64xf32, #tpu.memory_space<vmem_shared>>
    tpu.enqueue_indirect_dma source(%dma_start3A_13 : memref<10000x64xf32, #tpu.memory_space<vmem_shared>>) target(%arg8 : memref<80x64xf32, #tpu.memory_space<vmem>>) offsets(%dma_start3A_10 : memref<80xi32, #tpu.memory_space<vmem>>) semaphore(%arg12 : memref<!tpu.dma_semaphore, #tpu.memory_space<semaphore_mem>>)
    %dma_wait3A = arith.constant 0 : i32
    %dma_wait3A_14 = arith.constant 0 : i32
    %dma_wait3A_15 = tpu.memref_slice %arg6[%dma_wait3A, %dma_wait3A_14] : memref<250x80xi32, #tpu.memory_space<vmem>> -> memref<1x80xi32, #tpu.memory_space<vmem>>
    %dma_wait3A_16 = tpu.memref_squeeze %dma_wait3A_15 : memref<1x80xi32, #tpu.memory_space<vmem>> -> memref<80xi32, #tpu.memory_space<vmem>>
    %dma_wait3A_17 = arith.constant 0 : i32
    %dma_wait3A_18 = arith.constant 0 : i32
    %dma_wait3A_19 = tpu.memref_slice %arg10[%dma_wait3A_17, %dma_wait3A_18] : memref<10000x64xf32, #tpu.memory_space<vmem_shared>> -> memref<10000x64xf32, #tpu.memory_space<vmem_shared>>
    tpu.wait_indirect_dma semaphore(%arg12 : memref<!tpu.dma_semaphore, #tpu.memory_space<semaphore_mem>>) src(%dma_wait3A_19 : memref<10000x64xf32, #tpu.memory_space<vmem_shared>>) dst(%arg8 : memref<80x64xf32, #tpu.memory_space<vmem>>)
    %dma_start3A_20 = arith.constant 0 : i32
    %dma_start3A_21 = arith.constant 0 : i32
    %dma_start3A_22 = tpu.memref_slice %arg7[%dma_start3A_20, %dma_start3A_21] : memref<250x80xi32, #tpu.memory_space<vmem>> -> memref<1x80xi32, #tpu.memory_space<vmem>>
    %dma_start3A_23 = tpu.memref_squeeze %dma_start3A_22 : memref<1x80xi32, #tpu.memory_space<vmem>> -> memref<80xi32, #tpu.memory_space<vmem>>
    %dma_start3A_24 = arith.constant 0 : i32
    %dma_start3A_25 = arith.constant 0 : i32
    %dma_start3A_26 = tpu.memref_slice %arg11[%dma_start3A_24, %dma_start3A_25] : memref<10016x64xf32, #tpu.memory_space<vmem_shared>> -> memref<10016x64xf32, #tpu.memory_space<vmem_shared>>
    tpu.enqueue_indirect_dma source(%arg8 : memref<80x64xf32, #tpu.memory_space<vmem>>) target(%dma_start3A_26 : memref<10016x64xf32, #tpu.memory_space<vmem_shared>>) offsets(%dma_start3A_23 : memref<80xi32, #tpu.memory_space<vmem>>) semaphore(%arg14 : memref<!tpu.dma_semaphore, #tpu.memory_space<semaphore_mem>>) {add = true}
    %dma_start3A_27 = arith.constant 1 : i32
    %dma_start3A_28 = arith.constant 0 : i32
    %dma_start3A_29 = tpu.memref_slice %arg6[%dma_start3A_27, %dma_start3A_28] : memref<250x80xi32, #tpu.memory_space<vmem>> -> memref<1x80xi32, #tpu.memory_space<vmem>>
    %dma_start3A_30 = tpu.memref_squeeze %dma_start3A_29 : memref<1x80xi32, #tpu.memory_space<vmem>> -> memref<80xi32, #tpu.memory_space<vmem>>
    %dma_start3A_31 = arith.constant 0 : i32
    %dma_start3A_32 = arith.constant 0 : i32
    %dma_start3A_33 = tpu.memref_slice %arg10[%dma_start3A_31, %dma_start3A_32] : memref<10000x64xf32, #tpu.memory_space<vmem_shared>> -> memref<10000x64xf32, #tpu.memory_space<vmem_shared>>
    tpu.enqueue_indirect_dma source(%dma_start3A_33 : memref<10000x64xf32, #tpu.memory_space<vmem_shared>>) target(%arg9 : memref<80x64xf32, #tpu.memory_space<vmem>>) offsets(%dma_start3A_30 : memref<80xi32, #tpu.memory_space<vmem>>) semaphore(%arg13 : memref<!tpu.dma_semaphore, #tpu.memory_space<semaphore_mem>>)
    %dma_wait3A_34 = arith.constant 1 : i32
    %dma_wait3A_35 = arith.constant 0 : i32
    %dma_wait3A_36 = tpu.memref_slice %arg6[%dma_wait3A_34, %dma_wait3A_35] : memref<250x80xi32, #tpu.memory_space<vmem>> -> memref<1x80xi32, #tpu.memory_space<vmem>>
    %dma_wait3A_37 = tpu.memref_squeeze %dma_wait3A_36 : memref<1x80xi32, #tpu.memory_space<vmem>> -> memref<80xi32, #tpu.memory_space<vmem>>
    %dma_wait3A_38 = arith.constant 0 : i32
    %dma_wait3A_39 = arith.constant 0 : i32
    %dma_wait3A_40 = tpu.memref_slice %arg10[%dma_wait3A_38, %dma_wait3A_39] : memref<10000x64xf32, #tpu.memory_space<vmem_shared>> -> memref<10000x64xf32, #tpu.memory_space<vmem_shared>>
    tpu.wait_indirect_dma semaphore(%arg13 : memref<!tpu.dma_semaphore, #tpu.memory_space<semaphore_mem>>) src(%dma_wait3A_40 : memref<10000x64xf32, #tpu.memory_space<vmem_shared>>) dst(%arg9 : memref<80x64xf32, #tpu.memory_space<vmem>>)
    %dma_start3A_41 = arith.constant 1 : i32
    %dma_start3A_42 = arith.constant 0 : i32
    %dma_start3A_43 = tpu.memref_slice %arg7[%dma_start3A_41, %dma_start3A_42] : memref<250x80xi32, #tpu.memory_space<vmem>> -> memref<1x80xi32, #tpu.memory_space<vmem>>
    %dma_start3A_44 = tpu.memref_squeeze %dma_start3A_43 : memref<1x80xi32, #tpu.memory_space<vmem>> -> memref<80xi32, #tpu.memory_space<vmem>>
    %dma_start3A_45 = arith.constant 0 : i32
    %dma_start3A_46 = arith.constant 0 : i32
    %dma_start3A_47 = tpu.memref_slice %arg11[%dma_start3A_45, %dma_start3A_46] : memref<10016x64xf32, #tpu.memory_space<vmem_shared>> -> memref<10016x64xf32, #tpu.memory_space<vmem_shared>>
    tpu.enqueue_indirect_dma source(%arg9 : memref<80x64xf32, #tpu.memory_space<vmem>>) target(%dma_start3A_47 : memref<10016x64xf32, #tpu.memory_space<vmem_shared>>) offsets(%dma_start3A_44 : memref<80xi32, #tpu.memory_space<vmem>>) semaphore(%arg15 : memref<!tpu.dma_semaphore, #tpu.memory_space<semaphore_mem>>) {add = true}
    %dma_wait3A_48 = arith.constant 0 : i32
    %dma_wait3A_49 = arith.constant 0 : i32
    %dma_wait3A_50 = tpu.memref_slice %arg7[%dma_wait3A_48, %dma_wait3A_49] : memref<250x80xi32, #tpu.memory_space<vmem>> -> memref<1x80xi32, #tpu.memory_space<vmem>>
    %dma_wait3A_51 = tpu.memref_squeeze %dma_wait3A_50 : memref<1x80xi32, #tpu.memory_space<vmem>> -> memref<80xi32, #tpu.memory_space<vmem>>
    %dma_wait3A_52 = arith.constant 0 : i32
    %dma_wait3A_53 = arith.constant 0 : i32
    %dma_wait3A_54 = tpu.memref_slice %arg11[%dma_wait3A_52, %dma_wait3A_53] : memref<10016x64xf32, #tpu.memory_space<vmem_shared>> -> memref<10016x64xf32, #tpu.memory_space<vmem_shared>>
    tpu.wait_indirect_dma semaphore(%arg14 : memref<!tpu.dma_semaphore, #tpu.memory_space<semaphore_mem>>) src(%arg8 : memref<80x64xf32, #tpu.memory_space<vmem>>) dst(%dma_wait3A_54 : memref<10016x64xf32, #tpu.memory_space<vmem_shared>>)
    %dma_start3A_55 = arith.constant 2 : i32
    %dma_start3A_56 = arith.constant 0 : i32
    %dma_start3A_57 = tpu.memref_slice %arg6[%dma_start3A_55, %dma_start3A_56] : memref<250x80xi32, #tpu.memory_space<vmem>> -> memref<1x80xi32, #tpu.memory_space<vmem>>
    %dma_start3A_58 = tpu.memref_squeeze %dma_start3A_57 : memref<1x80xi32, #tpu.memory_space<vmem>> -> memref<80xi32, #tpu.memory_space<vmem>>
    %dma_start3A_59 = arith.constant 0 : i32
    %dma_start3A_60 = arith.constant 0 : i32
    %dma_start3A_61 = tpu.memref_slice %arg10[%dma_start3A_59, %dma_start3A_60] : memref<10000x64xf32, #tpu.memory_space<vmem_shared>> -> memref<10000x64xf32, #tpu.memory_space<vmem_shared>>
    tpu.enqueue_indirect_dma source(%dma_start3A_61 : memref<10000x64xf32, #tpu.memory_space<vmem_shared>>) target(%arg8 : memref<80x64xf32, #tpu.memory_space<vmem>>) offsets(%dma_start3A_58 : memref<80xi32, #tpu.memory_space<vmem>>) semaphore(%arg12 : memref<!tpu.dma_semaphore, #tpu.memory_space<semaphore_mem>>)
    %scan3A = arith.constant 0 : i32
    %scan3A_62 = arith.constant 123 : i32
    %scan3A_63 = arith.addi %scan3A, %scan3A_62 : i32
    %scan3A_64 = arith.constant 1 : i32
    scf.for %scan3A_129 = %scan3A to %scan3A_63 step %scan3A_64  : i32 {
      %mul3A_130 = arith.constant 2 : i32
      %mul3A_131 = arith.muli %scan3A_129, %mul3A_130 : i32
      %add3A = arith.constant 2 : i32
      %add3A_132 = arith.addi %add3A, %mul3A_131 : i32
      %add3A_133 = arith.constant 0 : i32
      %add3A_134 = arith.addi %add3A_132, %add3A_133 : i32
      %dma_wait3A_135 = arith.constant 0 : i32
      %dma_wait3A_136 = tpu.memref_slice %arg6[%add3A_134, %dma_wait3A_135] : memref<250x80xi32, #tpu.memory_space<vmem>> -> memref<1x80xi32, #tpu.memory_space<vmem>>
      %dma_wait3A_137 = tpu.memref_squeeze %dma_wait3A_136 : memref<1x80xi32, #tpu.memory_space<vmem>> -> memref<80xi32, #tpu.memory_space<vmem>>
      %dma_wait3A_138 = arith.constant 0 : i32
      %dma_wait3A_139 = arith.constant 0 : i32
      %dma_wait3A_140 = tpu.memref_slice %arg10[%dma_wait3A_138, %dma_wait3A_139] : memref<10000x64xf32, #tpu.memory_space<vmem_shared>> -> memref<10000x64xf32, #tpu.memory_space<vmem_shared>>
      tpu.wait_indirect_dma semaphore(%arg12 : memref<!tpu.dma_semaphore, #tpu.memory_space<semaphore_mem>>) src(%dma_wait3A_140 : memref<10000x64xf32, #tpu.memory_space<vmem_shared>>) dst(%arg8 : memref<80x64xf32, #tpu.memory_space<vmem>>)
      %dma_start3A_141 = arith.constant 0 : i32
      %dma_start3A_142 = tpu.memref_slice %arg7[%add3A_134, %dma_start3A_141] : memref<250x80xi32, #tpu.memory_space<vmem>> -> memref<1x80xi32, #tpu.memory_space<vmem>>
      %dma_start3A_143 = tpu.memref_squeeze %dma_start3A_142 : memref<1x80xi32, #tpu.memory_space<vmem>> -> memref<80xi32, #tpu.memory_space<vmem>>
      %dma_start3A_144 = arith.constant 0 : i32
      %dma_start3A_145 = arith.constant 0 : i32
      %dma_start3A_146 = tpu.memref_slice %arg11[%dma_start3A_144, %dma_start3A_145] : memref<10016x64xf32, #tpu.memory_space<vmem_shared>> -> memref<10016x64xf32, #tpu.memory_space<vmem_shared>>
      tpu.enqueue_indirect_dma source(%arg8 : memref<80x64xf32, #tpu.memory_space<vmem>>) target(%dma_start3A_146 : memref<10016x64xf32, #tpu.memory_space<vmem_shared>>) offsets(%dma_start3A_143 : memref<80xi32, #tpu.memory_space<vmem>>) semaphore(%arg14 : memref<!tpu.dma_semaphore, #tpu.memory_space<semaphore_mem>>) {add = true}
      %sub3A = arith.constant 1 : i32
      %sub3A_147 = arith.subi %add3A_134, %sub3A : i32
      %dma_wait3A_148 = arith.constant 0 : i32
      %dma_wait3A_149 = tpu.memref_slice %arg7[%sub3A_147, %dma_wait3A_148] : memref<250x80xi32, #tpu.memory_space<vmem>> -> memref<1x80xi32, #tpu.memory_space<vmem>>
      %dma_wait3A_150 = tpu.memref_squeeze %dma_wait3A_149 : memref<1x80xi32, #tpu.memory_space<vmem>> -> memref<80xi32, #tpu.memory_space<vmem>>
      %dma_wait3A_151 = arith.constant 0 : i32
      %dma_wait3A_152 = arith.constant 0 : i32
      %dma_wait3A_153 = tpu.memref_slice %arg11[%dma_wait3A_151, %dma_wait3A_152] : memref<10016x64xf32, #tpu.memory_space<vmem_shared>> -> memref<10016x64xf32, #tpu.memory_space<vmem_shared>>
      tpu.wait_indirect_dma semaphore(%arg15 : memref<!tpu.dma_semaphore, #tpu.memory_space<semaphore_mem>>) src(%arg9 : memref<80x64xf32, #tpu.memory_space<vmem>>) dst(%dma_wait3A_153 : memref<10016x64xf32, #tpu.memory_space<vmem_shared>>)
      %add3A_154 = arith.constant 1 : i32
      %add3A_155 = arith.addi %add3A_134, %add3A_154 : i32
      %dma_start3A_156 = arith.constant 0 : i32
      %dma_start3A_157 = tpu.memref_slice %arg6[%add3A_155, %dma_start3A_156] : memref<250x80xi32, #tpu.memory_space<vmem>> -> memref<1x80xi32, #tpu.memory_space<vmem>>
      %dma_start3A_158 = tpu.memref_squeeze %dma_start3A_157 : memref<1x80xi32, #tpu.memory_space<vmem>> -> memref<80xi32, #tpu.memory_space<vmem>>
      %dma_start3A_159 = arith.constant 0 : i32
      %dma_start3A_160 = arith.constant 0 : i32
      %dma_start3A_161 = tpu.memref_slice %arg10[%dma_start3A_159, %dma_start3A_160] : memref<10000x64xf32, #tpu.memory_space<vmem_shared>> -> memref<10000x64xf32, #tpu.memory_space<vmem_shared>>
      tpu.enqueue_indirect_dma source(%dma_start3A_161 : memref<10000x64xf32, #tpu.memory_space<vmem_shared>>) target(%arg9 : memref<80x64xf32, #tpu.memory_space<vmem>>) offsets(%dma_start3A_158 : memref<80xi32, #tpu.memory_space<vmem>>) semaphore(%arg13 : memref<!tpu.dma_semaphore, #tpu.memory_space<semaphore_mem>>)
      %add3A_162 = arith.constant 1 : i32
      %add3A_163 = arith.addi %add3A_132, %add3A_162 : i32
      %dma_wait3A_164 = arith.constant 0 : i32
      %dma_wait3A_165 = tpu.memref_slice %arg6[%add3A_163, %dma_wait3A_164] : memref<250x80xi32, #tpu.memory_space<vmem>> -> memref<1x80xi32, #tpu.memory_space<vmem>>
      %dma_wait3A_166 = tpu.memref_squeeze %dma_wait3A_165 : memref<1x80xi32, #tpu.memory_space<vmem>> -> memref<80xi32, #tpu.memory_space<vmem>>
      %dma_wait3A_167 = arith.constant 0 : i32
      %dma_wait3A_168 = arith.constant 0 : i32
      %dma_wait3A_169 = tpu.memref_slice %arg10[%dma_wait3A_167, %dma_wait3A_168] : memref<10000x64xf32, #tpu.memory_space<vmem_shared>> -> memref<10000x64xf32, #tpu.memory_space<vmem_shared>>
      tpu.wait_indirect_dma semaphore(%arg13 : memref<!tpu.dma_semaphore, #tpu.memory_space<semaphore_mem>>) src(%dma_wait3A_169 : memref<10000x64xf32, #tpu.memory_space<vmem_shared>>) dst(%arg9 : memref<80x64xf32, #tpu.memory_space<vmem>>)
      %dma_start3A_170 = arith.constant 0 : i32
      %dma_start3A_171 = tpu.memref_slice %arg7[%add3A_163, %dma_start3A_170] : memref<250x80xi32, #tpu.memory_space<vmem>> -> memref<1x80xi32, #tpu.memory_space<vmem>>
      %dma_start3A_172 = tpu.memref_squeeze %dma_start3A_171 : memref<1x80xi32, #tpu.memory_space<vmem>> -> memref<80xi32, #tpu.memory_space<vmem>>
      %dma_start3A_173 = arith.constant 0 : i32
      %dma_start3A_174 = arith.constant 0 : i32
      %dma_start3A_175 = tpu.memref_slice %arg11[%dma_start3A_173, %dma_start3A_174] : memref<10016x64xf32, #tpu.memory_space<vmem_shared>> -> memref<10016x64xf32, #tpu.memory_space<vmem_shared>>
      tpu.enqueue_indirect_dma source(%arg9 : memref<80x64xf32, #tpu.memory_space<vmem>>) target(%dma_start3A_175 : memref<10016x64xf32, #tpu.memory_space<vmem_shared>>) offsets(%dma_start3A_172 : memref<80xi32, #tpu.memory_space<vmem>>) semaphore(%arg15 : memref<!tpu.dma_semaphore, #tpu.memory_space<semaphore_mem>>) {add = true}
      %sub3A_176 = arith.constant 1 : i32
      %sub3A_177 = arith.subi %add3A_163, %sub3A_176 : i32
      %dma_wait3A_178 = arith.constant 0 : i32
      %dma_wait3A_179 = tpu.memref_slice %arg7[%sub3A_177, %dma_wait3A_178] : memref<250x80xi32, #tpu.memory_space<vmem>> -> memref<1x80xi32, #tpu.memory_space<vmem>>
      %dma_wait3A_180 = tpu.memref_squeeze %dma_wait3A_179 : memref<1x80xi32, #tpu.memory_space<vmem>> -> memref<80xi32, #tpu.memory_space<vmem>>
      %dma_wait3A_181 = arith.constant 0 : i32
      %dma_wait3A_182 = arith.constant 0 : i32
      %dma_wait3A_183 = tpu.memref_slice %arg11[%dma_wait3A_181, %dma_wait3A_182] : memref<10016x64xf32, #tpu.memory_space<vmem_shared>> -> memref<10016x64xf32, #tpu.memory_space<vmem_shared>>
      tpu.wait_indirect_dma semaphore(%arg14 : memref<!tpu.dma_semaphore, #tpu.memory_space<semaphore_mem>>) src(%arg8 : memref<80x64xf32, #tpu.memory_space<vmem>>) dst(%dma_wait3A_183 : memref<10016x64xf32, #tpu.memory_space<vmem_shared>>)
      %add3A_184 = arith.constant 1 : i32
      %add3A_185 = arith.addi %add3A_163, %add3A_184 : i32
      %dma_start3A_186 = arith.constant 0 : i32
      %dma_start3A_187 = tpu.memref_slice %arg6[%add3A_185, %dma_start3A_186] : memref<250x80xi32, #tpu.memory_space<vmem>> -> memref<1x80xi32, #tpu.memory_space<vmem>>
      %dma_start3A_188 = tpu.memref_squeeze %dma_start3A_187 : memref<1x80xi32, #tpu.memory_space<vmem>> -> memref<80xi32, #tpu.memory_space<vmem>>
      %dma_start3A_189 = arith.constant 0 : i32
      %dma_start3A_190 = arith.constant 0 : i32
      %dma_start3A_191 = tpu.memref_slice %arg10[%dma_start3A_189, %dma_start3A_190] : memref<10000x64xf32, #tpu.memory_space<vmem_shared>> -> memref<10000x64xf32, #tpu.memory_space<vmem_shared>>
      tpu.enqueue_indirect_dma source(%dma_start3A_191 : memref<10000x64xf32, #tpu.memory_space<vmem_shared>>) target(%arg8 : memref<80x64xf32, #tpu.memory_space<vmem>>) offsets(%dma_start3A_188 : memref<80xi32, #tpu.memory_space<vmem>>) semaphore(%arg12 : memref<!tpu.dma_semaphore, #tpu.memory_space<semaphore_mem>>)
    }
    %scan3A_65 = arith.constant 123 : i32
    %dma_wait3A_66 = arith.constant 248 : i32
    %dma_wait3A_67 = arith.constant 0 : i32
    %dma_wait3A_68 = tpu.memref_slice %arg6[%dma_wait3A_66, %dma_wait3A_67] : memref<250x80xi32, #tpu.memory_space<vmem>> -> memref<1x80xi32, #tpu.memory_space<vmem>>
    %dma_wait3A_69 = tpu.memref_squeeze %dma_wait3A_68 : memref<1x80xi32, #tpu.memory_space<vmem>> -> memref<80xi32, #tpu.memory_space<vmem>>
    %dma_wait3A_70 = arith.constant 0 : i32
    %dma_wait3A_71 = arith.constant 0 : i32
    %dma_wait3A_72 = tpu.memref_slice %arg10[%dma_wait3A_70, %dma_wait3A_71] : memref<10000x64xf32, #tpu.memory_space<vmem_shared>> -> memref<10000x64xf32, #tpu.memory_space<vmem_shared>>
    tpu.wait_indirect_dma semaphore(%arg12 : memref<!tpu.dma_semaphore, #tpu.memory_space<semaphore_mem>>) src(%dma_wait3A_72 : memref<10000x64xf32, #tpu.memory_space<vmem_shared>>) dst(%arg8 : memref<80x64xf32, #tpu.memory_space<vmem>>)
    %dma_start3A_73 = arith.constant 248 : i32
    %dma_start3A_74 = arith.constant 0 : i32
    %dma_start3A_75 = tpu.memref_slice %arg7[%dma_start3A_73, %dma_start3A_74] : memref<250x80xi32, #tpu.memory_space<vmem>> -> memref<1x80xi32, #tpu.memory_space<vmem>>
    %dma_start3A_76 = tpu.memref_squeeze %dma_start3A_75 : memref<1x80xi32, #tpu.memory_space<vmem>> -> memref<80xi32, #tpu.memory_space<vmem>>
    %dma_start3A_77 = arith.constant 0 : i32
    %dma_start3A_78 = arith.constant 0 : i32
    %dma_start3A_79 = tpu.memref_slice %arg11[%dma_start3A_77, %dma_start3A_78] : memref<10016x64xf32, #tpu.memory_space<vmem_shared>> -> memref<10016x64xf32, #tpu.memory_space<vmem_shared>>
    tpu.enqueue_indirect_dma source(%arg8 : memref<80x64xf32, #tpu.memory_space<vmem>>) target(%dma_start3A_79 : memref<10016x64xf32, #tpu.memory_space<vmem_shared>>) offsets(%dma_start3A_76 : memref<80xi32, #tpu.memory_space<vmem>>) semaphore(%arg14 : memref<!tpu.dma_semaphore, #tpu.memory_space<semaphore_mem>>) {add = true}
    %dma_wait3A_80 = arith.constant 247 : i32
    %dma_wait3A_81 = arith.constant 0 : i32
    %dma_wait3A_82 = tpu.memref_slice %arg7[%dma_wait3A_80, %dma_wait3A_81] : memref<250x80xi32, #tpu.memory_space<vmem>> -> memref<1x80xi32, #tpu.memory_space<vmem>>
    %dma_wait3A_83 = tpu.memref_squeeze %dma_wait3A_82 : memref<1x80xi32, #tpu.memory_space<vmem>> -> memref<80xi32, #tpu.memory_space<vmem>>
    %dma_wait3A_84 = arith.constant 0 : i32
    %dma_wait3A_85 = arith.constant 0 : i32
    %dma_wait3A_86 = tpu.memref_slice %arg11[%dma_wait3A_84, %dma_wait3A_85] : memref<10016x64xf32, #tpu.memory_space<vmem_shared>> -> memref<10016x64xf32, #tpu.memory_space<vmem_shared>>
    tpu.wait_indirect_dma semaphore(%arg15 : memref<!tpu.dma_semaphore, #tpu.memory_space<semaphore_mem>>) src(%arg9 : memref<80x64xf32, #tpu.memory_space<vmem>>) dst(%dma_wait3A_86 : memref<10016x64xf32, #tpu.memory_space<vmem_shared>>)
    %dma_start3A_87 = arith.constant 249 : i32
    %dma_start3A_88 = arith.constant 0 : i32
    %dma_start3A_89 = tpu.memref_slice %arg6[%dma_start3A_87, %dma_start3A_88] : memref<250x80xi32, #tpu.memory_space<vmem>> -> memref<1x80xi32, #tpu.memory_space<vmem>>
    %dma_start3A_90 = tpu.memref_squeeze %dma_start3A_89 : memref<1x80xi32, #tpu.memory_space<vmem>> -> memref<80xi32, #tpu.memory_space<vmem>>
    %dma_start3A_91 = arith.constant 0 : i32
    %dma_start3A_92 = arith.constant 0 : i32
    %dma_start3A_93 = tpu.memref_slice %arg10[%dma_start3A_91, %dma_start3A_92] : memref<10000x64xf32, #tpu.memory_space<vmem_shared>> -> memref<10000x64xf32, #tpu.memory_space<vmem_shared>>
    tpu.enqueue_indirect_dma source(%dma_start3A_93 : memref<10000x64xf32, #tpu.memory_space<vmem_shared>>) target(%arg9 : memref<80x64xf32, #tpu.memory_space<vmem>>) offsets(%dma_start3A_90 : memref<80xi32, #tpu.memory_space<vmem>>) semaphore(%arg13 : memref<!tpu.dma_semaphore, #tpu.memory_space<semaphore_mem>>)
    %dma_wait3A_94 = arith.constant 249 : i32
    %dma_wait3A_95 = arith.constant 0 : i32
    %dma_wait3A_96 = tpu.memref_slice %arg6[%dma_wait3A_94, %dma_wait3A_95] : memref<250x80xi32, #tpu.memory_space<vmem>> -> memref<1x80xi32, #tpu.memory_space<vmem>>
    %dma_wait3A_97 = tpu.memref_squeeze %dma_wait3A_96 : memref<1x80xi32, #tpu.memory_space<vmem>> -> memref<80xi32, #tpu.memory_space<vmem>>
    %dma_wait3A_98 = arith.constant 0 : i32
    %dma_wait3A_99 = arith.constant 0 : i32
    %dma_wait3A_100 = tpu.memref_slice %arg10[%dma_wait3A_98, %dma_wait3A_99] : memref<10000x64xf32, #tpu.memory_space<vmem_shared>> -> memref<10000x64xf32, #tpu.memory_space<vmem_shared>>
    tpu.wait_indirect_dma semaphore(%arg13 : memref<!tpu.dma_semaphore, #tpu.memory_space<semaphore_mem>>) src(%dma_wait3A_100 : memref<10000x64xf32, #tpu.memory_space<vmem_shared>>) dst(%arg9 : memref<80x64xf32, #tpu.memory_space<vmem>>)
    %dma_start3A_101 = arith.constant 249 : i32
    %dma_start3A_102 = arith.constant 0 : i32
    %dma_start3A_103 = tpu.memref_slice %arg7[%dma_start3A_101, %dma_start3A_102] : memref<250x80xi32, #tpu.memory_space<vmem>> -> memref<1x80xi32, #tpu.memory_space<vmem>>
    %dma_start3A_104 = tpu.memref_squeeze %dma_start3A_103 : memref<1x80xi32, #tpu.memory_space<vmem>> -> memref<80xi32, #tpu.memory_space<vmem>>
    %dma_start3A_105 = arith.constant 0 : i32
    %dma_start3A_106 = arith.constant 0 : i32
    %dma_start3A_107 = tpu.memref_slice %arg11[%dma_start3A_105, %dma_start3A_106] : memref<10016x64xf32, #tpu.memory_space<vmem_shared>> -> memref<10016x64xf32, #tpu.memory_space<vmem_shared>>
    tpu.enqueue_indirect_dma source(%arg9 : memref<80x64xf32, #tpu.memory_space<vmem>>) target(%dma_start3A_107 : memref<10016x64xf32, #tpu.memory_space<vmem_shared>>) offsets(%dma_start3A_104 : memref<80xi32, #tpu.memory_space<vmem>>) semaphore(%arg15 : memref<!tpu.dma_semaphore, #tpu.memory_space<semaphore_mem>>) {add = true}
    %dma_wait3A_108 = arith.constant 248 : i32
    %dma_wait3A_109 = arith.constant 0 : i32
    %dma_wait3A_110 = tpu.memref_slice %arg7[%dma_wait3A_108, %dma_wait3A_109] : memref<250x80xi32, #tpu.memory_space<vmem>> -> memref<1x80xi32, #tpu.memory_space<vmem>>
    %dma_wait3A_111 = tpu.memref_squeeze %dma_wait3A_110 : memref<1x80xi32, #tpu.memory_space<vmem>> -> memref<80xi32, #tpu.memory_space<vmem>>
    %dma_wait3A_112 = arith.constant 0 : i32
    %dma_wait3A_113 = arith.constant 0 : i32
    %dma_wait3A_114 = tpu.memref_slice %arg11[%dma_wait3A_112, %dma_wait3A_113] : memref<10016x64xf32, #tpu.memory_space<vmem_shared>> -> memref<10016x64xf32, #tpu.memory_space<vmem_shared>>
    tpu.wait_indirect_dma semaphore(%arg14 : memref<!tpu.dma_semaphore, #tpu.memory_space<semaphore_mem>>) src(%arg8 : memref<80x64xf32, #tpu.memory_space<vmem>>) dst(%dma_wait3A_114 : memref<10016x64xf32, #tpu.memory_space<vmem_shared>>)
    %dma_wait3A_115 = arith.constant 249 : i32
    %dma_wait3A_116 = arith.constant 0 : i32
    %dma_wait3A_117 = tpu.memref_slice %arg7[%dma_wait3A_115, %dma_wait3A_116] : memref<250x80xi32, #tpu.memory_space<vmem>> -> memref<1x80xi32, #tpu.memory_space<vmem>>
    %dma_wait3A_118 = tpu.memref_squeeze %dma_wait3A_117 : memref<1x80xi32, #tpu.memory_space<vmem>> -> memref<80xi32, #tpu.memory_space<vmem>>
    %dma_wait3A_119 = arith.constant 0 : i32
    %dma_wait3A_120 = arith.constant 0 : i32
    %dma_wait3A_121 = tpu.memref_slice %arg11[%dma_wait3A_119, %dma_wait3A_120] : memref<10016x64xf32, #tpu.memory_space<vmem_shared>> -> memref<10016x64xf32, #tpu.memory_space<vmem_shared>>
    tpu.wait_indirect_dma semaphore(%arg15 : memref<!tpu.dma_semaphore, #tpu.memory_space<semaphore_mem>>) src(%arg9 : memref<80x64xf32, #tpu.memory_space<vmem>>) dst(%dma_wait3A_121 : memref<10016x64xf32, #tpu.memory_space<vmem_shared>>)
    %barrier3A_122 = arith.constant 0 : index
    tpu.barrier barrier_id(%barrier3A_122)
    %mul3A_123 = arith.constant 626 : i32
    %mul3A_124 = arith.muli %arg1, %mul3A_123 : i32
    %mul3A_125 = arith.constant 626 : i32
    %mul3A_126 = arith.muli %arg1, %mul3A_125 : i32
    %mul3A_127 = arith.constant 64 : i32
    %mul3A_128 = arith.muli %arg0, %mul3A_127 : i32
    "tpu.region"() ({
      %run_scoped3A_129 = tpu.sem_alloc : memref<!tpu.dma_semaphore, #tpu.memory_space<semaphore_mem>>
      %dma_start3A_130 = tpu.memref_slice %arg5[%mul3A_126, %mul3A_128] : memref<10016x128xf32, #tpu.memory_space<hbm>> -> memref<626x64xf32, #tpu.memory_space<hbm>>
      %dma_start3A_131 = arith.constant 0 : i32
      %dma_start3A_132 = tpu.memref_slice %arg11[%mul3A_124, %dma_start3A_131] : memref<10016x64xf32, #tpu.memory_space<vmem_shared>> -> memref<626x64xf32, #tpu.memory_space<vmem_shared>>
      tpu.enqueue_dma source(%dma_start3A_132 : memref<626x64xf32, #tpu.memory_space<vmem_shared>>) target(%dma_start3A_130 : memref<626x64xf32, #tpu.memory_space<hbm>>) target_semaphore(%run_scoped3A_129 : memref<!tpu.dma_semaphore, #tpu.memory_space<semaphore_mem>>)
      %dma_wait3A_133 = tpu.memref_slice %arg5[%mul3A_126, %mul3A_128] : memref<10016x128xf32, #tpu.memory_space<hbm>> -> memref<626x64xf32, #tpu.memory_space<hbm>>
      %dma_wait3A_134 = arith.constant 0 : i32
      %dma_wait3A_135 = tpu.memref_slice %arg11[%mul3A_124, %dma_wait3A_134] : memref<10016x64xf32, #tpu.memory_space<vmem_shared>> -> memref<626x64xf32, #tpu.memory_space<vmem_shared>>
      tpu.wait_dma2 semaphore(%run_scoped3A_129 : memref<!tpu.dma_semaphore, #tpu.memory_space<semaphore_mem>>) src(%dma_wait3A_135 : memref<626x64xf32, #tpu.memory_space<vmem_shared>>) dst(%dma_wait3A_133 : memref<626x64xf32, #tpu.memory_space<hbm>>)
      tpu.yield
    }) : () -> ()
    return
  }
}

module attributes {stable_mosaic.version = 14 : i64} {
  func.func @_pre_body(%arg0: memref<10000x128xf32, #tpu.memory_space<vmem>>, %arg1: memref<128x128xf32, #tpu.memory_space<vmem>>, %arg2: memref<10016x128xf32, #tpu.memory_space<vmem>>, %arg3: memref<10000x128xf32, #tpu.memory_space<vmem>>, %arg4: memref<10000x1xf32, #tpu.memory_space<vmem>>) attributes {dimension_semantics = [], scalar_prefetch = 0 : i64, scratch_operands = 0 : i64, tpu.core_type = #tpu.core_type<tc>} {
    %get3A = arith.constant 0 : index
    %get3A_0 = arith.constant 0 : index
    %get3A_1 = vector.load %arg2[%get3A, %get3A_0] : memref<10016x128xf32, #tpu.memory_space<vmem>>, vector<10000x1xf32>
    %get3A_2 = arith.constant 0 : index
    %get3A_3 = arith.constant 16 : index
    %get3A_4 = vector.load %arg2[%get3A_2, %get3A_3] : memref<10016x128xf32, #tpu.memory_space<vmem>>, vector<10000x1xf32>
    %add3A = arith.addf %get3A_1, %get3A_4 : vector<10000x1xf32>
    %add3A_5 = arith.constant 1.000000e+00 : f32
    %add3A_6 = vector.broadcast %add3A_5 : f32 to vector<10000x1xf32>
    %add3A_7 = arith.addf %add3A, %add3A_6 : vector<10000x1xf32>
    %rsqrt3A = math.rsqrt %add3A_7 : vector<10000x1xf32>
    %swap3A = arith.constant 0 : index
    %swap3A_8 = arith.constant 0 : index
    %swap3A_9 = vector.load %arg4[%swap3A, %swap3A_8] : memref<10000x1xf32, #tpu.memory_space<vmem>>, vector<10000x1xf32>
    tpu.vector_store %arg4[%swap3A, %swap3A_8], %rsqrt3A {strides = array<i32>} : memref<10000x1xf32, #tpu.memory_space<vmem>>, vector<10000x1xf32>,
    %get3A_10 = arith.constant 0 : index
    %get3A_11 = arith.constant 0 : index
    %get3A_12 = vector.load %arg0[%get3A_10, %get3A_11] : memref<10000x128xf32, #tpu.memory_space<vmem>>, vector<10000x128xf32>
    %get3A_13 = arith.constant 0 : index
    %get3A_14 = arith.constant 0 : index
    %get3A_15 = vector.load %arg1[%get3A_13, %get3A_14] : memref<128x128xf32, #tpu.memory_space<vmem>>, vector<128x128xf32>
    %dot_general3A = arith.constant dense<0.000000e+00> : vector<10000x128xf32>
    %dot_general3A_16 = tpu.matmul %get3A_12, %get3A_15, %dot_general3A {dimension_numbers = #tpu.dot_dimension_numbers<[1], [0], [0], [1], [0, 0, 1, 1], [], []>, transpose_lhs_hint = false} : vector<10000x128xf32>, vector<128x128xf32>, vector<10000x128xf32> -> vector<10000x128xf32>
    %mul3A = vector.broadcast %rsqrt3A : vector<10000x1xf32> to vector<10000x128xf32>
    %mul3A_17 = arith.mulf %dot_general3A_16, %mul3A : vector<10000x128xf32>
    %swap3A_18 = arith.constant 0 : index
    %swap3A_19 = arith.constant 0 : index
    %swap3A_20 = vector.load %arg3[%swap3A_18, %swap3A_19] : memref<10000x128xf32, #tpu.memory_space<vmem>>, vector<10000x128xf32>
    tpu.vector_store %arg3[%swap3A_18, %swap3A_19], %mul3A_17 {strides = array<i32>} : memref<10000x128xf32, #tpu.memory_space<vmem>>, vector<10000x128xf32>,
    return
  }
}

module attributes {stable_mosaic.version = 14 : i64} {
  func.func @_mid_body(%arg0: memref<10016x128xf32, #tpu.memory_space<vmem>>, %arg1: memref<10000x128xf32, #tpu.memory_space<vmem>>, %arg2: memref<10000x1xf32, #tpu.memory_space<vmem>>, %arg3: memref<1x128xf32, #tpu.memory_space<vmem>>, %arg4: memref<1x128xf32, #tpu.memory_space<vmem>>, %arg5: memref<1x128xf32, #tpu.memory_space<vmem>>, %arg6: memref<128x128xf32, #tpu.memory_space<vmem>>, %arg7: memref<10000x128xf32, #tpu.memory_space<vmem>>) attributes {dimension_semantics = [], scalar_prefetch = 0 : i64, scratch_operands = 0 : i64, tpu.core_type = #tpu.core_type<tc>} {
    %get3A = arith.constant 0 : index
    %get3A_0 = arith.constant 0 : index
    %get3A_1 = vector.load %arg2[%get3A, %get3A_0] : memref<10000x1xf32, #tpu.memory_space<vmem>>, vector<10000x1xf32>
    %get3A_2 = arith.constant 0 : index
    %get3A_3 = arith.constant 0 : index
    %get3A_4 = vector.load %arg0[%get3A_2, %get3A_3] : memref<10016x128xf32, #tpu.memory_space<vmem>>, vector<10000x128xf32>
    %get3A_5 = arith.constant 0 : index
    %get3A_6 = arith.constant 0 : index
    %get3A_7 = vector.load %arg1[%get3A_5, %get3A_6] : memref<10000x128xf32, #tpu.memory_space<vmem>>, vector<10000x128xf32>
    %add3A = arith.addf %get3A_4, %get3A_7 : vector<10000x128xf32>
    %mul3A = vector.broadcast %get3A_1 : vector<10000x1xf32> to vector<10000x128xf32>
    %mul3A_8 = arith.mulf %add3A, %mul3A : vector<10000x128xf32>
    %get3A_9 = arith.constant 0 : index
    %get3A_10 = arith.constant 0 : index
    %get3A_11 = vector.load %arg3[%get3A_9, %get3A_10] : memref<1x128xf32, #tpu.memory_space<vmem>>, vector<1x128xf32>
    %add3A_12 = vector.broadcast %get3A_11 : vector<1x128xf32> to vector<10000x128xf32>
    %add3A_13 = arith.addf %mul3A_8, %add3A_12 : vector<10000x128xf32>
    %reduce_sum3A = arith.constant dense<0.000000e+00> : vector<128xf32>
    %reduce_sum3A_14 = vector.multi_reduction <add>, %add3A_13, %reduce_sum3A [0] : vector<10000x128xf32> to vector<128xf32>
    %broadcast_in_dim3A = vector.shape_cast %reduce_sum3A_14 : vector<128xf32> to vector<1x128xf32>
    %div3A = arith.constant 1.000000e+04 : f32
    %div3A_15 = vector.broadcast %div3A : f32 to vector<1x128xf32>
    %div3A_16 = arith.divf %broadcast_in_dim3A, %div3A_15 : vector<1x128xf32>
    %sub3A = vector.broadcast %div3A_16 : vector<1x128xf32> to vector<10000x128xf32>
    %sub3A_17 = arith.subf %add3A_13, %sub3A : vector<10000x128xf32>
    %mul3A_18 = arith.mulf %sub3A_17, %sub3A_17 : vector<10000x128xf32>
    %reduce_sum3A_19 = arith.constant dense<0.000000e+00> : vector<128xf32>
    %reduce_sum3A_20 = vector.multi_reduction <add>, %mul3A_18, %reduce_sum3A_19 [0] : vector<10000x128xf32> to vector<128xf32>
    %broadcast_in_dim3A_21 = vector.shape_cast %reduce_sum3A_20 : vector<128xf32> to vector<1x128xf32>
    %div3A_22 = arith.constant 1.000000e+04 : f32
    %div3A_23 = vector.broadcast %div3A_22 : f32 to vector<1x128xf32>
    %div3A_24 = arith.divf %broadcast_in_dim3A_21, %div3A_23 : vector<1x128xf32>
    %add3A_25 = arith.constant 9.99999974E-6 : f32
    %add3A_26 = vector.broadcast %add3A_25 : f32 to vector<1x128xf32>
    %add3A_27 = arith.addf %div3A_24, %add3A_26 : vector<1x128xf32>
    %rsqrt3A = math.rsqrt %add3A_27 : vector<1x128xf32>
    %mul3A_28 = vector.broadcast %rsqrt3A : vector<1x128xf32> to vector<10000x128xf32>
    %mul3A_29 = arith.mulf %sub3A_17, %mul3A_28 : vector<10000x128xf32>
    %get3A_30 = arith.constant 0 : index
    %get3A_31 = arith.constant 0 : index
    %get3A_32 = vector.load %arg4[%get3A_30, %get3A_31] : memref<1x128xf32, #tpu.memory_space<vmem>>, vector<1x128xf32>
    %mul3A_33 = vector.broadcast %get3A_32 : vector<1x128xf32> to vector<10000x128xf32>
    %mul3A_34 = arith.mulf %mul3A_29, %mul3A_33 : vector<10000x128xf32>
    %get3A_35 = arith.constant 0 : index
    %get3A_36 = arith.constant 0 : index
    %get3A_37 = vector.load %arg5[%get3A_35, %get3A_36] : memref<1x128xf32, #tpu.memory_space<vmem>>, vector<1x128xf32>
    %add3A_38 = vector.broadcast %get3A_37 : vector<1x128xf32> to vector<10000x128xf32>
    %add3A_39 = arith.addf %mul3A_34, %add3A_38 : vector<10000x128xf32>
    %max3A = arith.constant 0.000000e+00 : f32
    %max3A_40 = vector.broadcast %max3A : f32 to vector<10000x128xf32>
    %max3A_41 = arith.maximumf %add3A_39, %max3A_40 : vector<10000x128xf32>
    %get3A_42 = arith.constant 0 : index
    %get3A_43 = arith.constant 0 : index
    %get3A_44 = vector.load %arg6[%get3A_42, %get3A_43] : memref<128x128xf32, #tpu.memory_space<vmem>>, vector<128x128xf32>
    %dot_general3A = arith.constant dense<0.000000e+00> : vector<10000x128xf32>
    %dot_general3A_45 = tpu.matmul %max3A_41, %get3A_44, %dot_general3A {dimension_numbers = #tpu.dot_dimension_numbers<[1], [0], [0], [1], [0, 0, 1, 1], [], []>, transpose_lhs_hint = false} : vector<10000x128xf32>, vector<128x128xf32>, vector<10000x128xf32> -> vector<10000x128xf32>
    %mul3A_46 = vector.broadcast %get3A_1 : vector<10000x1xf32> to vector<10000x128xf32>
    %mul3A_47 = arith.mulf %dot_general3A_45, %mul3A_46 : vector<10000x128xf32>
    %swap3A = arith.constant 0 : index
    %swap3A_48 = arith.constant 0 : index
    %swap3A_49 = vector.load %arg7[%swap3A, %swap3A_48] : memref<10000x128xf32, #tpu.memory_space<vmem>>, vector<10000x128xf32>
    tpu.vector_store %arg7[%swap3A, %swap3A_48], %mul3A_47 {strides = array<i32>} : memref<10000x128xf32, #tpu.memory_space<vmem>>, vector<10000x128xf32>,
    return
  }
}

module attributes {stable_mosaic.version = 14 : i64} {
  func.func @_mid_body(%arg0: memref<10016x128xf32, #tpu.memory_space<vmem>>, %arg1: memref<10000x128xf32, #tpu.memory_space<vmem>>, %arg2: memref<10000x1xf32, #tpu.memory_space<vmem>>, %arg3: memref<1x128xf32, #tpu.memory_space<vmem>>, %arg4: memref<1x128xf32, #tpu.memory_space<vmem>>, %arg5: memref<1x128xf32, #tpu.memory_space<vmem>>, %arg6: memref<128x64xf32, #tpu.memory_space<vmem>>, %arg7: memref<10000x128xf32, #tpu.memory_space<vmem>>) attributes {dimension_semantics = [], scalar_prefetch = 0 : i64, scratch_operands = 0 : i64, tpu.core_type = #tpu.core_type<tc>} {
    %get3A = arith.constant 0 : index
    %get3A_0 = arith.constant 0 : index
    %get3A_1 = vector.load %arg2[%get3A, %get3A_0] : memref<10000x1xf32, #tpu.memory_space<vmem>>, vector<10000x1xf32>
    %get3A_2 = arith.constant 0 : index
    %get3A_3 = arith.constant 0 : index
    %get3A_4 = vector.load %arg0[%get3A_2, %get3A_3] : memref<10016x128xf32, #tpu.memory_space<vmem>>, vector<10000x128xf32>
    %get3A_5 = arith.constant 0 : index
    %get3A_6 = arith.constant 0 : index
    %get3A_7 = vector.load %arg1[%get3A_5, %get3A_6] : memref<10000x128xf32, #tpu.memory_space<vmem>>, vector<10000x128xf32>
    %add3A = arith.addf %get3A_4, %get3A_7 : vector<10000x128xf32>
    %mul3A = vector.broadcast %get3A_1 : vector<10000x1xf32> to vector<10000x128xf32>
    %mul3A_8 = arith.mulf %add3A, %mul3A : vector<10000x128xf32>
    %get3A_9 = arith.constant 0 : index
    %get3A_10 = arith.constant 0 : index
    %get3A_11 = vector.load %arg3[%get3A_9, %get3A_10] : memref<1x128xf32, #tpu.memory_space<vmem>>, vector<1x128xf32>
    %add3A_12 = vector.broadcast %get3A_11 : vector<1x128xf32> to vector<10000x128xf32>
    %add3A_13 = arith.addf %mul3A_8, %add3A_12 : vector<10000x128xf32>
    %reduce_sum3A = arith.constant dense<0.000000e+00> : vector<128xf32>
    %reduce_sum3A_14 = vector.multi_reduction <add>, %add3A_13, %reduce_sum3A [0] : vector<10000x128xf32> to vector<128xf32>
    %broadcast_in_dim3A = vector.shape_cast %reduce_sum3A_14 : vector<128xf32> to vector<1x128xf32>
    %div3A = arith.constant 1.000000e+04 : f32
    %div3A_15 = vector.broadcast %div3A : f32 to vector<1x128xf32>
    %div3A_16 = arith.divf %broadcast_in_dim3A, %div3A_15 : vector<1x128xf32>
    %sub3A = vector.broadcast %div3A_16 : vector<1x128xf32> to vector<10000x128xf32>
    %sub3A_17 = arith.subf %add3A_13, %sub3A : vector<10000x128xf32>
    %mul3A_18 = arith.mulf %sub3A_17, %sub3A_17 : vector<10000x128xf32>
    %reduce_sum3A_19 = arith.constant dense<0.000000e+00> : vector<128xf32>
    %reduce_sum3A_20 = vector.multi_reduction <add>, %mul3A_18, %reduce_sum3A_19 [0] : vector<10000x128xf32> to vector<128xf32>
    %broadcast_in_dim3A_21 = vector.shape_cast %reduce_sum3A_20 : vector<128xf32> to vector<1x128xf32>
    %div3A_22 = arith.constant 1.000000e+04 : f32
    %div3A_23 = vector.broadcast %div3A_22 : f32 to vector<1x128xf32>
    %div3A_24 = arith.divf %broadcast_in_dim3A_21, %div3A_23 : vector<1x128xf32>
    %add3A_25 = arith.constant 9.99999974E-6 : f32
    %add3A_26 = vector.broadcast %add3A_25 : f32 to vector<1x128xf32>
    %add3A_27 = arith.addf %div3A_24, %add3A_26 : vector<1x128xf32>
    %rsqrt3A = math.rsqrt %add3A_27 : vector<1x128xf32>
    %mul3A_28 = vector.broadcast %rsqrt3A : vector<1x128xf32> to vector<10000x128xf32>
    %mul3A_29 = arith.mulf %sub3A_17, %mul3A_28 : vector<10000x128xf32>
    %get3A_30 = arith.constant 0 : index
    %get3A_31 = arith.constant 0 : index
    %get3A_32 = vector.load %arg4[%get3A_30, %get3A_31] : memref<1x128xf32, #tpu.memory_space<vmem>>, vector<1x128xf32>
    %mul3A_33 = vector.broadcast %get3A_32 : vector<1x128xf32> to vector<10000x128xf32>
    %mul3A_34 = arith.mulf %mul3A_29, %mul3A_33 : vector<10000x128xf32>
    %get3A_35 = arith.constant 0 : index
    %get3A_36 = arith.constant 0 : index
    %get3A_37 = vector.load %arg5[%get3A_35, %get3A_36] : memref<1x128xf32, #tpu.memory_space<vmem>>, vector<1x128xf32>
    %add3A_38 = vector.broadcast %get3A_37 : vector<1x128xf32> to vector<10000x128xf32>
    %add3A_39 = arith.addf %mul3A_34, %add3A_38 : vector<10000x128xf32>
    %max3A = arith.constant 0.000000e+00 : f32
    %max3A_40 = vector.broadcast %max3A : f32 to vector<10000x128xf32>
    %max3A_41 = arith.maximumf %add3A_39, %max3A_40 : vector<10000x128xf32>
    %get3A_42 = arith.constant 0 : index
    %get3A_43 = arith.constant 0 : index
    %get3A_44 = vector.load %arg6[%get3A_42, %get3A_43] : memref<128x64xf32, #tpu.memory_space<vmem>>, vector<128x64xf32>
    %dot_general3A = arith.constant dense<0.000000e+00> : vector<10000x64xf32>
    %dot_general3A_45 = tpu.matmul %max3A_41, %get3A_44, %dot_general3A {dimension_numbers = #tpu.dot_dimension_numbers<[1], [0], [0], [1], [0, 0, 1, 1], [], []>, transpose_lhs_hint = false} : vector<10000x128xf32>, vector<128x64xf32>, vector<10000x64xf32> -> vector<10000x64xf32>
    %mul3A_46 = vector.broadcast %get3A_1 : vector<10000x1xf32> to vector<10000x64xf32>
    %mul3A_47 = arith.mulf %dot_general3A_45, %mul3A_46 : vector<10000x64xf32>
    %swap3A = arith.constant 0 : index
    %swap3A_48 = arith.constant 0 : index
    %swap3A_49 = vector.load %arg7[%swap3A, %swap3A_48] : memref<10000x128xf32, #tpu.memory_space<vmem>>, vector<10000x64xf32>
    tpu.vector_store %arg7[%swap3A, %swap3A_48], %mul3A_47 {strides = array<i32>} : memref<10000x128xf32, #tpu.memory_space<vmem>>, vector<10000x64xf32>,
    %broadcast_in_dim3A_50 = arith.constant 0.000000e+00 : f32
    %broadcast_in_dim3A_51 = vector.broadcast %broadcast_in_dim3A_50 : f32 to vector<10000x64xf32>
    %swap3A_52 = arith.constant 0 : index
    %swap3A_53 = arith.constant 64 : index
    %swap3A_54 = vector.load %arg7[%swap3A_52, %swap3A_53] : memref<10000x128xf32, #tpu.memory_space<vmem>>, vector<10000x64xf32>
    tpu.vector_store %arg7[%swap3A_52, %swap3A_53], %broadcast_in_dim3A_51 {strides = array<i32>} : memref<10000x128xf32, #tpu.memory_space<vmem>>, vector<10000x64xf32>,
    return
  }
}

module attributes {stable_mosaic.version = 14 : i64} {
  func.func @_post_body(%arg0: memref<10016x128xf32, #tpu.memory_space<vmem>>, %arg1: memref<10000x128xf32, #tpu.memory_space<vmem>>, %arg2: memref<10000x1xf32, #tpu.memory_space<vmem>>, %arg3: memref<1x64xf32, #tpu.memory_space<vmem>>, %arg4: memref<1x64xf32, #tpu.memory_space<vmem>>, %arg5: memref<1x64xf32, #tpu.memory_space<vmem>>, %arg6: memref<1x10000xi32, #tpu.memory_space<vmem>>, %arg7: memref<64x10xf32, #tpu.memory_space<vmem>>, %arg8: memref<1x10xf32, #tpu.memory_space<vmem>>, %arg9: memref<128x10xf32, #tpu.memory_space<vmem>>) attributes {dimension_semantics = [], scalar_prefetch = 0 : i64, scratch_operands = 0 : i64, tpu.core_type = #tpu.core_type<tc>} {
    %get3A = arith.constant 0 : index
    %get3A_0 = arith.constant 0 : index
    %get3A_1 = vector.load %arg0[%get3A, %get3A_0] : memref<10016x128xf32, #tpu.memory_space<vmem>>, vector<10000x64xf32>
    %get3A_2 = arith.constant 0 : index
    %get3A_3 = arith.constant 0 : index
    %get3A_4 = vector.load %arg1[%get3A_2, %get3A_3] : memref<10000x128xf32, #tpu.memory_space<vmem>>, vector<10000x64xf32>
    %add3A = arith.addf %get3A_1, %get3A_4 : vector<10000x64xf32>
    %get3A_5 = arith.constant 0 : index
    %get3A_6 = arith.constant 0 : index
    %get3A_7 = vector.load %arg2[%get3A_5, %get3A_6] : memref<10000x1xf32, #tpu.memory_space<vmem>>, vector<10000x1xf32>
    %mul3A = vector.broadcast %get3A_7 : vector<10000x1xf32> to vector<10000x64xf32>
    %mul3A_8 = arith.mulf %add3A, %mul3A : vector<10000x64xf32>
    %get3A_9 = arith.constant 0 : index
    %get3A_10 = arith.constant 0 : index
    %get3A_11 = vector.load %arg3[%get3A_9, %get3A_10] : memref<1x64xf32, #tpu.memory_space<vmem>>, vector<1x64xf32>
    %add3A_12 = vector.broadcast %get3A_11 : vector<1x64xf32> to vector<10000x64xf32>
    %add3A_13 = arith.addf %mul3A_8, %add3A_12 : vector<10000x64xf32>
    %reduce_sum3A = arith.constant dense<0.000000e+00> : vector<64xf32>
    %reduce_sum3A_14 = vector.multi_reduction <add>, %add3A_13, %reduce_sum3A [0] : vector<10000x64xf32> to vector<64xf32>
    %broadcast_in_dim3A = vector.shape_cast %reduce_sum3A_14 : vector<64xf32> to vector<1x64xf32>
    %div3A = arith.constant 1.000000e+04 : f32
    %div3A_15 = vector.broadcast %div3A : f32 to vector<1x64xf32>
    %div3A_16 = arith.divf %broadcast_in_dim3A, %div3A_15 : vector<1x64xf32>
    %sub3A = vector.broadcast %div3A_16 : vector<1x64xf32> to vector<10000x64xf32>
    %sub3A_17 = arith.subf %add3A_13, %sub3A : vector<10000x64xf32>
    %mul3A_18 = arith.mulf %sub3A_17, %sub3A_17 : vector<10000x64xf32>
    %reduce_sum3A_19 = arith.constant dense<0.000000e+00> : vector<64xf32>
    %reduce_sum3A_20 = vector.multi_reduction <add>, %mul3A_18, %reduce_sum3A_19 [0] : vector<10000x64xf32> to vector<64xf32>
    %broadcast_in_dim3A_21 = vector.shape_cast %reduce_sum3A_20 : vector<64xf32> to vector<1x64xf32>
    %div3A_22 = arith.constant 1.000000e+04 : f32
    %div3A_23 = vector.broadcast %div3A_22 : f32 to vector<1x64xf32>
    %div3A_24 = arith.divf %broadcast_in_dim3A_21, %div3A_23 : vector<1x64xf32>
    %add3A_25 = arith.constant 9.99999974E-6 : f32
    %add3A_26 = vector.broadcast %add3A_25 : f32 to vector<1x64xf32>
    %add3A_27 = arith.addf %div3A_24, %add3A_26 : vector<1x64xf32>
    %rsqrt3A = math.rsqrt %add3A_27 : vector<1x64xf32>
    %mul3A_28 = vector.broadcast %rsqrt3A : vector<1x64xf32> to vector<10000x64xf32>
    %mul3A_29 = arith.mulf %sub3A_17, %mul3A_28 : vector<10000x64xf32>
    %get3A_30 = arith.constant 0 : index
    %get3A_31 = arith.constant 0 : index
    %get3A_32 = vector.load %arg4[%get3A_30, %get3A_31] : memref<1x64xf32, #tpu.memory_space<vmem>>, vector<1x64xf32>
    %mul3A_33 = vector.broadcast %get3A_32 : vector<1x64xf32> to vector<10000x64xf32>
    %mul3A_34 = arith.mulf %mul3A_29, %mul3A_33 : vector<10000x64xf32>
    %get3A_35 = arith.constant 0 : index
    %get3A_36 = arith.constant 0 : index
    %get3A_37 = vector.load %arg5[%get3A_35, %get3A_36] : memref<1x64xf32, #tpu.memory_space<vmem>>, vector<1x64xf32>
    %add3A_38 = vector.broadcast %get3A_37 : vector<1x64xf32> to vector<10000x64xf32>
    %add3A_39 = arith.addf %mul3A_34, %add3A_38 : vector<10000x64xf32>
    %max3A = arith.constant 0.000000e+00 : f32
    %max3A_40 = vector.broadcast %max3A : f32 to vector<10000x64xf32>
    %max3A_41 = arith.maximumf %add3A_39, %max3A_40 : vector<10000x64xf32>
    %get3A_42 = arith.constant 0 : index
    %get3A_43 = arith.constant 0 : index
    %get3A_44 = vector.load %arg6[%get3A_42, %get3A_43] : memref<1x10000xi32, #tpu.memory_space<vmem>>, vector<1x10000xi32>
    %iota3A = tpu.iota {dimensions = array<i32: 0>} : vector<128x10000xi32>
    %eq3A = vector.broadcast %get3A_44 : vector<1x10000xi32> to vector<128x10000xi32>
    %eq3A_45 = arith.cmpi eq, %eq3A, %iota3A : vector<128x10000xi32>
    %convert_element_type3A = arith.extui %eq3A_45 : vector<128x10000xi1> to vector<128x10000xi32>
    %convert_element_type3A_46 = arith.sitofp %convert_element_type3A : vector<128x10000xi32> to vector<128x10000xf32>
    %dot_general3A = arith.constant dense<0.000000e+00> : vector<128x64xf32>
    %dot_general3A_47 = tpu.matmul %convert_element_type3A_46, %max3A_41, %dot_general3A {dimension_numbers = #tpu.dot_dimension_numbers<[1], [0], [0], [1], [0, 0, 1, 1], [], []>, transpose_lhs_hint = false} : vector<128x10000xf32>, vector<10000x64xf32>, vector<128x64xf32> -> vector<128x64xf32>
    %reduce_sum3A_48 = arith.constant dense<0.000000e+00> : vector<128xf32>
    %reduce_sum3A_49 = vector.multi_reduction <add>, %convert_element_type3A_46, %reduce_sum3A_48 [1] : vector<128x10000xf32> to vector<128xf32>
    %broadcast_in_dim3A_50 = vector.shape_cast %reduce_sum3A_49 : vector<128xf32> to vector<128x1xf32>
    %max3A_51 = arith.constant 1.000000e+00 : f32
    %max3A_52 = vector.broadcast %max3A_51 : f32 to vector<128x1xf32>
    %max3A_53 = arith.maximumf %broadcast_in_dim3A_50, %max3A_52 : vector<128x1xf32>
    %div3A_54 = vector.broadcast %max3A_53 : vector<128x1xf32> to vector<128x64xf32>
    %div3A_55 = arith.divf %dot_general3A_47, %div3A_54 : vector<128x64xf32>
    %get3A_56 = arith.constant 0 : index
    %get3A_57 = arith.constant 0 : index
    %get3A_58 = vector.load %arg7[%get3A_56, %get3A_57] : memref<64x10xf32, #tpu.memory_space<vmem>>, vector<64x10xf32>
    %dot_general3A_59 = arith.constant dense<0.000000e+00> : vector<128x10xf32>
    %dot_general3A_60 = tpu.matmul %div3A_55, %get3A_58, %dot_general3A_59 {dimension_numbers = #tpu.dot_dimension_numbers<[1], [0], [0], [1], [0, 0, 1, 1], [], []>, transpose_lhs_hint = false} : vector<128x64xf32>, vector<64x10xf32>, vector<128x10xf32> -> vector<128x10xf32>
    %get3A_61 = arith.constant 0 : index
    %get3A_62 = arith.constant 0 : index
    %get3A_63 = vector.load %arg8[%get3A_61, %get3A_62] : memref<1x10xf32, #tpu.memory_space<vmem>>, vector<1x10xf32>
    %add3A_64 = vector.broadcast %get3A_63 : vector<1x10xf32> to vector<128x10xf32>
    %add3A_65 = arith.addf %dot_general3A_60, %add3A_64 : vector<128x10xf32>
    %swap3A = arith.constant 0 : index
    %swap3A_66 = arith.constant 0 : index
    %swap3A_67 = vector.load %arg9[%swap3A, %swap3A_66] : memref<128x10xf32, #tpu.memory_space<vmem>>, vector<128x10xf32>
    tpu.vector_store %arg9[%swap3A, %swap3A_66], %add3A_65 {strides = array<i32>} : memref<128x10xf32, #tpu.memory_space<vmem>>, vector<128x10xf32>,
    return
  }
}

</mosaic_0001>

<sc_bundles>
// kernel: kernel.10.cloned.1.call-start
scs
__scs_entry_jumppad:
0x0: {  	(pc) =	sbr.rel $0x88, $3  }
0x1: {  	(tag) =	ssettag $0x0;
	lr =	simm.s32 $0x1  }
0x2: {  	[smem:$0x3F90] =	sst lr;
	_ =	strace $0xD0000000  }
0x3: {  	_ = 	snop  }
0x4: {  	_ = 	snop  }
0x5: {  	_ = 	snop  }
0x6: {  	_ = 	snop  }
0x7: {  	_ = 	snop  }
__scs_overlays_trampoline_lowered:
0x8: {  	[smem:$0x3F9F] =	sst s0  }
0x9: {  	[smem:$0x3FA0] =	sst s1  }
0xa: {  	[smem:$0x3FA1] =	sst s2  }
0xb: {  	[smem:$0x3FA2] =	sst s3  }
0xc: {  	[smem:$0x3FA3] =	sst s4  }
0xd: {  	[smem:$0x3FA4] =	sst s5  }
0xe: {  	[smem:$0x3FA5] =	sst s6  }
0xf: {  	[smem:$0x3FA6] =	sst s7  }
0x10: {  	[smem:$0x3FA7] =	sst s8  }
0x11: {  	[smem:$0x3FA8] =	sst s9;
	s0 =	simm.s32 @!p0 $0x0  }
0x12: {  	s1 =	sld [smem:$0x3F8E];
	s0 =	simm.s32 @p0 $0x1  }
0x13: {  	[smem:$0x3FA9] =	sst s0;
	s0 =	simm.s32 @!p1 $0x0  }
0x14: {  	s2 =	sld [smem:$0x3F8D];
	s0 =	simm.s32 @p1 $0x1  }
0x15: {  	[smem:$0x3FAA] =	sst s0;
	s0 =	simm.s32 @!p2 $0x0  }
0x16: {  	s3 =	sld [smem:$0x3FDB];
	s0 =	simm.s32 @p2 $0x1  }
0x17: {  	s4 =	simm.s32 $0x1BF5;
	[smem:$0x3FAC] =	sst s0  }
0x18: {  	s0 =	sld [smem:$0x3F8F];
	_ =	swait.ge [sflag:s4], $0x0  }
0x19: {  	s7 =	sld [smem:$0x3F90]  }
0x1a: {  	s8 =	sadd.s32 $0xFFFFE003, lr  }
0x1b: {  	s9 =	sadd.s32 $0xFFFFFEF7, lr;
	s5 =	simm.s32 $0xFFFFFFFF;
	p2 =	slt.u32 s8, $0xFFFFF086  }
0x1c: {  	p1 =	slt.u32 s9, $0xF7A;
	s5 =	simm.s32 @!p2 $0x0  }
0x1d: {  	s5 =	simm.s32 @p1 $0x1;
	p0 =	seq.s32 s7, s2  }
0x1e: {  	s7 =	smul.u32 @!p0 $0xF7A, s2;
	p2 =	seq.s32 @!p0 s5, $0x0  }
0x1f: {  	s9 =	smul.u32 $0xF7A, s1;
	s8 =	simm.s32 @!p0 $0x1BF5;
	p2 =	por !p2, p0  }
0x20: {  	[sflag:s8] =	ssyncset.s32 @!p0 $0xFFFFF086;
	s6 =	sadd.s32 @!p0 s3, s7;
	s7 =	simm.s32 @!p0 $0x108  }
0x21: {  	s3 =	sadd.s32 s3, s9;
	s6 =	sadd.s32 @!p0 $0x88, s6;
	s7 =	simm.s32 @p2 $0x1082  }
0x22: {  	[simem:s7], [sflag:s8] =	dma.local @!p0 [hbm:s6], $0xF7A  }
0x23: {  	s9 =	sor.u32 $0xD0000000, s2;
	s6 =	simm.s32 $0x108;
	_ =	swait.ge @!p0 [sflag:s8], $0x0  }
0x24: {  	s3 =	sadd.s32 $0x88, s3;
	s6 =	simm.s32 @!p1 $0x1082;
	[sflag:s4] =	ssyncset.s32 $0xFFFFF086  }
0x25: {  	[simem:s6], [sflag:s4] =	dma.local [hbm:s3], $0xF7A  }
0x26: {  	[smem:$0x3F90] =	sst s1;
	(tag) =	ssettag s2;
	_ =	strace s9  }
0x27: {  	s1 =	sld [smem:$0x3FA0]  }
0x28: {  	s2 =	sld [smem:$0x3FA1]  }
0x29: {  	s4 =	sld [smem:$0x3FA3]  }
0x2a: {  	p0 =	seq.s32 s5, $0x0;
	s5 =	sld [smem:$0x3FA4]  }
0x2b: {  	s6 =	sld [smem:$0x3FA5]  }
0x2c: {  	s7 =	sld [smem:$0x3FA6]  }
0x2d: {  	s3 =	simm.s32 $0x108;
	s8 =	sld [smem:$0x3FA7]  }
0x2e: {  	s3 =	simm.s32 @!p0 $0x1082;
	s9 =	sld [smem:$0x3FA8]  }
0x2f: {  	lr =	sadd.s32 s0, s3;
	s0 =	sld [smem:$0x3F9F]  }
0x30: {  	s3 =	sld [smem:$0x3FA2]  }
0x31: {  	[smem:$0x3FAB] =	sst s10  }
0x32: {  	s10 =	sld [smem:$0x3FA9];
	_ =	sdelay $0x3  }
0x33: {  	p0 =	seq.s32 s10, $0x1;
	s10 =	sld [smem:$0x3FAB];
	_ =	sdelay $0x3  }
0x34: {  	[smem:$0x3FAB] =	sst s10  }
0x35: {  	s10 =	sld [smem:$0x3FAA];
	_ =	sdelay $0x3  }
0x36: {  	p1 =	seq.s32 s10, $0x1;
	s10 =	sld [smem:$0x3FAB];
	_ =	sdelay $0x3  }
0x37: {  	[smem:$0x3FAB] =	sst s10  }
0x38: {  	s10 =	sld [smem:$0x3FAC]  }
0x39: {  	_ = 	snop;
	(pc) =	sbr.ind lr, $3  }
0x3a: {  	_ = 	snop  }
0x3b: {  	_ = 	snop  }
0x3c: {  	p2 =	seq.s32 s10, $0x1;
	s10 =	sld [smem:$0x3FAB]  }
0x3d: {  	_ =	shalt  }
0x3e: {  	_ =	shalt  }
0x3f: {  	_ =	shalt  }
0x40: {  	_ =	shalt  }
0x41: {  	_ =	shalt  }
0x42: {  	_ =	shalt  }
0x43: {  	_ =	shalt  }
0x44: {  	_ =	shalt  }
0x45: {  	_ =	shalt  }
0x46: {  	_ =	shalt  }
0x47: {  	_ =	shalt  }
0x48: {  	_ =	shalt  }
0x49: {  	_ =	shalt  }
0x4a: {  	_ =	shalt  }
0x4b: {  	_ =	shalt  }
0x4c: {  	_ =	shalt  }
0x4d: {  	_ =	shalt  }
0x4e: {  	_ =	shalt  }
0x4f: {  	_ =	shalt  }
0x50: {  	_ =	shalt  }
0x51: {  	_ =	shalt  }
0x52: {  	_ =	shalt  }
0x53: {  	_ =	shalt  }
0x54: {  	_ =	shalt  }
0x55: {  	_ =	shalt  }
0x56: {  	_ =	shalt  }
0x57: {  	_ =	shalt  }
0x58: {  	_ =	shalt  }
0x59: {  	_ =	shalt  }
0x5a: {  	_ =	shalt  }
0x5b: {  	_ =	shalt  }
0x5c: {  	_ =	shalt  }
0x5d: {  	_ =	shalt  }
0x5e: {  	_ =	shalt  }
0x5f: {  	_ =	shalt  }
0x60: {  	_ =	shalt  }
0x61: {  	_ =	shalt  }
0x62: {  	_ =	shalt  }
0x63: {  	_ =	shalt  }
0x64: {  	_ =	shalt  }
0x65: {  	_ =	shalt  }
0x66: {  	_ =	shalt  }
0x67: {  	_ =	shalt  }
0x68: {  	_ =	shalt  }
0x69: {  	_ =	shalt  }
0x6a: {  	_ =	shalt  }
0x6b: {  	_ =	shalt  }
0x6c: {  	_ =	shalt  }
0x6d: {  	_ =	shalt  }
0x6e: {  	_ =	shalt  }
0x6f: {  	_ =	shalt  }
0x70: {  	_ =	shalt  }
0x71: {  	_ =	shalt  }
0x72: {  	_ =	shalt  }
0x73: {  	_ =	shalt  }
0x74: {  	_ =	shalt  }
0x75: {  	_ =	shalt  }
0x76: {  	_ =	shalt  }
0x77: {  	_ =	shalt  }
0x78: {  	_ =	shalt  }
0x79: {  	_ =	shalt  }
0x7a: {  	_ =	shalt  }
0x7b: {  	_ =	shalt  }
0x7c: {  	_ =	shalt  }
0x7d: {  	_ =	shalt  }
0x7e: {  	_ =	shalt  }
0x7f: {  	_ =	shalt  }
0x80: {  	_ =	shalt  }
0x81: {  	_ =	shalt  }
0x82: {  	_ =	shalt  }
0x83: {  	_ =	shalt  }
0x84: {  	_ =	shalt  }
0x85: {  	_ =	shalt  }
0x86: {  	_ =	shalt  }
0x87: {  	_ =	shalt  }
.Lfunc_end0:
.L_simem_size_0:
called_computation_lowered:
.L_overlay_start_0:
0x88: {  	s2 =	sld [smem:$0x3FD9]  }
0x89: {  	s3 =	sld [smem:$0x3FFE];
	_ =	sdelay $0x1  }
0x8a: {  	s1 =	srdreg.scid  }
0x8b: {  	s0 =	sand.u32 $0x1, s1  }
0x8c: {  	s17 =	sshll.u32 s0, $0xA;
	s2 =	sadd.s32 s3, s2  }
0x8d: {  	s2 =	sadd.s32 s2, s17  }
0x8e: {  	[smem:$0x3FB7] =	sst s2  }
0x8f: {  	_ = 	snop  }
0x90: {  	s2 =	sld [smem:$0x3FD0];
	(tm) =	ssettm $0x1  }
0x91: {  	s18 =	sld [smem:$0x3FFB];
	_ =	sdelay $0x3  }
0x92: {  	_ =	strace s18  }
0x93: {  	s3 =	sld [smem:$0x3FFC];
	_ =	sdelay $0x3  }
0x94: {  	_ =	strace s3  }
0x95: {  	s3 =	sld [smem:$0x3FFD];
	_ =	sdelay $0x3  }
0x96: {  	_ =	strace s3  }
0x97: {  	_ =	strace $0x8FFFFFFF  }
0x98: {  	s19 =	sld [smem:$0x3FDB];
	_ =	sdelay $0x1  }
0x99: {  	s4 =	simm.s32 $_scs_section_size  }
0x9a: {  	s5 =	simm.s32 $_size__tile_overlayer_lowered;
	s6 =	simm.s32 $_tile_overlayer_lowered  }
0x9b: {  	s22 =	simm.s32 $0x1BFF;
	s21 =	sshll.u32 s6, $0x1;
	s3 =	sadd.s32 s4, s19  }
0x9c: {  	s7 =	simm.s32 $0x0;
	s20 =	sshll.u32 s5, $0x1;
	s5 =	sadd.s32 s21, s3  }
0x9d: {  	[timem:s7], [sflag:s22] =	dma.local [hbm:s5], s20  }
0x9e: {  	_ =	swait.ge [sflag:s22], s20  }
0x9f: {  	s4 =	ssub.s32 $0x0, s20;
	[sflag:s22] =	ssyncset.done $0x0  }
0xa0: {  	[sflag:s22] =	ssyncadd.s32 s4;
	_ =	sdelay $0x1  }
0xa1: {  	s23 =	simm.s32 $0x1B8B  }
0xa2: {  	_ =	swait.ge [sflag:s23], $0x1  }
0xa3: {  	[sflag:s23] =	ssyncset.done $0x0  }
0xa4: {  	s25 =	simm.s32 $0x1B8E;
	s24 =	sld [smem:$0x3FFE];
	[sflag:s23] =	ssyncadd.s32 $0xFFFFFFFF  }
0xa5: {  	s26 =	simm.s32 $execute0_lowered;
	[smem:$0x3FD2] =	sst s25  }
0xa6: {  	s5 =	sshll.u32 s26, $0x1;
	_ =	strace $0x80000046;
	[dreg:$0x1] =	wrdreg $0xFFFFFFFF  }
0xa7: {  	s28 =	simm.s32 $_size_execute0_lowered;
	s3 =	sadd.s32 s3, s5;
	[dreg:$0x0] =	wrdreg $0x0  }
0xa8: {  	s5 =	sshll.u32 s28, $0x1;
	[dreg:$0x2] =	wrdreg s3  }
0xa9: {  	[dreg:$0x3] =	wrdreg s5  }
0xaa: {  	[dreg:$0x4] =	wrdreg $0xC0  }
0xab: {  	_ =	task [dreg:s7], $0x5FFFF  }
0xac: {  	[dreg:$0x1] =	wrdreg $0xFFFFFFFF  }
0xad: {  	[dreg:$0x0] =	wrdreg $0x60  }
0xae: {  	[dreg:$0x2] =	wrdreg s24  }
0xaf: {  	[dreg:$0x3] =	wrdreg s2  }
0xb0: {  	[dreg:$0x4] =	wrdreg $0x2C100  }
0xb1: {  	[dreg:$0x5] =	wrdreg $0x9  }
0xb2: {  	_ =	task.clear_ibuf [dreg:s7], $0x6FFFF;
	_ =	strace $0x90000046  }
0xb3: {  	s29 =	simm.s32 $0x9;
	_ =	strace $0x80000048  }
0xb4: {  	_ =	swait.ge [sflag:s29], $0x1  }
0xb5: {  	[sflag:s29] =	ssyncadd.s32 $0xFFFFFFFF  }
0xb6: {  	_ =	strace $0x90000048  }
0xb7: {  	_ =	sfence  }
0xb8: {  	s30 =	sld [smem:$0x0];
	_ =	sdelay $0x2  }
0xb9: {  	s31 =	sshll.u32 s1, $0xD;
	s1 =	sshrl.u32 s1, $0x2  }
0xba: {  	s3 =	sand.u32 $0x4000, s31;
	s1 =	sadd.s32 s1, s30  }
0xbb: {  	s0 =	sor.u32 s3, s0;
	s1 =	sshll.u32 s1, $0x11  }
0xbc: {  	s0 =	sor.u32 s1, s0  }
0xbd: {  	s0 =	sadd.s32 $0x8F2B, s0  }
0xbe: {  	[sflag:s0] =	ssyncadd.remote.s32 $0x1  }
0xbf: {  	_ =	sfence.sel $0xFFFF  }
0xc0: {  	[dreg:$0x0] =	wrdreg $0xFFFFFFFF;
	(pc) =	sbr.abs _section_cstart, $3  }
0xc1: {  	[dreg:$0x1] =	wrdreg $0xFFFFFFFF  }
0xc2: {  	_ =	task.clear_ibuf [dreg:s7], $0x2FFFF;
	_ =	strace $0x9FFFFFFF  }
0xc3: {  	(tm) =	ssettm $0x7FFFFFFF  }
tec
execute0_lowered:
.L_overlay_start_1:
0x0: {  	(tag) =	ssettag $0x1  }
0x1: {  	s6 =	rddreg [dreg:$0x0]  }
0x2: {  	s2 =	rddreg [dreg:$0x1]  }
0x3: {  	s3 =	rddreg [dreg:$0x2]  }
0x4: {  	s0 =	rddreg [dreg:$0x3]  }
0x5: {  	s5 =	srdreg.scid;
	s1 =	stileid.u32  }
0x6: {  	s4 =	simm.s32 $0x0;
	s13 =	simm.s32 $0x10;
	s14 =	simm.s32 $0x2710  }
0x7: {  	s15 =	simm.s32 $0x50;
	s16 =	simm.s32 $0x0;
	s26 =	smul.u32 $0x13900, s1  }
0x8: {  	s7 =	sand.u32 $0x1, s5;
	[smem:$0x7FF] =	sst s4;
	s9 =	smul.u32 $0x4E20, s1  }
0x9: {  	s5 =	sadd.s32 $0x18600, s6;
	s12 =	smul.u32 $0x9C80, s1;
	s31 =	sshll.u32 s1, $0x6  }
0xa: {  	s8 =	sshll.u32 s7, $0x4;
	s10 =	smul.u32 $0x2710, s7;
	s7 =	ssub.s32 $0x2, s7  }
0xb: {  	_ =	strace $0x80000047;
	s8 =	sor.u32 s8, s26;
	s11 =	sshrl.u32 s7, $0x1  }
0xc: {  	s30 =	sshrl.u32 s12, $0x2;
	s8 =	sshrl.u32 s8, $0x3;
	s9 =	sadd.s32 s9, s10  }
0xd: {  	s28 =	ssub.s32 s7, s11;
	s12 =	sadd.s32 s30, s3;
	s11 =	simm.s32 $0x1  }
0xe: {  	s8 =	sadd.s32 s8, s6;
	s29 =	sshrl.u32 s9, $0x3;
	s9 =	smax.u32 s28, $0x1  }
0xf: {  	s10 =	sshrl.u32 s12, $0x3;
	s12 =	simm.s32 $0x2;
	s7 =	sadd.s32 s6, s29  }
0x10: {  	s6 =	sor.u32 $0x1C02, s31;
	s8 =	sadd.s32 $0x1AE00, s8;
	s7 =	sadd.s32 $0xE840, s7  }
.LBB2_1:
0x11: {  	[spmem:s10@s12], [sflag:s6] =	dma.strided [hbm:s5@s13], $0x4E4, s11, $0x2   }
0x12: {  	_ =	swait.ge [sflag:s12], $0x4E4  }
0x13: {  	[sflag:s12] =	ssyncset.done $0x0  }
0x14: {  	[sflag:s12] =	ssyncadd.s32 $0xFFFFFB1C  }
0x15: {  	[tilespmem:s14], [sflag:$0x2] =	stream.linear.gather [hbm4b:s2+s4], $0x500, $0x38;
	[tilespmem:$0x5330] =	vst v63  }
0x16: {  	_ =	swait.ge [sflag:s12], $0x500  }
0x17: {  	[sflag:s12] =	ssyncset.done $0x0  }
0x18: {  	[sflag:s12] =	ssyncadd.s32 $0xFFFFFB00  }
0x19: {  	[tilespmem:s4], [sflag:$0x2] =	stream.linear.gather [hbm4b:s7+s4], $0x2710, $0x38;
	[tilespmem:$0x5330] =	vst v63  }
0x1a: {  	_ =	swait.ge [sflag:s12], $0x2710  }
0x1b: {  	[sflag:s12] =	ssyncset.done $0x0  }
0x1c: {  	[sflag:s12] =	ssyncadd.s32 $0xFFFFD8F0  }
0x1d: {  	s17 =	simm.s32 $0x0;
	[bflag:$0x0] =	sbarrier.arrive $0xFFFF  }
0x1e: {  	[spmem:s3] =	stream.indirect.scatter.add.f32 [tilespmem:s14], [sflag:$0x1], $0x10, s17, s15, $0xb8;
	[tilespmem:$0x5330] =	vst v63  }
0x1f: {  	s28 =	simm.s32 $0x50  }
0x20: {  	[spmem:s3] =	stream.indirect.scatter.add.f32 [tilespmem:s14], [sflag:$0x1], $0x10, s28, s15, $0xb8;
	[tilespmem:$0x5330] =	vst v63  }
0x21: {  	s29 =	simm.s32 $0xA0  }
0x22: {  	[spmem:s3] =	stream.indirect.scatter.add.f32 [tilespmem:s14], [sflag:$0x1], $0x10, s29, s15, $0xb8;
	[tilespmem:$0x5330] =	vst v63  }
0x23: {  	s30 =	simm.s32 $0xF0  }
0x24: {  	[spmem:s3] =	stream.indirect.scatter.add.f32 [tilespmem:s14], [sflag:$0x1], $0x10, s30, s15, $0xb8;
	[tilespmem:$0x5330] =	vst v63  }
0x25: {  	s31 =	simm.s32 $0x140  }
0x26: {  	[spmem:s3] =	stream.indirect.scatter.add.f32 [tilespmem:s14], [sflag:$0x1], $0x10, s31, s15, $0xb8;
	[tilespmem:$0x5330] =	vst v63  }
0x27: {  	_ =	swait.ge [sflag:s11], $0x500  }
0x28: {  	[sflag:s11] =	ssyncset.done $0x0  }
0x29: {  	[sflag:s11] =	ssyncadd.s32 $0xFFFFFB00  }
0x2a: {  	_ =	swait.ge [sflag:s11], $0x500  }
0x2b: {  	[sflag:s11] =	ssyncset.done $0x0  }
0x2c: {  	[sflag:s11] =	ssyncadd.s32 $0xFFFFFB00  }
0x2d: {  	_ =	swait.ge [sflag:s11], $0x500  }
0x2e: {  	[sflag:s11] =	ssyncset.done $0x0  }
0x2f: {  	[sflag:s11] =	ssyncadd.s32 $0xFFFFFB00  }
0x30: {  	_ =	swait.ge [sflag:s11], $0x500  }
0x31: {  	[sflag:s11] =	ssyncset.done $0x0  }
0x32: {  	[sflag:s11] =	ssyncadd.s32 $0xFFFFFB00  }
0x33: {  	_ =	swait.ge [sflag:s11], $0x500  }
0x34: {  	s18 =	simm.s32 $0xC80;
	s17 =	simm.s32 $0x640;
	[sflag:s11] =	ssyncset.done $0x0  }
.LBB2_2:
0x35: {  	s19 =	sshra.s32 s17, $0x2  }
0x36: {  	[sflag:s11] =	ssyncadd.s32 $0xFFFFFB00;
	s17 =	smov.u32 s18;
	s20 =	sadd.s32 $0x640, s18  }
0x37: {  	[spmem:s3] =	stream.indirect.scatter.add.f32 [tilespmem:s14], [sflag:$0x1], $0x10, s19, s15, $0xb8;
	[tilespmem:$0x5330] =	vst v63  }
0x38: {  	p0 =	sne.s32 s18, $0x9600;
	s18 =	sadd.s32 $0x50, s19  }
0x39: {  	[spmem:s3] =	stream.indirect.scatter.add.f32 [tilespmem:s14], [sflag:$0x1], $0x10, s18, s15, $0xb8;
	[tilespmem:$0x5330] =	vst v63  }
0x3a: {  	s18 =	sadd.s32 $0xA0, s19  }
0x3b: {  	[spmem:s3] =	stream.indirect.scatter.add.f32 [tilespmem:s14], [sflag:$0x1], $0x10, s18, s15, $0xb8;
	[tilespmem:$0x5330] =	vst v63  }
0x3c: {  	s18 =	sadd.s32 $0xF0, s19  }
0x3d: {  	[spmem:s3] =	stream.indirect.scatter.add.f32 [tilespmem:s14], [sflag:$0x1], $0x10, s18, s15, $0xb8;
	[tilespmem:$0x5330] =	vst v63  }
0x3e: {  	s18 =	sadd.s32 $0x140, s19  }
0x3f: {  	[spmem:s3] =	stream.indirect.scatter.add.f32 [tilespmem:s14], [sflag:$0x1], $0x10, s18, s15, $0xb8;
	[tilespmem:$0x5330] =	vst v63  }
0x40: {  	_ =	swait.ge [sflag:s11], $0x500  }
0x41: {  	[sflag:s11] =	ssyncset.done $0x0  }
0x42: {  	[sflag:s11] =	ssyncadd.s32 $0xFFFFFB00  }
0x43: {  	_ =	swait.ge [sflag:s11], $0x500  }
0x44: {  	[sflag:s11] =	ssyncset.done $0x0  }
0x45: {  	[sflag:s11] =	ssyncadd.s32 $0xFFFFFB00  }
0x46: {  	_ =	swait.ge [sflag:s11], $0x500  }
0x47: {  	[sflag:s11] =	ssyncset.done $0x0  }
0x48: {  	[sflag:s11] =	ssyncadd.s32 $0xFFFFFB00  }
.Ltmp0:
0x49: {  	_ =	swait.ge [sflag:s11], $0x500;
	(pc) =	sbr.rel @p0 .LBB2_2-.Ltmp0, $4  }
0x4a: {  	[sflag:s11] =	ssyncset.done $0x0  }
0x4b: {  	[sflag:s11] =	ssyncadd.s32 $0xFFFFFB00  }
0x4c: {  	_ =	swait.ge [sflag:s11], $0x500  }
0x4d: {  	s18 =	smov.u32 s20;
	[sflag:s11] =	ssyncset.done $0x0  }
0x4e: {  	s17 =	sshra.s32 s17, $0x2;
	[sflag:s11] =	ssyncadd.s32 $0xFFFFFB00  }
0x4f: {  	[spmem:s3] =	stream.indirect.scatter.add.f32 [tilespmem:s14], [sflag:$0x1], $0x10, s17, s15, $0xb8;
	[tilespmem:$0x5330] =	vst v63  }
0x50: {  	s18 =	sadd.s32 $0x50, s17  }
0x51: {  	[spmem:s3] =	stream.indirect.scatter.add.f32 [tilespmem:s14], [sflag:$0x1], $0x10, s18, s15, $0xb8;
	[tilespmem:$0x5330] =	vst v63  }
0x52: {  	s30 =	sadd.s32 $0xA0, s17  }
0x53: {  	[spmem:s3] =	stream.indirect.scatter.add.f32 [tilespmem:s14], [sflag:$0x1], $0x10, s30, s15, $0xb8;
	[tilespmem:$0x5330] =	vst v63  }
0x54: {  	s31 =	sadd.s32 $0xF0, s17  }
0x55: {  	[spmem:s3] =	stream.indirect.scatter.add.f32 [tilespmem:s14], [sflag:$0x1], $0x10, s31, s15, $0xb8;
	[tilespmem:$0x5330] =	vst v63  }
0x56: {  	s17 =	sadd.s32 $0x140, s17  }
0x57: {  	[spmem:s3] =	stream.indirect.scatter.add.f32 [tilespmem:s14], [sflag:$0x1], $0x10, s17, s15, $0xb8;
	[tilespmem:$0x5330] =	vst v63  }
0x58: {  	_ =	swait.ge [sflag:s11], $0x500  }
0x59: {  	[sflag:s11] =	ssyncset.done $0x0  }
0x5a: {  	[sflag:s11] =	ssyncadd.s32 $0xFFFFFB00  }
0x5b: {  	_ =	swait.ge [sflag:s11], $0x500  }
0x5c: {  	[sflag:s11] =	ssyncset.done $0x0  }
0x5d: {  	[sflag:s11] =	ssyncadd.s32 $0xFFFFFB00  }
0x5e: {  	_ =	swait.ge [sflag:s11], $0x500  }
0x5f: {  	[sflag:s11] =	ssyncset.done $0x0  }
0x60: {  	[sflag:s11] =	ssyncadd.s32 $0xFFFFFB00  }
0x61: {  	_ =	swait.ge [sflag:s11], $0x500  }
0x62: {  	[sflag:s11] =	ssyncset.done $0x0  }
0x63: {  	[sflag:s11] =	ssyncadd.s32 $0xFFFFFB00  }
0x64: {  	_ =	swait.ge [sflag:s11], $0x500  }
0x65: {  	s16 =	sadd.s32 $0x1, s16;
	[sflag:s11] =	ssyncset.done $0x0  }
0x66: {  	p0 =	sne.s32 s16, s9;
	[sflag:s11] =	ssyncadd.s32 $0xFFFFFB00  }
.Ltmp1:
0x67: {  	[bflag:$0x0] =	sbarrier.arrive $0xFFFF;
	(pc) =	sbr.rel @p0 .LBB2_1-.Ltmp1, $4  }
0x68: {  	[hbm:s8@s13], [sflag:s6] =	dma.strided [spmem:s10@s12], $0x4E4, s11, $0x2   }
0x69: {  	_ =	swait.ge [sflag:s12], $0x4E4  }
0x6a: {  	[sflag:s12] =	ssyncset.done $0x0  }
0x6b: {  	[sflag:s12] =	ssyncadd.s32 $0xFFFFFB1C  }
0x6c: {  	_ =	sfence.sel $0x180000  }
0x6d: {  	[bflag:$0x0] =	sbarrier.arrive $0xFFFF  }
0x6e: {  	p0 =	sne.s32 s1, $0x0;
	_ =	strace $0x90000047  }
0x6f: {  	s0 =	sadd.s32 @!p0 $0x100000, s0;
	[bflag:$0x2] =	sbarrier.arrive $0xFFFF  }
0x70: {  	[sflag:s0] =	ssyncadd.tile.s32 @!p0 $0x1;
	_ =	shalt  }
.Lfunc_end2:
_tile_overlayer_lowered:
.L_overlay_start_2:
0x71: {  	(tag) =	ssettag $0x2  }
0x72: {  	s0 =	rddreg [dreg:$0x0];
	s2 =	stileid.u32  }
0x73: {  	s1 =	rddreg [dreg:$0x1];
	p0 =	sne.s32 s2, $0x0  }
0x74: {  	s3 =	rddreg [dreg:$0x2];
	[bflag:$0x3] =	sbarrier.arrive $0xFFFF;
	s2 =	simm.s32 @!p0 $0x1C02  }
0x75: {  	[timem:s3], [sflag:s2] =	dma.local @!p0 [hbm:s0], s1  }
0x76: {  	s0 =	simm.s32 @!p0 $0x2  }
0x77: {  	_ =	swait.ge @!p0 [sflag:s0], s1  }
0x78: {  	s1 =	ssub.s32 @!p0 $0x0, s1;
	[sflag:s0] =	ssyncset.done @!p0 $0x0  }
0x79: {  	[sflag:s0] =	ssyncadd.s32 @!p0 s1  }
0x7a: {  	[bflag:$0x3] =	sbarrier.arrive $0xFFFF  }
0x7b: {  	_ =	shalt  }

// kernel: kernel.13.cloned.1.call-start
scs
__scs_entry_jumppad:
0x0: {  	(pc) =	sbr.rel $0x88, $3  }
0x1: {  	(tag) =	ssettag $0x0;
	lr =	simm.s32 $0x1  }
0x2: {  	[smem:$0x3F90] =	sst lr;
	_ =	strace $0xD0000000  }
0x3: {  	_ = 	snop  }
0x4: {  	_ = 	snop  }
0x5: {  	_ = 	snop  }
0x6: {  	_ = 	snop  }
0x7: {  	_ = 	snop  }
__scs_overlays_trampoline_lowered:
0x8: {  	[smem:$0x3F9F] =	sst s0  }
0x9: {  	[smem:$0x3FA0] =	sst s1  }
0xa: {  	[smem:$0x3FA1] =	sst s2  }
0xb: {  	[smem:$0x3FA2] =	sst s3  }
0xc: {  	[smem:$0x3FA3] =	sst s4  }
0xd: {  	[smem:$0x3FA4] =	sst s5  }
0xe: {  	[smem:$0x3FA5] =	sst s6  }
0xf: {  	[smem:$0x3FA6] =	sst s7  }
0x10: {  	[smem:$0x3FA7] =	sst s8  }
0x11: {  	[smem:$0x3FA8] =	sst s9;
	s0 =	simm.s32 @!p0 $0x0  }
0x12: {  	s1 =	sld [smem:$0x3F8E];
	s0 =	simm.s32 @p0 $0x1  }
0x13: {  	[smem:$0x3FA9] =	sst s0;
	s0 =	simm.s32 @!p1 $0x0  }
0x14: {  	s2 =	sld [smem:$0x3F8D];
	s0 =	simm.s32 @p1 $0x1  }
0x15: {  	[smem:$0x3FAA] =	sst s0;
	s0 =	simm.s32 @!p2 $0x0  }
0x16: {  	s3 =	sld [smem:$0x3FDB];
	s0 =	simm.s32 @p2 $0x1  }
0x17: {  	s4 =	simm.s32 $0x1BF5;
	[smem:$0x3FAC] =	sst s0  }
0x18: {  	s0 =	sld [smem:$0x3F8F];
	_ =	swait.ge [sflag:s4], $0x0  }
0x19: {  	s7 =	sld [smem:$0x3F90]  }
0x1a: {  	s8 =	sadd.s32 $0xFFFFE003, lr  }
0x1b: {  	s9 =	sadd.s32 $0xFFFFFEF7, lr;
	s5 =	simm.s32 $0xFFFFFFFF;
	p2 =	slt.u32 s8, $0xFFFFF086  }
0x1c: {  	p1 =	slt.u32 s9, $0xF7A;
	s5 =	simm.s32 @!p2 $0x0  }
0x1d: {  	s5 =	simm.s32 @p1 $0x1;
	p0 =	seq.s32 s7, s2  }
0x1e: {  	s7 =	smul.u32 @!p0 $0xF7A, s2;
	p2 =	seq.s32 @!p0 s5, $0x0  }
0x1f: {  	s9 =	smul.u32 $0xF7A, s1;
	s8 =	simm.s32 @!p0 $0x1BF5;
	p2 =	por !p2, p0  }
0x20: {  	[sflag:s8] =	ssyncset.s32 @!p0 $0xFFFFF086;
	s6 =	sadd.s32 @!p0 s3, s7;
	s7 =	simm.s32 @!p0 $0x108  }
0x21: {  	s3 =	sadd.s32 s3, s9;
	s6 =	sadd.s32 @!p0 $0x88, s6;
	s7 =	simm.s32 @p2 $0x1082  }
0x22: {  	[simem:s7], [sflag:s8] =	dma.local @!p0 [hbm:s6], $0xF7A  }
0x23: {  	s9 =	sor.u32 $0xD0000000, s2;
	s6 =	simm.s32 $0x108;
	_ =	swait.ge @!p0 [sflag:s8], $0x0  }
0x24: {  	s3 =	sadd.s32 $0x88, s3;
	s6 =	simm.s32 @!p1 $0x1082;
	[sflag:s4] =	ssyncset.s32 $0xFFFFF086  }
0x25: {  	[simem:s6], [sflag:s4] =	dma.local [hbm:s3], $0xF7A  }
0x26: {  	[smem:$0x3F90] =	sst s1;
	(tag) =	ssettag s2;
	_ =	strace s9  }
0x27: {  	s1 =	sld [smem:$0x3FA0]  }
0x28: {  	s2 =	sld [smem:$0x3FA1]  }
0x29: {  	s4 =	sld [smem:$0x3FA3]  }
0x2a: {  	p0 =	seq.s32 s5, $0x0;
	s5 =	sld [smem:$0x3FA4]  }
0x2b: {  	s6 =	sld [smem:$0x3FA5]  }
0x2c: {  	s7 =	sld [smem:$0x3FA6]  }
0x2d: {  	s3 =	simm.s32 $0x108;
	s8 =	sld [smem:$0x3FA7]  }
0x2e: {  	s3 =	simm.s32 @!p0 $0x1082;
	s9 =	sld [smem:$0x3FA8]  }
0x2f: {  	lr =	sadd.s32 s0, s3;
	s0 =	sld [smem:$0x3F9F]  }
0x30: {  	s3 =	sld [smem:$0x3FA2]  }
0x31: {  	[smem:$0x3FAB] =	sst s10  }
0x32: {  	s10 =	sld [smem:$0x3FA9];
	_ =	sdelay $0x3  }
0x33: {  	p0 =	seq.s32 s10, $0x1;
	s10 =	sld [smem:$0x3FAB];
	_ =	sdelay $0x3  }
0x34: {  	[smem:$0x3FAB] =	sst s10  }
0x35: {  	s10 =	sld [smem:$0x3FAA];
	_ =	sdelay $0x3  }
0x36: {  	p1 =	seq.s32 s10, $0x1;
	s10 =	sld [smem:$0x3FAB];
	_ =	sdelay $0x3  }
0x37: {  	[smem:$0x3FAB] =	sst s10  }
0x38: {  	s10 =	sld [smem:$0x3FAC]  }
0x39: {  	_ = 	snop;
	(pc) =	sbr.ind lr, $3  }
0x3a: {  	_ = 	snop  }
0x3b: {  	_ = 	snop  }
0x3c: {  	p2 =	seq.s32 s10, $0x1;
	s10 =	sld [smem:$0x3FAB]  }
0x3d: {  	_ =	shalt  }
0x3e: {  	_ =	shalt  }
0x3f: {  	_ =	shalt  }
0x40: {  	_ =	shalt  }
0x41: {  	_ =	shalt  }
0x42: {  	_ =	shalt  }
0x43: {  	_ =	shalt  }
0x44: {  	_ =	shalt  }
0x45: {  	_ =	shalt  }
0x46: {  	_ =	shalt  }
0x47: {  	_ =	shalt  }
0x48: {  	_ =	shalt  }
0x49: {  	_ =	shalt  }
0x4a: {  	_ =	shalt  }
0x4b: {  	_ =	shalt  }
0x4c: {  	_ =	shalt  }
0x4d: {  	_ =	shalt  }
0x4e: {  	_ =	shalt  }
0x4f: {  	_ =	shalt  }
0x50: {  	_ =	shalt  }
0x51: {  	_ =	shalt  }
0x52: {  	_ =	shalt  }
0x53: {  	_ =	shalt  }
0x54: {  	_ =	shalt  }
0x55: {  	_ =	shalt  }
0x56: {  	_ =	shalt  }
0x57: {  	_ =	shalt  }
0x58: {  	_ =	shalt  }
0x59: {  	_ =	shalt  }
0x5a: {  	_ =	shalt  }
0x5b: {  	_ =	shalt  }
0x5c: {  	_ =	shalt  }
0x5d: {  	_ =	shalt  }
0x5e: {  	_ =	shalt  }
0x5f: {  	_ =	shalt  }
0x60: {  	_ =	shalt  }
0x61: {  	_ =	shalt  }
0x62: {  	_ =	shalt  }
0x63: {  	_ =	shalt  }
0x64: {  	_ =	shalt  }
0x65: {  	_ =	shalt  }
0x66: {  	_ =	shalt  }
0x67: {  	_ =	shalt  }
0x68: {  	_ =	shalt  }
0x69: {  	_ =	shalt  }
0x6a: {  	_ =	shalt  }
0x6b: {  	_ =	shalt  }
0x6c: {  	_ =	shalt  }
0x6d: {  	_ =	shalt  }
0x6e: {  	_ =	shalt  }
0x6f: {  	_ =	shalt  }
0x70: {  	_ =	shalt  }
0x71: {  	_ =	shalt  }
0x72: {  	_ =	shalt  }
0x73: {  	_ =	shalt  }
0x74: {  	_ =	shalt  }
0x75: {  	_ =	shalt  }
0x76: {  	_ =	shalt  }
0x77: {  	_ =	shalt  }
0x78: {  	_ =	shalt  }
0x79: {  	_ =	shalt  }
0x7a: {  	_ =	shalt  }
0x7b: {  	_ =	shalt  }
0x7c: {  	_ =	shalt  }
0x7d: {  	_ =	shalt  }
0x7e: {  	_ =	shalt  }
0x7f: {  	_ =	shalt  }
0x80: {  	_ =	shalt  }
0x81: {  	_ =	shalt  }
0x82: {  	_ =	shalt  }
0x83: {  	_ =	shalt  }
0x84: {  	_ =	shalt  }
0x85: {  	_ =	shalt  }
0x86: {  	_ =	shalt  }
0x87: {  	_ =	shalt  }
.Lfunc_end0:
.L_simem_size_0:
called_computation.1_lowered:
.L_overlay_start_0:
0x88: {  	s2 =	sld [smem:$0x3FD9]  }
0x89: {  	s3 =	sld [smem:$0x3FFE];
	_ =	sdelay $0x1  }
0x8a: {  	s1 =	srdreg.scid  }
0x8b: {  	s0 =	sand.u32 $0x1, s1  }
0x8c: {  	s16 =	sshll.u32 s0, $0xA;
	s2 =	sadd.s32 s3, s2  }
0x8d: {  	s2 =	sadd.s32 s2, s16  }
0x8e: {  	[smem:$0x3FB7] =	sst s2  }
0x8f: {  	_ = 	snop  }
0x90: {  	(tm) =	ssettm $0x1  }
0x91: {  	s17 =	sld [smem:$0x3FFB];
	_ =	sdelay $0x3  }
0x92: {  	_ =	strace s17  }
0x93: {  	s2 =	sld [smem:$0x3FFC];
	_ =	sdelay $0x3  }
0x94: {  	_ =	strace s2  }
0x95: {  	s2 =	sld [smem:$0x3FFD];
	_ =	sdelay $0x3  }
0x96: {  	_ =	strace s2  }
0x97: {  	_ =	strace $0x8FFFFFFF  }
0x98: {  	s18 =	sld [smem:$0x3FDB];
	_ =	sdelay $0x1  }
0x99: {  	s19 =	simm.s32 $_scs_section_size  }
0x9a: {  	s4 =	simm.s32 $_size__tile_overlayer_lowered;
	s5 =	simm.s32 $_tile_overlayer_lowered  }
0x9b: {  	s22 =	simm.s32 $0x1BFF;
	s21 =	sshll.u32 s5, $0x1;
	s2 =	sadd.s32 s19, s18  }
0x9c: {  	s6 =	simm.s32 $0x0;
	s20 =	sshll.u32 s4, $0x1;
	s4 =	sadd.s32 s21, s2  }
0x9d: {  	[timem:s6], [sflag:s22] =	dma.local [hbm:s4], s20  }
0x9e: {  	_ =	swait.ge [sflag:s22], s20  }
0x9f: {  	s3 =	ssub.s32 $0x0, s20;
	[sflag:s22] =	ssyncset.done $0x0  }
0xa0: {  	[sflag:s22] =	ssyncadd.s32 s3;
	_ =	sdelay $0x1  }
0xa1: {  	s23 =	simm.s32 $0x1B8B  }
0xa2: {  	_ =	swait.ge [sflag:s23], $0x1  }
0xa3: {  	[sflag:s23] =	ssyncset.done $0x0  }
0xa4: {  	s25 =	simm.s32 $0x1B8E;
	s24 =	sld [smem:$0x3FFE];
	[sflag:s23] =	ssyncadd.s32 $0xFFFFFFFF  }
0xa5: {  	s26 =	simm.s32 $execute0_lowered;
	[smem:$0x3FD2] =	sst s25  }
0xa6: {  	s4 =	sshll.u32 s26, $0x1;
	_ =	strace $0x80000049;
	[dreg:$0x1] =	wrdreg $0xFFFFFFFF  }
0xa7: {  	s28 =	simm.s32 $_size_execute0_lowered;
	s2 =	sadd.s32 s2, s4;
	[dreg:$0x0] =	wrdreg $0x0  }
0xa8: {  	s4 =	sshll.u32 s28, $0x1;
	[dreg:$0x2] =	wrdreg s2  }
0xa9: {  	[dreg:$0x3] =	wrdreg s4  }
0xaa: {  	[dreg:$0x4] =	wrdreg $0xC0  }
0xab: {  	_ =	task [dreg:s6], $0x5FFFF  }
0xac: {  	[dreg:$0x1] =	wrdreg $0xFFFFFFFF  }
0xad: {  	[dreg:$0x0] =	wrdreg $0x60  }
0xae: {  	[dreg:$0x2] =	wrdreg s24  }
0xaf: {  	[dreg:$0x3] =	wrdreg $0x160800  }
0xb0: {  	[dreg:$0x4] =	wrdreg $0xC4400  }
0xb1: {  	[dreg:$0x5] =	wrdreg $0x9  }
0xb2: {  	_ =	task.clear_ibuf [dreg:s6], $0x6FFFF;
	_ =	strace $0x90000049  }
0xb3: {  	s29 =	simm.s32 $0x9;
	_ =	strace $0x8000004B  }
0xb4: {  	_ =	swait.ge [sflag:s29], $0x1  }
0xb5: {  	[sflag:s29] =	ssyncadd.s32 $0xFFFFFFFF  }
0xb6: {  	_ =	strace $0x9000004B  }
0xb7: {  	_ =	sfence  }
0xb8: {  	s30 =	sld [smem:$0x0];
	_ =	sdelay $0x2  }
0xb9: {  	s31 =	sshll.u32 s1, $0xD;
	s1 =	sshrl.u32 s1, $0x2  }
0xba: {  	s3 =	sand.u32 $0x4000, s31;
	s1 =	sadd.s32 s1, s30  }
0xbb: {  	s0 =	sor.u32 s3, s0;
	s1 =	sshll.u32 s1, $0x11  }
0xbc: {  	s0 =	sor.u32 s1, s0  }
0xbd: {  	s0 =	sadd.s32 $0x8F2B, s0  }
0xbe: {  	[sflag:s0] =	ssyncadd.remote.s32 $0x1  }
0xbf: {  	_ =	sfence.sel $0xFFFF  }
0xc0: {  	[dreg:$0x0] =	wrdreg $0xFFFFFFFF;
	(pc) =	sbr.abs _section_cstart, $3  }
0xc1: {  	[dreg:$0x1] =	wrdreg $0xFFFFFFFF  }
0xc2: {  	_ =	task.clear_ibuf [dreg:s6], $0x2FFFF;
	_ =	strace $0x9FFFFFFF  }
0xc3: {  	(tm) =	ssettm $0x7FFFFFFF  }
tec
execute0_lowered:
.L_overlay_start_1:
0x0: {  	(tag) =	ssettag $0x1  }
0x1: {  	s0 =	rddreg [dreg:$0x0]  }
0x2: {  	s2 =	rddreg [dreg:$0x1]  }
0x3: {  	s3 =	rddreg [dreg:$0x2]  }
0x4: {  	s1 =	srdreg.scid;
	s12 =	stileid.u32  }
0x5: {  	s4 =	simm.s32 $0x0;
	s13 =	simm.s32 $0x1;
	s14 =	simm.s32 $0x8  }
0x6: {  	s15 =	simm.s32 $0x10;
	s16 =	simm.s32 $0x5;
	s5 =	smul.u32 $0x13880, s12  }
0x7: {  	s18 =	simm.s32 $0x4E20;
	s19 =	simm.s32 $0x50;
	s7 =	smul.u32 $0x4E20, s12  }
0x8: {  	s28 =	simm.s32 $0x9BA0;
	s29 =	simm.s32 $0x4DD0;
	s8 =	smul.u32 $0x13900, s12  }
0x9: {  	s30 =	simm.s32 $0x9BF0;
	s31 =	simm.s32 $0x0;
	s21 =	smul.u32 $0x27200, s12  }
0xa: {  	s1 =	sand.u32 $0x1, s1;
	[smem:$0x7FF] =	sst s4;
	s11 =	smul.u32 $0x27100, s12  }
0xb: {  	s24 =	sshll.u32 s12, $0x6;
	s6 =	sshll.u32 s1, $0x6;
	_ =	strace $0x8000004A  }
0xc: {  	s1 =	ssub.s32 $0x2, s1;
	s5 =	sor.u32 s6, s5;
	s7 =	sshrl.u32 s7, $0x3  }
0xd: {  	s20 =	sor.u32 s6, s8;
	s23 =	sshrl.u32 s1, $0x1;
	s6 =	sshrl.u32 s21, $0x2  }
0xe: {  	s25 =	sshrl.u32 s11, $0x2;
	s21 =	simm.s32 $0xB040;
	s5 =	sshrl.u32 s5, $0x3  }
0xf: {  	s10 =	sadd.s32 s7, s0;
	s22 =	sshrl.u32 s20, $0x3;
	s1 =	ssub.s32 s1, s23  }
0x10: {  	s26 =	sadd.s32 s6, s2;
	s6 =	sor.u32 $0x1C05, s24;
	s17 =	sadd.s32 s25, s3  }
0x11: {  	s20 =	simm.s32 $0x9C40;
	s24 =	simm.s32 $0x3;
	s25 =	simm.s32 $0xA0  }
0x12: {  	s9 =	sadd.s32 s5, s0;
	s5 =	sadd.s32 $0x18600, s0;
	s0 =	sadd.s32 s22, s0  }
0x13: {  	s8 =	sadd.s32 $0x4C00, s10;
	s11 =	smax.u32 s1, $0x1;
	s12 =	sshrl.u32 s26, $0x3  }
0x14: {  	s17 =	sshrl.u32 s17, $0x3;
	s22 =	simm.s32 $0x2;
	s26 =	simm.s32 $0x4  }
0x15: {  	s7 =	sadd.s32 $0x1AE00, s9;
	s9 =	sadd.s32 $0xE840, s10;
	s10 =	sadd.s32 $0x42000, s0  }
.LBB2_1:
0x16: {  	[spmem:s12@s14], [sflag:s6] =	dma.strided [hbm:s5@s15], $0x1390, s13, $0x8   }
0x17: {  	_ =	swait.ge [sflag:s16], $0x1390  }
0x18: {  	[sflag:s16] =	ssyncset.done $0x0  }
0x19: {  	[sflag:s16] =	ssyncadd.s32 $0xFFFFEC70  }
0x1a: {  	[spmem:s17@s14], [sflag:s6] =	dma.strided [hbm:s7@s15], $0x1388, s13, $0x8   }
0x1b: {  	_ =	swait.ge [sflag:s16], $0x1388  }
0x1c: {  	[sflag:s16] =	ssyncset.done $0x0  }
0x1d: {  	[sflag:s16] =	ssyncadd.s32 $0xFFFFEC78  }
0x1e: {  	[tilespmem:s4], [sflag:$0x5] =	stream.linear.gather [hbm4b:s8+s4], $0x4E20, $0x38;
	[tilespmem:$0x1FD00] =	vst v63  }
0x1f: {  	_ =	swait.ge [sflag:s16], $0x4E20  }
0x20: {  	[sflag:s16] =	ssyncset.done $0x0  }
0x21: {  	[sflag:s16] =	ssyncadd.s32 $0xFFFFB1E0  }
0x22: {  	[tilespmem:s18], [sflag:$0x5] =	stream.linear.gather [hbm4b:s9+s4], $0x4E20, $0x38;
	[tilespmem:$0x1FD00] =	vst v63  }
0x23: {  	_ =	swait.ge [sflag:s16], $0x4E20  }
0x24: {  	[sflag:s16] =	ssyncset.done $0x0  }
0x25: {  	[sflag:s16] =	ssyncadd.s32 $0xFFFFB1E0  }
0x26: {  	[bflag:$0x0] =	sbarrier.arrive $0xFFFF  }
0x27: {  	[tilespmem:s20], [sflag:$0x1] =	stream.indirect.gather [spmem:s3], $0x40, s4, s19, $0xb8;
	[tilespmem:$0x1FD00] =	vst v63  }
0x28: {  	_ =	swait.ge [sflag:s13], $0x1400  }
0x29: {  	[sflag:s13] =	ssyncset.done $0x0  }
0x2a: {  	[sflag:s13] =	ssyncadd.s32 $0xFFFFEC00  }
0x2b: {  	[spmem:s2] =	stream.indirect.scatter.add.f32 [tilespmem:s20], [sflag:$0x3], $0x40, s18, s19, $0xb8;
	[tilespmem:$0x1FD00] =	vst v63  }
0x2c: {  	_ = 	snop  }
0x2d: {  	[tilespmem:s21], [sflag:$0x2] =	stream.indirect.gather [spmem:s3], $0x40, s19, s19, $0xb8;
	[tilespmem:$0x1FD00] =	vst v63  }
0x2e: {  	_ =	swait.ge [sflag:s22], $0x1400  }
0x2f: {  	[sflag:s22] =	ssyncset.done $0x0  }
0x30: {  	s0 =	simm.s32 $0x4E70;
	[sflag:s22] =	ssyncadd.s32 $0xFFFFEC00  }
0x31: {  	[spmem:s2] =	stream.indirect.scatter.add.f32 [tilespmem:s21], [sflag:$0x4], $0x40, s0, s19, $0xb8;
	[tilespmem:$0x1FD00] =	vst v63  }
0x32: {  	_ =	swait.ge [sflag:s24], $0x1400  }
0x33: {  	[sflag:s24] =	ssyncset.done $0x0  }
0x34: {  	[sflag:s24] =	ssyncadd.s32 $0xFFFFEC00  }
0x35: {  	[tilespmem:s20], [sflag:$0x1] =	stream.indirect.gather [spmem:s3], $0x40, s25, s19, $0xb8;
	[tilespmem:$0x1FD00] =	vst v63  }
0x36: {  	_ =	swait.ge [sflag:s13], $0x1400  }
0x37: {  	[sflag:s13] =	ssyncset.done $0x0  }
0x38: {  	s23 =	simm.s32 $0x4EC0;
	[sflag:s13] =	ssyncadd.s32 $0xFFFFEC00  }
0x39: {  	[spmem:s2] =	stream.indirect.scatter.add.f32 [tilespmem:s20], [sflag:$0x3], $0x40, s23, s19, $0xb8;
	[tilespmem:$0x1FD00] =	vst v63  }
0x3a: {  	_ =	swait.ge [sflag:s26], $0x1400  }
0x3b: {  	[sflag:s26] =	ssyncset.done $0x0  }
0x3c: {  	s1 =	simm.s32 $0xF0;
	[sflag:s26] =	ssyncadd.s32 $0xFFFFEC00  }
0x3d: {  	[tilespmem:s21], [sflag:$0x2] =	stream.indirect.gather [spmem:s3], $0x40, s1, s19, $0xb8;
	[tilespmem:$0x1FD00] =	vst v63  }
0x3e: {  	_ =	swait.ge [sflag:s22], $0x1400  }
0x3f: {  	[sflag:s22] =	ssyncset.done $0x0  }
0x40: {  	s23 =	simm.s32 $0x4F10;
	[sflag:s22] =	ssyncadd.s32 $0xFFFFEC00  }
0x41: {  	[spmem:s2] =	stream.indirect.scatter.add.f32 [tilespmem:s21], [sflag:$0x4], $0x40, s23, s19, $0xb8;
	[tilespmem:$0x1FD00] =	vst v63  }
0x42: {  	_ =	swait.ge [sflag:s24], $0x1400  }
0x43: {  	[sflag:s24] =	ssyncset.done $0x0  }
0x44: {  	s0 =	simm.s32 $0xFFFECF00;
	s1 =	simm.s32 $0x140;
	[sflag:s24] =	ssyncadd.s32 $0xFFFFEC00  }
.LBB2_2:
0x45: {  	[tilespmem:s20], [sflag:$0x1] =	stream.indirect.gather [spmem:s3], $0x40, s1, s19, $0xb8;
	[tilespmem:$0x1FD00] =	vst v63  }
0x46: {  	s1 =	smov.u32 s0  }
0x47: {  	p0 =	sne.s32 s0, $0xFFFFFD80;
	s0 =	sadd.s32 $0x280, s0;
	_ =	swait.ge [sflag:s13], $0x1400  }
0x48: {  	s1 =	sshra.s32 s1, $0x2;
	[sflag:s13] =	ssyncset.done $0x0  }
0x49: {  	s23 =	sadd.s32 $0x9BA0, s1;
	[sflag:s13] =	ssyncadd.s32 $0xFFFFEC00  }
0x4a: {  	[spmem:s2] =	stream.indirect.scatter.add.f32 [tilespmem:s20], [sflag:$0x3], $0x40, s23, s19, $0xb8;
	[tilespmem:$0x1FD00] =	vst v63  }
0x4b: {  	_ =	swait.ge [sflag:s26], $0x1400  }
0x4c: {  	[sflag:s26] =	ssyncset.done $0x0  }
0x4d: {  	s23 =	sadd.s32 $0x4DD0, s1;
	[sflag:s26] =	ssyncadd.s32 $0xFFFFEC00  }
0x4e: {  	[tilespmem:s21], [sflag:$0x2] =	stream.indirect.gather [spmem:s3], $0x40, s23, s19, $0xb8;
	[tilespmem:$0x1FD00] =	vst v63  }
0x4f: {  	_ =	swait.ge [sflag:s22], $0x1400  }
0x50: {  	[sflag:s22] =	ssyncset.done $0x0  }
.Ltmp0:
0x51: {  	s23 =	sadd.s32 $0x9BF0, s1;
	[sflag:s22] =	ssyncadd.s32 $0xFFFFEC00;
	(pc) =	sbr.rel @p0 .LBB2_2-.Ltmp0, $4  }
0x52: {  	[spmem:s2] =	stream.indirect.scatter.add.f32 [tilespmem:s21], [sflag:$0x4], $0x40, s23, s19, $0xb8;
	[tilespmem:$0x1FD00] =	vst v63  }
0x53: {  	_ =	swait.ge [sflag:s24], $0x1400  }
0x54: {  	[sflag:s24] =	ssyncset.done $0x0  }
0x55: {  	s1 =	sadd.s32 $0x4E20, s1;
	[sflag:s24] =	ssyncadd.s32 $0xFFFFEC00  }
0x56: {  	[tilespmem:s20], [sflag:$0x1] =	stream.indirect.gather [spmem:s3], $0x40, s1, s19, $0xb8;
	[tilespmem:$0x1FD00] =	vst v63  }
0x57: {  	_ =	swait.ge [sflag:s13], $0x1400  }
0x58: {  	[sflag:s13] =	ssyncset.done $0x0  }
0x59: {  	[sflag:s13] =	ssyncadd.s32 $0xFFFFEC00  }
0x5a: {  	[spmem:s2] =	stream.indirect.scatter.add.f32 [tilespmem:s20], [sflag:$0x3], $0x40, s28, s19, $0xb8;
	[tilespmem:$0x1FD00] =	vst v63  }
0x5b: {  	_ =	swait.ge [sflag:s26], $0x1400  }
0x5c: {  	[sflag:s26] =	ssyncset.done $0x0  }
0x5d: {  	[sflag:s26] =	ssyncadd.s32 $0xFFFFEC00  }
0x5e: {  	[tilespmem:s21], [sflag:$0x2] =	stream.indirect.gather [spmem:s3], $0x40, s29, s19, $0xb8;
	[tilespmem:$0x1FD00] =	vst v63  }
0x5f: {  	_ =	swait.ge [sflag:s22], $0x1400  }
0x60: {  	[sflag:s22] =	ssyncset.done $0x0  }
0x61: {  	[sflag:s22] =	ssyncadd.s32 $0xFFFFEC00  }
0x62: {  	[spmem:s2] =	stream.indirect.scatter.add.f32 [tilespmem:s21], [sflag:$0x4], $0x40, s30, s19, $0xb8;
	[tilespmem:$0x1FD00] =	vst v63  }
0x63: {  	_ =	swait.ge [sflag:s24], $0x1400  }
0x64: {  	[sflag:s24] =	ssyncset.done $0x0  }
0x65: {  	[sflag:s24] =	ssyncadd.s32 $0xFFFFEC00  }
0x66: {  	_ =	swait.ge [sflag:s26], $0x1400  }
0x67: {  	s31 =	sadd.s32 $0x1, s31;
	[sflag:s26] =	ssyncset.done $0x0  }
0x68: {  	p0 =	sne.s32 s31, s11;
	[sflag:s26] =	ssyncadd.s32 $0xFFFFEC00  }
.Ltmp1:
0x69: {  	[bflag:$0x0] =	sbarrier.arrive $0xFFFF;
	(pc) =	sbr.rel @p0 .LBB2_1-.Ltmp1, $4  }
0x6a: {  	[hbm:s10@s15], [sflag:s6] =	dma.strided [spmem:s12@s14], $0x1390, s13, $0x8   }
0x6b: {  	_ =	swait.ge [sflag:s16], $0x1390  }
0x6c: {  	[sflag:s16] =	ssyncset.done $0x0  }
0x6d: {  	[sflag:s16] =	ssyncadd.s32 $0xFFFFEC70  }
0x6e: {  	_ =	sfence.sel $0x180000  }
0x6f: {  	[bflag:$0x0] =	sbarrier.arrive $0xFFFF  }
0x70: {  	_ =	strace $0x9000004A  }
0x71: {  	s0 =	stileid.u32;
	[bflag:$0x2] =	sbarrier.arrive $0xFFFF  }
0x72: {  	p0 =	sne.s32 s0, $0x0;
	s0 =	rddreg [dreg:$0x3]  }
0x73: {  	s0 =	sadd.s32 @!p0 $0x100000, s0  }
0x74: {  	[sflag:s0] =	ssyncadd.tile.s32 @!p0 $0x1;
	_ =	shalt  }
.Lfunc_end2:
_tile_overlayer_lowered:
.L_overlay_start_2:
0x75: {  	(tag) =	ssettag $0x2  }
0x76: {  	s0 =	rddreg [dreg:$0x0];
	s2 =	stileid.u32  }
0x77: {  	s1 =	rddreg [dreg:$0x1];
	p0 =	sne.s32 s2, $0x0  }
0x78: {  	s3 =	rddreg [dreg:$0x2];
	[bflag:$0x3] =	sbarrier.arrive $0xFFFF;
	s2 =	simm.s32 @!p0 $0x1C05  }
0x79: {  	[timem:s3], [sflag:s2] =	dma.local @!p0 [hbm:s0], s1  }
0x7a: {  	s0 =	simm.s32 @!p0 $0x5  }
0x7b: {  	_ =	swait.ge @!p0 [sflag:s0], s1  }
0x7c: {  	s1 =	ssub.s32 @!p0 $0x0, s1;
	[sflag:s0] =	ssyncset.done @!p0 $0x0  }
0x7d: {  	[sflag:s0] =	ssyncadd.s32 @!p0 s1  }
0x7e: {  	[bflag:$0x3] =	sbarrier.arrive $0xFFFF  }
0x7f: {  	_ =	shalt  }

// kernel: kernel.16.cloned.1.call-start
scs
__scs_entry_jumppad:
0x0: {  	(pc) =	sbr.rel $0x88, $3  }
0x1: {  	(tag) =	ssettag $0x0;
	lr =	simm.s32 $0x1  }
0x2: {  	[smem:$0x3F90] =	sst lr;
	_ =	strace $0xD0000000  }
0x3: {  	_ = 	snop  }
0x4: {  	_ = 	snop  }
0x5: {  	_ = 	snop  }
0x6: {  	_ = 	snop  }
0x7: {  	_ = 	snop  }
__scs_overlays_trampoline_lowered:
0x8: {  	[smem:$0x3F9F] =	sst s0  }
0x9: {  	[smem:$0x3FA0] =	sst s1  }
0xa: {  	[smem:$0x3FA1] =	sst s2  }
0xb: {  	[smem:$0x3FA2] =	sst s3  }
0xc: {  	[smem:$0x3FA3] =	sst s4  }
0xd: {  	[smem:$0x3FA4] =	sst s5  }
0xe: {  	[smem:$0x3FA5] =	sst s6  }
0xf: {  	[smem:$0x3FA6] =	sst s7  }
0x10: {  	[smem:$0x3FA7] =	sst s8  }
0x11: {  	[smem:$0x3FA8] =	sst s9;
	s0 =	simm.s32 @!p0 $0x0  }
0x12: {  	s1 =	sld [smem:$0x3F8E];
	s0 =	simm.s32 @p0 $0x1  }
0x13: {  	[smem:$0x3FA9] =	sst s0;
	s0 =	simm.s32 @!p1 $0x0  }
0x14: {  	s2 =	sld [smem:$0x3F8D];
	s0 =	simm.s32 @p1 $0x1  }
0x15: {  	[smem:$0x3FAA] =	sst s0;
	s0 =	simm.s32 @!p2 $0x0  }
0x16: {  	s3 =	sld [smem:$0x3FDB];
	s0 =	simm.s32 @p2 $0x1  }
0x17: {  	s4 =	simm.s32 $0x1BF5;
	[smem:$0x3FAC] =	sst s0  }
0x18: {  	s0 =	sld [smem:$0x3F8F];
	_ =	swait.ge [sflag:s4], $0x0  }
0x19: {  	s7 =	sld [smem:$0x3F90]  }
0x1a: {  	s8 =	sadd.s32 $0xFFFFE003, lr  }
0x1b: {  	s9 =	sadd.s32 $0xFFFFFEF7, lr;
	s5 =	simm.s32 $0xFFFFFFFF;
	p2 =	slt.u32 s8, $0xFFFFF086  }
0x1c: {  	p1 =	slt.u32 s9, $0xF7A;
	s5 =	simm.s32 @!p2 $0x0  }
0x1d: {  	s5 =	simm.s32 @p1 $0x1;
	p0 =	seq.s32 s7, s2  }
0x1e: {  	s7 =	smul.u32 @!p0 $0xF7A, s2;
	p2 =	seq.s32 @!p0 s5, $0x0  }
0x1f: {  	s9 =	smul.u32 $0xF7A, s1;
	s8 =	simm.s32 @!p0 $0x1BF5;
	p2 =	por !p2, p0  }
0x20: {  	[sflag:s8] =	ssyncset.s32 @!p0 $0xFFFFF086;
	s6 =	sadd.s32 @!p0 s3, s7;
	s7 =	simm.s32 @!p0 $0x108  }
0x21: {  	s3 =	sadd.s32 s3, s9;
	s6 =	sadd.s32 @!p0 $0x88, s6;
	s7 =	simm.s32 @p2 $0x1082  }
0x22: {  	[simem:s7], [sflag:s8] =	dma.local @!p0 [hbm:s6], $0xF7A  }
0x23: {  	s9 =	sor.u32 $0xD0000000, s2;
	s6 =	simm.s32 $0x108;
	_ =	swait.ge @!p0 [sflag:s8], $0x0  }
0x24: {  	s3 =	sadd.s32 $0x88, s3;
	s6 =	simm.s32 @!p1 $0x1082;
	[sflag:s4] =	ssyncset.s32 $0xFFFFF086  }
0x25: {  	[simem:s6], [sflag:s4] =	dma.local [hbm:s3], $0xF7A  }
0x26: {  	[smem:$0x3F90] =	sst s1;
	(tag) =	ssettag s2;
	_ =	strace s9  }
0x27: {  	s1 =	sld [smem:$0x3FA0]  }
0x28: {  	s2 =	sld [smem:$0x3FA1]  }
0x29: {  	s4 =	sld [smem:$0x3FA3]  }
0x2a: {  	p0 =	seq.s32 s5, $0x0;
	s5 =	sld [smem:$0x3FA4]  }
0x2b: {  	s6 =	sld [smem:$0x3FA5]  }
0x2c: {  	s7 =	sld [smem:$0x3FA6]  }
0x2d: {  	s3 =	simm.s32 $0x108;
	s8 =	sld [smem:$0x3FA7]  }
0x2e: {  	s3 =	simm.s32 @!p0 $0x1082;
	s9 =	sld [smem:$0x3FA8]  }
0x2f: {  	lr =	sadd.s32 s0, s3;
	s0 =	sld [smem:$0x3F9F]  }
0x30: {  	s3 =	sld [smem:$0x3FA2]  }
0x31: {  	[smem:$0x3FAB] =	sst s10  }
0x32: {  	s10 =	sld [smem:$0x3FA9];
	_ =	sdelay $0x3  }
0x33: {  	p0 =	seq.s32 s10, $0x1;
	s10 =	sld [smem:$0x3FAB];
	_ =	sdelay $0x3  }
0x34: {  	[smem:$0x3FAB] =	sst s10  }
0x35: {  	s10 =	sld [smem:$0x3FAA];
	_ =	sdelay $0x3  }
0x36: {  	p1 =	seq.s32 s10, $0x1;
	s10 =	sld [smem:$0x3FAB];
	_ =	sdelay $0x3  }
0x37: {  	[smem:$0x3FAB] =	sst s10  }
0x38: {  	s10 =	sld [smem:$0x3FAC]  }
0x39: {  	_ = 	snop;
	(pc) =	sbr.ind lr, $3  }
0x3a: {  	_ = 	snop  }
0x3b: {  	_ = 	snop  }
0x3c: {  	p2 =	seq.s32 s10, $0x1;
	s10 =	sld [smem:$0x3FAB]  }
0x3d: {  	_ =	shalt  }
0x3e: {  	_ =	shalt  }
0x3f: {  	_ =	shalt  }
0x40: {  	_ =	shalt  }
0x41: {  	_ =	shalt  }
0x42: {  	_ =	shalt  }
0x43: {  	_ =	shalt  }
0x44: {  	_ =	shalt  }
0x45: {  	_ =	shalt  }
0x46: {  	_ =	shalt  }
0x47: {  	_ =	shalt  }
0x48: {  	_ =	shalt  }
0x49: {  	_ =	shalt  }
0x4a: {  	_ =	shalt  }
0x4b: {  	_ =	shalt  }
0x4c: {  	_ =	shalt  }
0x4d: {  	_ =	shalt  }
0x4e: {  	_ =	shalt  }
0x4f: {  	_ =	shalt  }
0x50: {  	_ =	shalt  }
0x51: {  	_ =	shalt  }
0x52: {  	_ =	shalt  }
0x53: {  	_ =	shalt  }
0x54: {  	_ =	shalt  }
0x55: {  	_ =	shalt  }
0x56: {  	_ =	shalt  }
0x57: {  	_ =	shalt  }
0x58: {  	_ =	shalt  }
0x59: {  	_ =	shalt  }
0x5a: {  	_ =	shalt  }
0x5b: {  	_ =	shalt  }
0x5c: {  	_ =	shalt  }
0x5d: {  	_ =	shalt  }
0x5e: {  	_ =	shalt  }
0x5f: {  	_ =	shalt  }
0x60: {  	_ =	shalt  }
0x61: {  	_ =	shalt  }
0x62: {  	_ =	shalt  }
0x63: {  	_ =	shalt  }
0x64: {  	_ =	shalt  }
0x65: {  	_ =	shalt  }
0x66: {  	_ =	shalt  }
0x67: {  	_ =	shalt  }
0x68: {  	_ =	shalt  }
0x69: {  	_ =	shalt  }
0x6a: {  	_ =	shalt  }
0x6b: {  	_ =	shalt  }
0x6c: {  	_ =	shalt  }
0x6d: {  	_ =	shalt  }
0x6e: {  	_ =	shalt  }
0x6f: {  	_ =	shalt  }
0x70: {  	_ =	shalt  }
0x71: {  	_ =	shalt  }
0x72: {  	_ =	shalt  }
0x73: {  	_ =	shalt  }
0x74: {  	_ =	shalt  }
0x75: {  	_ =	shalt  }
0x76: {  	_ =	shalt  }
0x77: {  	_ =	shalt  }
0x78: {  	_ =	shalt  }
0x79: {  	_ =	shalt  }
0x7a: {  	_ =	shalt  }
0x7b: {  	_ =	shalt  }
0x7c: {  	_ =	shalt  }
0x7d: {  	_ =	shalt  }
0x7e: {  	_ =	shalt  }
0x7f: {  	_ =	shalt  }
0x80: {  	_ =	shalt  }
0x81: {  	_ =	shalt  }
0x82: {  	_ =	shalt  }
0x83: {  	_ =	shalt  }
0x84: {  	_ =	shalt  }
0x85: {  	_ =	shalt  }
0x86: {  	_ =	shalt  }
0x87: {  	_ =	shalt  }
.Lfunc_end0:
.L_simem_size_0:
called_computation.2_lowered:
.L_overlay_start_0:
0x88: {  	s2 =	sld [smem:$0x3FD9]  }
0x89: {  	s3 =	sld [smem:$0x3FFE];
	_ =	sdelay $0x1  }
0x8a: {  	s1 =	srdreg.scid  }
0x8b: {  	s0 =	sand.u32 $0x1, s1  }
0x8c: {  	s16 =	sshll.u32 s0, $0xA;
	s2 =	sadd.s32 s3, s2  }
0x8d: {  	s2 =	sadd.s32 s2, s16  }
0x8e: {  	[smem:$0x3FB7] =	sst s2  }
0x8f: {  	_ = 	snop  }
0x90: {  	(tm) =	ssettm $0x1  }
0x91: {  	s17 =	sld [smem:$0x3FFB];
	_ =	sdelay $0x3  }
0x92: {  	_ =	strace s17  }
0x93: {  	s2 =	sld [smem:$0x3FFC];
	_ =	sdelay $0x3  }
0x94: {  	_ =	strace s2  }
0x95: {  	s2 =	sld [smem:$0x3FFD];
	_ =	sdelay $0x3  }
0x96: {  	_ =	strace s2  }
0x97: {  	_ =	strace $0x8FFFFFFF  }
0x98: {  	s18 =	sld [smem:$0x3FDB];
	_ =	sdelay $0x1  }
0x99: {  	s19 =	simm.s32 $_scs_section_size  }
0x9a: {  	s4 =	simm.s32 $_size__tile_overlayer_lowered;
	s5 =	simm.s32 $_tile_overlayer_lowered  }
0x9b: {  	s22 =	simm.s32 $0x1BFF;
	s21 =	sshll.u32 s5, $0x1;
	s2 =	sadd.s32 s19, s18  }
0x9c: {  	s6 =	simm.s32 $0x0;
	s20 =	sshll.u32 s4, $0x1;
	s4 =	sadd.s32 s21, s2  }
0x9d: {  	[timem:s6], [sflag:s22] =	dma.local [hbm:s4], s20  }
0x9e: {  	_ =	swait.ge [sflag:s22], s20  }
0x9f: {  	s3 =	ssub.s32 $0x0, s20;
	[sflag:s22] =	ssyncset.done $0x0  }
0xa0: {  	[sflag:s22] =	ssyncadd.s32 s3;
	_ =	sdelay $0x1  }
0xa1: {  	s23 =	simm.s32 $0x1B8B  }
0xa2: {  	_ =	swait.ge [sflag:s23], $0x1  }
0xa3: {  	[sflag:s23] =	ssyncset.done $0x0  }
0xa4: {  	s25 =	simm.s32 $0x1B8E;
	s24 =	sld [smem:$0x3FFE];
	[sflag:s23] =	ssyncadd.s32 $0xFFFFFFFF  }
0xa5: {  	s26 =	simm.s32 $execute0_lowered;
	[smem:$0x3FD2] =	sst s25  }
0xa6: {  	s4 =	sshll.u32 s26, $0x1;
	_ =	strace $0x8000004C;
	[dreg:$0x1] =	wrdreg $0xFFFFFFFF  }
0xa7: {  	s28 =	simm.s32 $_size_execute0_lowered;
	s2 =	sadd.s32 s2, s4;
	[dreg:$0x0] =	wrdreg $0x0  }
0xa8: {  	s4 =	sshll.u32 s28, $0x1;
	[dreg:$0x2] =	wrdreg s2  }
0xa9: {  	[dreg:$0x3] =	wrdreg s4  }
0xaa: {  	[dreg:$0x4] =	wrdreg $0xC0  }
0xab: {  	_ =	task [dreg:s6], $0x5FFFF  }
0xac: {  	[dreg:$0x1] =	wrdreg $0xFFFFFFFF  }
0xad: {  	[dreg:$0x0] =	wrdreg $0x60  }
0xae: {  	[dreg:$0x2] =	wrdreg s24  }
0xaf: {  	[dreg:$0x3] =	wrdreg $0x160800  }
0xb0: {  	[dreg:$0x4] =	wrdreg $0xC4400  }
0xb1: {  	[dreg:$0x5] =	wrdreg $0x9  }
0xb2: {  	_ =	task.clear_ibuf [dreg:s6], $0x6FFFF;
	_ =	strace $0x9000004C  }
0xb3: {  	s29 =	simm.s32 $0x9;
	_ =	strace $0x8000004E  }
0xb4: {  	_ =	swait.ge [sflag:s29], $0x1  }
0xb5: {  	[sflag:s29] =	ssyncadd.s32 $0xFFFFFFFF  }
0xb6: {  	_ =	strace $0x9000004E  }
0xb7: {  	_ =	sfence  }
0xb8: {  	s30 =	sld [smem:$0x0];
	_ =	sdelay $0x2  }
0xb9: {  	s31 =	sshll.u32 s1, $0xD;
	s1 =	sshrl.u32 s1, $0x2  }
0xba: {  	s3 =	sand.u32 $0x4000, s31;
	s1 =	sadd.s32 s1, s30  }
0xbb: {  	s0 =	sor.u32 s3, s0;
	s1 =	sshll.u32 s1, $0x11  }
0xbc: {  	s0 =	sor.u32 s1, s0  }
0xbd: {  	s0 =	sadd.s32 $0x8F2B, s0  }
0xbe: {  	[sflag:s0] =	ssyncadd.remote.s32 $0x1  }
0xbf: {  	_ =	sfence.sel $0xFFFF  }
0xc0: {  	[dreg:$0x0] =	wrdreg $0xFFFFFFFF;
	(pc) =	sbr.abs _section_cstart, $3  }
0xc1: {  	[dreg:$0x1] =	wrdreg $0xFFFFFFFF  }
0xc2: {  	_ =	task.clear_ibuf [dreg:s6], $0x2FFFF;
	_ =	strace $0x9FFFFFFF  }
0xc3: {  	(tm) =	ssettm $0x7FFFFFFF  }
tec
execute0_lowered:
.L_overlay_start_1:
0x0: {  	(tag) =	ssettag $0x1  }
0x1: {  	s0 =	rddreg [dreg:$0x0]  }
0x2: {  	s2 =	rddreg [dreg:$0x1]  }
0x3: {  	s3 =	rddreg [dreg:$0x2]  }
0x4: {  	s1 =	srdreg.scid;
	s12 =	stileid.u32  }
0x5: {  	s4 =	simm.s32 $0x0;
	s13 =	simm.s32 $0x1;
	s14 =	simm.s32 $0x8  }
0x6: {  	s15 =	simm.s32 $0x10;
	s16 =	simm.s32 $0x5;
	s5 =	smul.u32 $0x13880, s12  }
0x7: {  	s18 =	simm.s32 $0x4E20;
	s19 =	simm.s32 $0x50;
	s7 =	smul.u32 $0x4E20, s12  }
0x8: {  	s28 =	simm.s32 $0x9BA0;
	s29 =	simm.s32 $0x4DD0;
	s8 =	smul.u32 $0x13900, s12  }
0x9: {  	s30 =	simm.s32 $0x9BF0;
	s31 =	simm.s32 $0x0;
	s21 =	smul.u32 $0x27200, s12  }
0xa: {  	s1 =	sand.u32 $0x1, s1;
	[smem:$0x7FF] =	sst s4;
	s11 =	smul.u32 $0x27100, s12  }
0xb: {  	s24 =	sshll.u32 s12, $0x6;
	s6 =	sshll.u32 s1, $0x6;
	_ =	strace $0x8000004D  }
0xc: {  	s1 =	ssub.s32 $0x2, s1;
	s5 =	sor.u32 s6, s5;
	s7 =	sshrl.u32 s7, $0x3  }
0xd: {  	s20 =	sor.u32 s6, s8;
	s23 =	sshrl.u32 s1, $0x1;
	s6 =	sshrl.u32 s21, $0x2  }
0xe: {  	s25 =	sshrl.u32 s11, $0x2;
	s21 =	simm.s32 $0xB040;
	s5 =	sshrl.u32 s5, $0x3  }
0xf: {  	s10 =	sadd.s32 s7, s0;
	s22 =	sshrl.u32 s20, $0x3;
	s1 =	ssub.s32 s1, s23  }
0x10: {  	s26 =	sadd.s32 s6, s2;
	s6 =	sor.u32 $0x1C05, s24;
	s17 =	sadd.s32 s25, s3  }
0x11: {  	s20 =	simm.s32 $0x9C40;
	s24 =	simm.s32 $0x3;
	s25 =	simm.s32 $0xA0  }
0x12: {  	s9 =	sadd.s32 s5, s0;
	s5 =	sadd.s32 $0x18600, s0;
	s0 =	sadd.s32 s22, s0  }
0x13: {  	s8 =	sadd.s32 $0x4C00, s10;
	s11 =	smax.u32 s1, $0x1;
	s12 =	sshrl.u32 s26, $0x3  }
0x14: {  	s17 =	sshrl.u32 s17, $0x3;
	s22 =	simm.s32 $0x2;
	s26 =	simm.s32 $0x4  }
0x15: {  	s7 =	sadd.s32 $0x1AE00, s9;
	s9 =	sadd.s32 $0xE840, s10;
	s10 =	sadd.s32 $0x42000, s0  }
.LBB2_1:
0x16: {  	[spmem:s12@s14], [sflag:s6] =	dma.strided [hbm:s5@s15], $0x1390, s13, $0x8   }
0x17: {  	_ =	swait.ge [sflag:s16], $0x1390  }
0x18: {  	[sflag:s16] =	ssyncset.done $0x0  }
0x19: {  	[sflag:s16] =	ssyncadd.s32 $0xFFFFEC70  }
0x1a: {  	[spmem:s17@s14], [sflag:s6] =	dma.strided [hbm:s7@s15], $0x1388, s13, $0x8   }
0x1b: {  	_ =	swait.ge [sflag:s16], $0x1388  }
0x1c: {  	[sflag:s16] =	ssyncset.done $0x0  }
0x1d: {  	[sflag:s16] =	ssyncadd.s32 $0xFFFFEC78  }
0x1e: {  	[tilespmem:s4], [sflag:$0x5] =	stream.linear.gather [hbm4b:s8+s4], $0x4E20, $0x38;
	[tilespmem:$0x1FD00] =	vst v63  }
0x1f: {  	_ =	swait.ge [sflag:s16], $0x4E20  }
0x20: {  	[sflag:s16] =	ssyncset.done $0x0  }
0x21: {  	[sflag:s16] =	ssyncadd.s32 $0xFFFFB1E0  }
0x22: {  	[tilespmem:s18], [sflag:$0x5] =	stream.linear.gather [hbm4b:s9+s4], $0x4E20, $0x38;
	[tilespmem:$0x1FD00] =	vst v63  }
0x23: {  	_ =	swait.ge [sflag:s16], $0x4E20  }
0x24: {  	[sflag:s16] =	ssyncset.done $0x0  }
0x25: {  	[sflag:s16] =	ssyncadd.s32 $0xFFFFB1E0  }
0x26: {  	[bflag:$0x0] =	sbarrier.arrive $0xFFFF  }
0x27: {  	[tilespmem:s20], [sflag:$0x1] =	stream.indirect.gather [spmem:s3], $0x40, s4, s19, $0xb8;
	[tilespmem:$0x1FD00] =	vst v63  }
0x28: {  	_ =	swait.ge [sflag:s13], $0x1400  }
0x29: {  	[sflag:s13] =	ssyncset.done $0x0  }
0x2a: {  	[sflag:s13] =	ssyncadd.s32 $0xFFFFEC00  }
0x2b: {  	[spmem:s2] =	stream.indirect.scatter.add.f32 [tilespmem:s20], [sflag:$0x3], $0x40, s18, s19, $0xb8;
	[tilespmem:$0x1FD00] =	vst v63  }
0x2c: {  	_ = 	snop  }
0x2d: {  	[tilespmem:s21], [sflag:$0x2] =	stream.indirect.gather [spmem:s3], $0x40, s19, s19, $0xb8;
	[tilespmem:$0x1FD00] =	vst v63  }
0x2e: {  	_ =	swait.ge [sflag:s22], $0x1400  }
0x2f: {  	[sflag:s22] =	ssyncset.done $0x0  }
0x30: {  	s0 =	simm.s32 $0x4E70;
	[sflag:s22] =	ssyncadd.s32 $0xFFFFEC00  }
0x31: {  	[spmem:s2] =	stream.indirect.scatter.add.f32 [tilespmem:s21], [sflag:$0x4], $0x40, s0, s19, $0xb8;
	[tilespmem:$0x1FD00] =	vst v63  }
0x32: {  	_ =	swait.ge [sflag:s24], $0x1400  }
0x33: {  	[sflag:s24] =	ssyncset.done $0x0  }
0x34: {  	[sflag:s24] =	ssyncadd.s32 $0xFFFFEC00  }
0x35: {  	[tilespmem:s20], [sflag:$0x1] =	stream.indirect.gather [spmem:s3], $0x40, s25, s19, $0xb8;
	[tilespmem:$0x1FD00] =	vst v63  }
0x36: {  	_ =	swait.ge [sflag:s13], $0x1400  }
0x37: {  	[sflag:s13] =	ssyncset.done $0x0  }
0x38: {  	s23 =	simm.s32 $0x4EC0;
	[sflag:s13] =	ssyncadd.s32 $0xFFFFEC00  }
0x39: {  	[spmem:s2] =	stream.indirect.scatter.add.f32 [tilespmem:s20], [sflag:$0x3], $0x40, s23, s19, $0xb8;
	[tilespmem:$0x1FD00] =	vst v63  }
0x3a: {  	_ =	swait.ge [sflag:s26], $0x1400  }
0x3b: {  	[sflag:s26] =	ssyncset.done $0x0  }
0x3c: {  	s1 =	simm.s32 $0xF0;
	[sflag:s26] =	ssyncadd.s32 $0xFFFFEC00  }
0x3d: {  	[tilespmem:s21], [sflag:$0x2] =	stream.indirect.gather [spmem:s3], $0x40, s1, s19, $0xb8;
	[tilespmem:$0x1FD00] =	vst v63  }
0x3e: {  	_ =	swait.ge [sflag:s22], $0x1400  }
0x3f: {  	[sflag:s22] =	ssyncset.done $0x0  }
0x40: {  	s23 =	simm.s32 $0x4F10;
	[sflag:s22] =	ssyncadd.s32 $0xFFFFEC00  }
0x41: {  	[spmem:s2] =	stream.indirect.scatter.add.f32 [tilespmem:s21], [sflag:$0x4], $0x40, s23, s19, $0xb8;
	[tilespmem:$0x1FD00] =	vst v63  }
0x42: {  	_ =	swait.ge [sflag:s24], $0x1400  }
0x43: {  	[sflag:s24] =	ssyncset.done $0x0  }
0x44: {  	s0 =	simm.s32 $0xFFFECF00;
	s1 =	simm.s32 $0x140;
	[sflag:s24] =	ssyncadd.s32 $0xFFFFEC00  }
.LBB2_2:
0x45: {  	[tilespmem:s20], [sflag:$0x1] =	stream.indirect.gather [spmem:s3], $0x40, s1, s19, $0xb8;
	[tilespmem:$0x1FD00] =	vst v63  }
0x46: {  	s1 =	smov.u32 s0  }
0x47: {  	p0 =	sne.s32 s0, $0xFFFFFD80;
	s0 =	sadd.s32 $0x280, s0;
	_ =	swait.ge [sflag:s13], $0x1400  }
0x48: {  	s1 =	sshra.s32 s1, $0x2;
	[sflag:s13] =	ssyncset.done $0x0  }
0x49: {  	s23 =	sadd.s32 $0x9BA0, s1;
	[sflag:s13] =	ssyncadd.s32 $0xFFFFEC00  }
0x4a: {  	[spmem:s2] =	stream.indirect.scatter.add.f32 [tilespmem:s20], [sflag:$0x3], $0x40, s23, s19, $0xb8;
	[tilespmem:$0x1FD00] =	vst v63  }
0x4b: {  	_ =	swait.ge [sflag:s26], $0x1400  }
0x4c: {  	[sflag:s26] =	ssyncset.done $0x0  }
0x4d: {  	s23 =	sadd.s32 $0x4DD0, s1;
	[sflag:s26] =	ssyncadd.s32 $0xFFFFEC00  }
0x4e: {  	[tilespmem:s21], [sflag:$0x2] =	stream.indirect.gather [spmem:s3], $0x40, s23, s19, $0xb8;
	[tilespmem:$0x1FD00] =	vst v63  }
0x4f: {  	_ =	swait.ge [sflag:s22], $0x1400  }
0x50: {  	[sflag:s22] =	ssyncset.done $0x0  }
.Ltmp0:
0x51: {  	s23 =	sadd.s32 $0x9BF0, s1;
	[sflag:s22] =	ssyncadd.s32 $0xFFFFEC00;
	(pc) =	sbr.rel @p0 .LBB2_2-.Ltmp0, $4  }
0x52: {  	[spmem:s2] =	stream.indirect.scatter.add.f32 [tilespmem:s21], [sflag:$0x4], $0x40, s23, s19, $0xb8;
	[tilespmem:$0x1FD00] =	vst v63  }
0x53: {  	_ =	swait.ge [sflag:s24], $0x1400  }
0x54: {  	[sflag:s24] =	ssyncset.done $0x0  }
0x55: {  	s1 =	sadd.s32 $0x4E20, s1;
	[sflag:s24] =	ssyncadd.s32 $0xFFFFEC00  }
0x56: {  	[tilespmem:s20], [sflag:$0x1] =	stream.indirect.gather [spmem:s3], $0x40, s1, s19, $0xb8;
	[tilespmem:$0x1FD00] =	vst v63  }
0x57: {  	_ =	swait.ge [sflag:s13], $0x1400  }
0x58: {  	[sflag:s13] =	ssyncset.done $0x0  }
0x59: {  	[sflag:s13] =	ssyncadd.s32 $0xFFFFEC00  }
0x5a: {  	[spmem:s2] =	stream.indirect.scatter.add.f32 [tilespmem:s20], [sflag:$0x3], $0x40, s28, s19, $0xb8;
	[tilespmem:$0x1FD00] =	vst v63  }
0x5b: {  	_ =	swait.ge [sflag:s26], $0x1400  }
0x5c: {  	[sflag:s26] =	ssyncset.done $0x0  }
0x5d: {  	[sflag:s26] =	ssyncadd.s32 $0xFFFFEC00  }
0x5e: {  	[tilespmem:s21], [sflag:$0x2] =	stream.indirect.gather [spmem:s3], $0x40, s29, s19, $0xb8;
	[tilespmem:$0x1FD00] =	vst v63  }
0x5f: {  	_ =	swait.ge [sflag:s22], $0x1400  }
0x60: {  	[sflag:s22] =	ssyncset.done $0x0  }
0x61: {  	[sflag:s22] =	ssyncadd.s32 $0xFFFFEC00  }
0x62: {  	[spmem:s2] =	stream.indirect.scatter.add.f32 [tilespmem:s21], [sflag:$0x4], $0x40, s30, s19, $0xb8;
	[tilespmem:$0x1FD00] =	vst v63  }
0x63: {  	_ =	swait.ge [sflag:s24], $0x1400  }
0x64: {  	[sflag:s24] =	ssyncset.done $0x0  }
0x65: {  	[sflag:s24] =	ssyncadd.s32 $0xFFFFEC00  }
0x66: {  	_ =	swait.ge [sflag:s26], $0x1400  }
0x67: {  	s31 =	sadd.s32 $0x1, s31;
	[sflag:s26] =	ssyncset.done $0x0  }
0x68: {  	p0 =	sne.s32 s31, s11;
	[sflag:s26] =	ssyncadd.s32 $0xFFFFEC00  }
.Ltmp1:
0x69: {  	[bflag:$0x0] =	sbarrier.arrive $0xFFFF;
	(pc) =	sbr.rel @p0 .LBB2_1-.Ltmp1, $4  }
0x6a: {  	[hbm:s10@s15], [sflag:s6] =	dma.strided [spmem:s12@s14], $0x1390, s13, $0x8   }
0x6b: {  	_ =	swait.ge [sflag:s16], $0x1390  }
0x6c: {  	[sflag:s16] =	ssyncset.done $0x0  }
0x6d: {  	[sflag:s16] =	ssyncadd.s32 $0xFFFFEC70  }
0x6e: {  	_ =	sfence.sel $0x180000  }
0x6f: {  	[bflag:$0x0] =	sbarrier.arrive $0xFFFF  }
0x70: {  	_ =	strace $0x9000004D  }
0x71: {  	s0 =	stileid.u32;
	[bflag:$0x2] =	sbarrier.arrive $0xFFFF  }
0x72: {  	p0 =	sne.s32 s0, $0x0;
	s0 =	rddreg [dreg:$0x3]  }
0x73: {  	s0 =	sadd.s32 @!p0 $0x100000, s0  }
0x74: {  	[sflag:s0] =	ssyncadd.tile.s32 @!p0 $0x1;
	_ =	shalt  }
.Lfunc_end2:
_tile_overlayer_lowered:
.L_overlay_start_2:
0x75: {  	(tag) =	ssettag $0x2  }
0x76: {  	s0 =	rddreg [dreg:$0x0];
	s2 =	stileid.u32  }
0x77: {  	s1 =	rddreg [dreg:$0x1];
	p0 =	sne.s32 s2, $0x0  }
0x78: {  	s3 =	rddreg [dreg:$0x2];
	[bflag:$0x3] =	sbarrier.arrive $0xFFFF;
	s2 =	simm.s32 @!p0 $0x1C05  }
0x79: {  	[timem:s3], [sflag:s2] =	dma.local @!p0 [hbm:s0], s1  }
0x7a: {  	s0 =	simm.s32 @!p0 $0x5  }
0x7b: {  	_ =	swait.ge @!p0 [sflag:s0], s1  }
0x7c: {  	s1 =	ssub.s32 @!p0 $0x0, s1;
	[sflag:s0] =	ssyncset.done @!p0 $0x0  }
0x7d: {  	[sflag:s0] =	ssyncadd.s32 @!p0 s1  }
0x7e: {  	[bflag:$0x3] =	sbarrier.arrive $0xFFFF  }
0x7f: {  	_ =	shalt  }

// kernel: kernel.19.cloned.1.call-start
scs
__scs_entry_jumppad:
0x0: {  	(pc) =	sbr.rel $0x88, $3  }
0x1: {  	(tag) =	ssettag $0x0;
	lr =	simm.s32 $0x1  }
0x2: {  	[smem:$0x3F90] =	sst lr;
	_ =	strace $0xD0000000  }
0x3: {  	_ = 	snop  }
0x4: {  	_ = 	snop  }
0x5: {  	_ = 	snop  }
0x6: {  	_ = 	snop  }
0x7: {  	_ = 	snop  }
__scs_overlays_trampoline_lowered:
0x8: {  	[smem:$0x3F9F] =	sst s0  }
0x9: {  	[smem:$0x3FA0] =	sst s1  }
0xa: {  	[smem:$0x3FA1] =	sst s2  }
0xb: {  	[smem:$0x3FA2] =	sst s3  }
0xc: {  	[smem:$0x3FA3] =	sst s4  }
0xd: {  	[smem:$0x3FA4] =	sst s5  }
0xe: {  	[smem:$0x3FA5] =	sst s6  }
0xf: {  	[smem:$0x3FA6] =	sst s7  }
0x10: {  	[smem:$0x3FA7] =	sst s8  }
0x11: {  	[smem:$0x3FA8] =	sst s9;
	s0 =	simm.s32 @!p0 $0x0  }
0x12: {  	s1 =	sld [smem:$0x3F8E];
	s0 =	simm.s32 @p0 $0x1  }
0x13: {  	[smem:$0x3FA9] =	sst s0;
	s0 =	simm.s32 @!p1 $0x0  }
0x14: {  	s2 =	sld [smem:$0x3F8D];
	s0 =	simm.s32 @p1 $0x1  }
0x15: {  	[smem:$0x3FAA] =	sst s0;
	s0 =	simm.s32 @!p2 $0x0  }
0x16: {  	s3 =	sld [smem:$0x3FDB];
	s0 =	simm.s32 @p2 $0x1  }
0x17: {  	s4 =	simm.s32 $0x1BF5;
	[smem:$0x3FAC] =	sst s0  }
0x18: {  	s0 =	sld [smem:$0x3F8F];
	_ =	swait.ge [sflag:s4], $0x0  }
0x19: {  	s7 =	sld [smem:$0x3F90]  }
0x1a: {  	s8 =	sadd.s32 $0xFFFFE003, lr  }
0x1b: {  	s9 =	sadd.s32 $0xFFFFFEF7, lr;
	s5 =	simm.s32 $0xFFFFFFFF;
	p2 =	slt.u32 s8, $0xFFFFF086  }
0x1c: {  	p1 =	slt.u32 s9, $0xF7A;
	s5 =	simm.s32 @!p2 $0x0  }
0x1d: {  	s5 =	simm.s32 @p1 $0x1;
	p0 =	seq.s32 s7, s2  }
0x1e: {  	s7 =	smul.u32 @!p0 $0xF7A, s2;
	p2 =	seq.s32 @!p0 s5, $0x0  }
0x1f: {  	s9 =	smul.u32 $0xF7A, s1;
	s8 =	simm.s32 @!p0 $0x1BF5;
	p2 =	por !p2, p0  }
0x20: {  	[sflag:s8] =	ssyncset.s32 @!p0 $0xFFFFF086;
	s6 =	sadd.s32 @!p0 s3, s7;
	s7 =	simm.s32 @!p0 $0x108  }
0x21: {  	s3 =	sadd.s32 s3, s9;
	s6 =	sadd.s32 @!p0 $0x88, s6;
	s7 =	simm.s32 @p2 $0x1082  }
0x22: {  	[simem:s7], [sflag:s8] =	dma.local @!p0 [hbm:s6], $0xF7A  }
0x23: {  	s9 =	sor.u32 $0xD0000000, s2;
	s6 =	simm.s32 $0x108;
	_ =	swait.ge @!p0 [sflag:s8], $0x0  }
0x24: {  	s3 =	sadd.s32 $0x88, s3;
	s6 =	simm.s32 @!p1 $0x1082;
	[sflag:s4] =	ssyncset.s32 $0xFFFFF086  }
0x25: {  	[simem:s6], [sflag:s4] =	dma.local [hbm:s3], $0xF7A  }
0x26: {  	[smem:$0x3F90] =	sst s1;
	(tag) =	ssettag s2;
	_ =	strace s9  }
0x27: {  	s1 =	sld [smem:$0x3FA0]  }
0x28: {  	s2 =	sld [smem:$0x3FA1]  }
0x29: {  	s4 =	sld [smem:$0x3FA3]  }
0x2a: {  	p0 =	seq.s32 s5, $0x0;
	s5 =	sld [smem:$0x3FA4]  }
0x2b: {  	s6 =	sld [smem:$0x3FA5]  }
0x2c: {  	s7 =	sld [smem:$0x3FA6]  }
0x2d: {  	s3 =	simm.s32 $0x108;
	s8 =	sld [smem:$0x3FA7]  }
0x2e: {  	s3 =	simm.s32 @!p0 $0x1082;
	s9 =	sld [smem:$0x3FA8]  }
0x2f: {  	lr =	sadd.s32 s0, s3;
	s0 =	sld [smem:$0x3F9F]  }
0x30: {  	s3 =	sld [smem:$0x3FA2]  }
0x31: {  	[smem:$0x3FAB] =	sst s10  }
0x32: {  	s10 =	sld [smem:$0x3FA9];
	_ =	sdelay $0x3  }
0x33: {  	p0 =	seq.s32 s10, $0x1;
	s10 =	sld [smem:$0x3FAB];
	_ =	sdelay $0x3  }
0x34: {  	[smem:$0x3FAB] =	sst s10  }
0x35: {  	s10 =	sld [smem:$0x3FAA];
	_ =	sdelay $0x3  }
0x36: {  	p1 =	seq.s32 s10, $0x1;
	s10 =	sld [smem:$0x3FAB];
	_ =	sdelay $0x3  }
0x37: {  	[smem:$0x3FAB] =	sst s10  }
0x38: {  	s10 =	sld [smem:$0x3FAC]  }
0x39: {  	_ = 	snop;
	(pc) =	sbr.ind lr, $3  }
0x3a: {  	_ = 	snop  }
0x3b: {  	_ = 	snop  }
0x3c: {  	p2 =	seq.s32 s10, $0x1;
	s10 =	sld [smem:$0x3FAB]  }
0x3d: {  	_ =	shalt  }
0x3e: {  	_ =	shalt  }
0x3f: {  	_ =	shalt  }
0x40: {  	_ =	shalt  }
0x41: {  	_ =	shalt  }
0x42: {  	_ =	shalt  }
0x43: {  	_ =	shalt  }
0x44: {  	_ =	shalt  }
0x45: {  	_ =	shalt  }
0x46: {  	_ =	shalt  }
0x47: {  	_ =	shalt  }
0x48: {  	_ =	shalt  }
0x49: {  	_ =	shalt  }
0x4a: {  	_ =	shalt  }
0x4b: {  	_ =	shalt  }
0x4c: {  	_ =	shalt  }
0x4d: {  	_ =	shalt  }
0x4e: {  	_ =	shalt  }
0x4f: {  	_ =	shalt  }
0x50: {  	_ =	shalt  }
0x51: {  	_ =	shalt  }
0x52: {  	_ =	shalt  }
0x53: {  	_ =	shalt  }
0x54: {  	_ =	shalt  }
0x55: {  	_ =	shalt  }
0x56: {  	_ =	shalt  }
0x57: {  	_ =	shalt  }
0x58: {  	_ =	shalt  }
0x59: {  	_ =	shalt  }
0x5a: {  	_ =	shalt  }
0x5b: {  	_ =	shalt  }
0x5c: {  	_ =	shalt  }
0x5d: {  	_ =	shalt  }
0x5e: {  	_ =	shalt  }
0x5f: {  	_ =	shalt  }
0x60: {  	_ =	shalt  }
0x61: {  	_ =	shalt  }
0x62: {  	_ =	shalt  }
0x63: {  	_ =	shalt  }
0x64: {  	_ =	shalt  }
0x65: {  	_ =	shalt  }
0x66: {  	_ =	shalt  }
0x67: {  	_ =	shalt  }
0x68: {  	_ =	shalt  }
0x69: {  	_ =	shalt  }
0x6a: {  	_ =	shalt  }
0x6b: {  	_ =	shalt  }
0x6c: {  	_ =	shalt  }
0x6d: {  	_ =	shalt  }
0x6e: {  	_ =	shalt  }
0x6f: {  	_ =	shalt  }
0x70: {  	_ =	shalt  }
0x71: {  	_ =	shalt  }
0x72: {  	_ =	shalt  }
0x73: {  	_ =	shalt  }
0x74: {  	_ =	shalt  }
0x75: {  	_ =	shalt  }
0x76: {  	_ =	shalt  }
0x77: {  	_ =	shalt  }
0x78: {  	_ =	shalt  }
0x79: {  	_ =	shalt  }
0x7a: {  	_ =	shalt  }
0x7b: {  	_ =	shalt  }
0x7c: {  	_ =	shalt  }
0x7d: {  	_ =	shalt  }
0x7e: {  	_ =	shalt  }
0x7f: {  	_ =	shalt  }
0x80: {  	_ =	shalt  }
0x81: {  	_ =	shalt  }
0x82: {  	_ =	shalt  }
0x83: {  	_ =	shalt  }
0x84: {  	_ =	shalt  }
0x85: {  	_ =	shalt  }
0x86: {  	_ =	shalt  }
0x87: {  	_ =	shalt  }
.Lfunc_end0:
.L_simem_size_0:
called_computation.3_lowered:
.L_overlay_start_0:
0x88: {  	s2 =	sld [smem:$0x3FD9]  }
0x89: {  	s3 =	sld [smem:$0x3FFE];
	_ =	sdelay $0x1  }
0x8a: {  	s1 =	srdreg.scid  }
0x8b: {  	s0 =	sand.u32 $0x1, s1  }
0x8c: {  	s16 =	sshll.u32 s0, $0xA;
	s2 =	sadd.s32 s3, s2  }
0x8d: {  	s2 =	sadd.s32 s2, s16  }
0x8e: {  	[smem:$0x3FB7] =	sst s2  }
0x8f: {  	_ = 	snop  }
0x90: {  	(tm) =	ssettm $0x1  }
0x91: {  	s17 =	sld [smem:$0x3FFB];
	_ =	sdelay $0x3  }
0x92: {  	_ =	strace s17  }
0x93: {  	s2 =	sld [smem:$0x3FFC];
	_ =	sdelay $0x3  }
0x94: {  	_ =	strace s2  }
0x95: {  	s2 =	sld [smem:$0x3FFD];
	_ =	sdelay $0x3  }
0x96: {  	_ =	strace s2  }
0x97: {  	_ =	strace $0x8FFFFFFF  }
0x98: {  	s18 =	sld [smem:$0x3FDB];
	_ =	sdelay $0x1  }
0x99: {  	s19 =	simm.s32 $_scs_section_size  }
0x9a: {  	s4 =	simm.s32 $_size__tile_overlayer_lowered;
	s5 =	simm.s32 $_tile_overlayer_lowered  }
0x9b: {  	s22 =	simm.s32 $0x1BFF;
	s21 =	sshll.u32 s5, $0x1;
	s2 =	sadd.s32 s19, s18  }
0x9c: {  	s6 =	simm.s32 $0x0;
	s20 =	sshll.u32 s4, $0x1;
	s4 =	sadd.s32 s21, s2  }
0x9d: {  	[timem:s6], [sflag:s22] =	dma.local [hbm:s4], s20  }
0x9e: {  	_ =	swait.ge [sflag:s22], s20  }
0x9f: {  	s3 =	ssub.s32 $0x0, s20;
	[sflag:s22] =	ssyncset.done $0x0  }
0xa0: {  	[sflag:s22] =	ssyncadd.s32 s3;
	_ =	sdelay $0x1  }
0xa1: {  	s23 =	simm.s32 $0x1B8B  }
0xa2: {  	_ =	swait.ge [sflag:s23], $0x1  }
0xa3: {  	[sflag:s23] =	ssyncset.done $0x0  }
0xa4: {  	s25 =	simm.s32 $0x1B8E;
	s24 =	sld [smem:$0x3FFE];
	[sflag:s23] =	ssyncadd.s32 $0xFFFFFFFF  }
0xa5: {  	s26 =	simm.s32 $execute0_lowered;
	[smem:$0x3FD2] =	sst s25  }
0xa6: {  	s4 =	sshll.u32 s26, $0x1;
	_ =	strace $0x8000004F;
	[dreg:$0x1] =	wrdreg $0xFFFFFFFF  }
0xa7: {  	s28 =	simm.s32 $_size_execute0_lowered;
	s2 =	sadd.s32 s2, s4;
	[dreg:$0x0] =	wrdreg $0x0  }
0xa8: {  	s4 =	sshll.u32 s28, $0x1;
	[dreg:$0x2] =	wrdreg s2  }
0xa9: {  	[dreg:$0x3] =	wrdreg s4  }
0xaa: {  	[dreg:$0x4] =	wrdreg $0xC0  }
0xab: {  	_ =	task [dreg:s6], $0x5FFFF  }
0xac: {  	[dreg:$0x1] =	wrdreg $0xFFFFFFFF  }
0xad: {  	[dreg:$0x0] =	wrdreg $0x60  }
0xae: {  	[dreg:$0x2] =	wrdreg s24  }
0xaf: {  	[dreg:$0x3] =	wrdreg $0xFE600  }
0xb0: {  	[dreg:$0x4] =	wrdreg $0xB0400  }
0xb1: {  	[dreg:$0x5] =	wrdreg $0x9  }
0xb2: {  	_ =	task.clear_ibuf [dreg:s6], $0x6FFFF;
	_ =	strace $0x9000004F  }
0xb3: {  	s29 =	simm.s32 $0x9;
	_ =	strace $0x80000051  }
0xb4: {  	_ =	swait.ge [sflag:s29], $0x1  }
0xb5: {  	[sflag:s29] =	ssyncadd.s32 $0xFFFFFFFF  }
0xb6: {  	_ =	strace $0x90000051  }
0xb7: {  	_ =	sfence  }
0xb8: {  	s30 =	sld [smem:$0x0];
	_ =	sdelay $0x2  }
0xb9: {  	s31 =	sshll.u32 s1, $0xD;
	s1 =	sshrl.u32 s1, $0x2  }
0xba: {  	s3 =	sand.u32 $0x4000, s31;
	s1 =	sadd.s32 s1, s30  }
0xbb: {  	s0 =	sor.u32 s3, s0;
	s1 =	sshll.u32 s1, $0x11  }
0xbc: {  	s0 =	sor.u32 s1, s0  }
0xbd: {  	s0 =	sadd.s32 $0x8F2B, s0  }
0xbe: {  	[sflag:s0] =	ssyncadd.remote.s32 $0x1  }
0xbf: {  	_ =	sfence.sel $0xFFFF  }
0xc0: {  	[dreg:$0x0] =	wrdreg $0xFFFFFFFF;
	(pc) =	sbr.abs _section_cstart, $3  }
0xc1: {  	[dreg:$0x1] =	wrdreg $0xFFFFFFFF  }
0xc2: {  	_ =	task.clear_ibuf [dreg:s6], $0x2FFFF;
	_ =	strace $0x9FFFFFFF  }
0xc3: {  	(tm) =	ssettm $0x7FFFFFFF  }
tec
execute0_lowered:
.L_overlay_start_1:
0x0: {  	(tag) =	ssettag $0x1  }
0x1: {  	s0 =	rddreg [dreg:$0x0]  }
0x2: {  	s2 =	rddreg [dreg:$0x1]  }
0x3: {  	s3 =	rddreg [dreg:$0x2]  }
0x4: {  	s4 =	srdreg.scid;
	s1 =	stileid.u32;
	s14 =	simm.s32 $0x4  }
0x5: {  	s15 =	simm.s32 $0x10;
	s16 =	simm.s32 $0x5;
	s18 =	simm.s32 $0x4E20  }
0x6: {  	s19 =	simm.s32 $0x50;
	s20 =	simm.s32 $0x9C40;
	s21 =	simm.s32 $0xA640  }
0x7: {  	s22 =	simm.s32 $0x2;
	s23 =	simm.s32 $0x4E70;
	s28 =	simm.s32 $0x4DD0  }
0x8: {  	s29 =	simm.s32 $0x9BF0;
	s30 =	simm.s32 $0x0;
	s7 =	smul.u32 $0x13880, s1  }
0x9: {  	s5 =	sand.u32 $0x1, s4;
	s4 =	simm.s32 $0x0;
	s8 =	smul.u32 $0x4E20, s1  }
0xa: {  	s10 =	smul.u32 $0x13900, s1;
	s31 =	sshll.u32 s1, $0x6;
	s6 =	sshll.u32 s5, $0x5  }
0xb: {  	[smem:$0x7FF] =	sst s4;
	s24 =	ssub.s32 $0x2, s5;
	s5 =	sadd.s32 $0x18600, s0  }
0xc: {  	s9 =	sor.u32 s6, s7;
	_ =	strace $0x80000050;
	s8 =	sshrl.u32 s8, $0x3  }
0xd: {  	s6 =	sor.u32 s6, s10;
	s25 =	sshrl.u32 s24, $0x1;
	s26 =	sshrl.u32 s10, $0x2  }
0xe: {  	s7 =	sshrl.u32 s7, $0x2;
	s9 =	sshrl.u32 s9, $0x3;
	s11 =	sadd.s32 s8, s0  }
0xf: {  	s6 =	sshrl.u32 s6, $0x3;
	s12 =	ssub.s32 s24, s25;
	s13 =	sadd.s32 s26, s2  }
0x10: {  	s17 =	sadd.s32 s7, s3;
	s24 =	simm.s32 $0x3;
	s25 =	simm.s32 $0xA0  }
0x11: {  	s26 =	simm.s32 $0x9BA0;
	s9 =	sadd.s32 s9, s0;
	s0 =	sadd.s32 s6, s0  }
0x12: {  	s6 =	sor.u32 $0x1C05, s31;
	s8 =	sadd.s32 $0x4C00, s11;
	s17 =	sshrl.u32 s17, $0x3  }
0x13: {  	s7 =	sadd.s32 $0x1AE00, s9;
	s9 =	sadd.s32 $0xE840, s11;
	s10 =	sadd.s32 $0x42000, s0  }
0x14: {  	s11 =	smax.u32 s12, $0x1;
	s12 =	sshrl.u32 s13, $0x3;
	s13 =	simm.s32 $0x1  }
.LBB2_1:
0x15: {  	[spmem:s12@s14], [sflag:s6] =	dma.strided [hbm:s5@s15], $0x9C8, s13, $0x4   }
0x16: {  	_ =	swait.ge [sflag:s16], $0x9C8  }
0x17: {  	[sflag:s16] =	ssyncset.done $0x0  }
0x18: {  	[sflag:s16] =	ssyncadd.s32 $0xFFFFF638  }
0x19: {  	[spmem:s17@s14], [sflag:s6] =	dma.strided [hbm:s7@s15], $0x9C4, s13, $0x4   }
0x1a: {  	_ =	swait.ge [sflag:s16], $0x9C4  }
0x1b: {  	[sflag:s16] =	ssyncset.done $0x0  }
0x1c: {  	[sflag:s16] =	ssyncadd.s32 $0xFFFFF63C  }
0x1d: {  	[tilespmem:s4], [sflag:$0x5] =	stream.linear.gather [hbm4b:s8+s4], $0x4E20, $0x38;
	[tilespmem:$0x14CA0] =	vst v63  }
0x1e: {  	_ =	swait.ge [sflag:s16], $0x4E20  }
0x1f: {  	[sflag:s16] =	ssyncset.done $0x0  }
0x20: {  	[sflag:s16] =	ssyncadd.s32 $0xFFFFB1E0  }
0x21: {  	[tilespmem:s18], [sflag:$0x5] =	stream.linear.gather [hbm4b:s9+s4], $0x4E20, $0x38;
	[tilespmem:$0x14CA0] =	vst v63  }
0x22: {  	_ =	swait.ge [sflag:s16], $0x4E20  }
0x23: {  	[sflag:s16] =	ssyncset.done $0x0  }
0x24: {  	[sflag:s16] =	ssyncadd.s32 $0xFFFFB1E0  }
0x25: {  	[bflag:$0x0] =	sbarrier.arrive $0xFFFF  }
0x26: {  	[tilespmem:s20], [sflag:$0x1] =	stream.indirect.gather [spmem:s3], $0x20, s4, s19, $0xb8;
	[tilespmem:$0x14CA0] =	vst v63  }
0x27: {  	_ =	swait.ge [sflag:s13], $0xA00  }
0x28: {  	[sflag:s13] =	ssyncset.done $0x0  }
0x29: {  	[sflag:s13] =	ssyncadd.s32 $0xFFFFF600  }
0x2a: {  	[spmem:s2] =	stream.indirect.scatter.add.f32 [tilespmem:s20], [sflag:$0x3], $0x20, s18, s19, $0xb8;
	[tilespmem:$0x14CA0] =	vst v63  }
0x2b: {  	_ = 	snop  }
0x2c: {  	[tilespmem:s21], [sflag:$0x2] =	stream.indirect.gather [spmem:s3], $0x20, s19, s19, $0xb8;
	[tilespmem:$0x14CA0] =	vst v63  }
0x2d: {  	_ =	swait.ge [sflag:s22], $0xA00  }
0x2e: {  	[sflag:s22] =	ssyncset.done $0x0  }
0x2f: {  	[sflag:s22] =	ssyncadd.s32 $0xFFFFF600  }
0x30: {  	[spmem:s2] =	stream.indirect.scatter.add.f32 [tilespmem:s21], [sflag:$0x4], $0x20, s23, s19, $0xb8;
	[tilespmem:$0x14CA0] =	vst v63  }
0x31: {  	_ =	swait.ge [sflag:s24], $0xA00  }
0x32: {  	[sflag:s24] =	ssyncset.done $0x0  }
0x33: {  	[sflag:s24] =	ssyncadd.s32 $0xFFFFF600  }
0x34: {  	[tilespmem:s20], [sflag:$0x1] =	stream.indirect.gather [spmem:s3], $0x20, s25, s19, $0xb8;
	[tilespmem:$0x14CA0] =	vst v63  }
0x35: {  	_ =	swait.ge [sflag:s13], $0xA00  }
0x36: {  	[sflag:s13] =	ssyncset.done $0x0  }
0x37: {  	s0 =	simm.s32 $0x4EC0;
	[sflag:s13] =	ssyncadd.s32 $0xFFFFF600  }
0x38: {  	[spmem:s2] =	stream.indirect.scatter.add.f32 [tilespmem:s20], [sflag:$0x3], $0x20, s0, s19, $0xb8;
	[tilespmem:$0x14CA0] =	vst v63  }
0x39: {  	_ =	swait.ge [sflag:s14], $0xA00  }
0x3a: {  	[sflag:s14] =	ssyncset.done $0x0  }
0x3b: {  	s1 =	simm.s32 $0xF0;
	[sflag:s14] =	ssyncadd.s32 $0xFFFFF600  }
0x3c: {  	[tilespmem:s21], [sflag:$0x2] =	stream.indirect.gather [spmem:s3], $0x20, s1, s19, $0xb8;
	[tilespmem:$0x14CA0] =	vst v63  }
0x3d: {  	_ =	swait.ge [sflag:s22], $0xA00  }
0x3e: {  	[sflag:s22] =	ssyncset.done $0x0  }
0x3f: {  	s1 =	simm.s32 $0x4F10;
	[sflag:s22] =	ssyncadd.s32 $0xFFFFF600  }
0x40: {  	[spmem:s2] =	stream.indirect.scatter.add.f32 [tilespmem:s21], [sflag:$0x4], $0x20, s1, s19, $0xb8;
	[tilespmem:$0x14CA0] =	vst v63  }
0x41: {  	_ =	swait.ge [sflag:s24], $0xA00  }
0x42: {  	[sflag:s24] =	ssyncset.done $0x0  }
0x43: {  	s31 =	simm.s32 $0xFFFECF00;
	s0 =	simm.s32 $0x140;
	[sflag:s24] =	ssyncadd.s32 $0xFFFFF600  }
.LBB2_2:
0x44: {  	[tilespmem:s20], [sflag:$0x1] =	stream.indirect.gather [spmem:s3], $0x20, s0, s19, $0xb8;
	[tilespmem:$0x14CA0] =	vst v63  }
0x45: {  	s0 =	smov.u32 s31  }
0x46: {  	p0 =	sne.s32 s31, $0xFFFFFD80;
	s31 =	sadd.s32 $0x280, s31;
	_ =	swait.ge [sflag:s13], $0xA00  }
0x47: {  	s0 =	sshra.s32 s0, $0x2;
	[sflag:s13] =	ssyncset.done $0x0  }
0x48: {  	s1 =	sadd.s32 $0x9BA0, s0;
	[sflag:s13] =	ssyncadd.s32 $0xFFFFF600  }
0x49: {  	[spmem:s2] =	stream.indirect.scatter.add.f32 [tilespmem:s20], [sflag:$0x3], $0x20, s1, s19, $0xb8;
	[tilespmem:$0x14CA0] =	vst v63  }
0x4a: {  	_ =	swait.ge [sflag:s14], $0xA00  }
0x4b: {  	[sflag:s14] =	ssyncset.done $0x0  }
0x4c: {  	s1 =	sadd.s32 $0x4DD0, s0;
	[sflag:s14] =	ssyncadd.s32 $0xFFFFF600  }
0x4d: {  	[tilespmem:s21], [sflag:$0x2] =	stream.indirect.gather [spmem:s3], $0x20, s1, s19, $0xb8;
	[tilespmem:$0x14CA0] =	vst v63  }
0x4e: {  	_ =	swait.ge [sflag:s22], $0xA00  }
0x4f: {  	[sflag:s22] =	ssyncset.done $0x0  }
.Ltmp0:
0x50: {  	s1 =	sadd.s32 $0x9BF0, s0;
	[sflag:s22] =	ssyncadd.s32 $0xFFFFF600;
	(pc) =	sbr.rel @p0 .LBB2_2-.Ltmp0, $4  }
0x51: {  	[spmem:s2] =	stream.indirect.scatter.add.f32 [tilespmem:s21], [sflag:$0x4], $0x20, s1, s19, $0xb8;
	[tilespmem:$0x14CA0] =	vst v63  }
0x52: {  	_ =	swait.ge [sflag:s24], $0xA00  }
0x53: {  	[sflag:s24] =	ssyncset.done $0x0  }
0x54: {  	s0 =	sadd.s32 $0x4E20, s0;
	[sflag:s24] =	ssyncadd.s32 $0xFFFFF600  }
0x55: {  	[tilespmem:s20], [sflag:$0x1] =	stream.indirect.gather [spmem:s3], $0x20, s0, s19, $0xb8;
	[tilespmem:$0x14CA0] =	vst v63  }
0x56: {  	_ =	swait.ge [sflag:s13], $0xA00  }
0x57: {  	[sflag:s13] =	ssyncset.done $0x0  }
0x58: {  	[sflag:s13] =	ssyncadd.s32 $0xFFFFF600  }
0x59: {  	[spmem:s2] =	stream.indirect.scatter.add.f32 [tilespmem:s20], [sflag:$0x3], $0x20, s26, s19, $0xb8;
	[tilespmem:$0x14CA0] =	vst v63  }
0x5a: {  	_ =	swait.ge [sflag:s14], $0xA00  }
0x5b: {  	[sflag:s14] =	ssyncset.done $0x0  }
0x5c: {  	[sflag:s14] =	ssyncadd.s32 $0xFFFFF600  }
0x5d: {  	[tilespmem:s21], [sflag:$0x2] =	stream.indirect.gather [spmem:s3], $0x20, s28, s19, $0xb8;
	[tilespmem:$0x14CA0] =	vst v63  }
0x5e: {  	_ =	swait.ge [sflag:s22], $0xA00  }
0x5f: {  	[sflag:s22] =	ssyncset.done $0x0  }
0x60: {  	[sflag:s22] =	ssyncadd.s32 $0xFFFFF600  }
0x61: {  	[spmem:s2] =	stream.indirect.scatter.add.f32 [tilespmem:s21], [sflag:$0x4], $0x20, s29, s19, $0xb8;
	[tilespmem:$0x14CA0] =	vst v63  }
0x62: {  	_ =	swait.ge [sflag:s24], $0xA00  }
0x63: {  	[sflag:s24] =	ssyncset.done $0x0  }
0x64: {  	[sflag:s24] =	ssyncadd.s32 $0xFFFFF600  }
0x65: {  	_ =	swait.ge [sflag:s14], $0xA00  }
0x66: {  	s30 =	sadd.s32 $0x1, s30;
	[sflag:s14] =	ssyncset.done $0x0  }
0x67: {  	p0 =	sne.s32 s30, s11;
	[sflag:s14] =	ssyncadd.s32 $0xFFFFF600  }
.Ltmp1:
0x68: {  	[bflag:$0x0] =	sbarrier.arrive $0xFFFF;
	(pc) =	sbr.rel @p0 .LBB2_1-.Ltmp1, $4  }
0x69: {  	[hbm:s10@s15], [sflag:s6] =	dma.strided [spmem:s12@s14], $0x9C8, s13, $0x4   }
0x6a: {  	_ =	swait.ge [sflag:s16], $0x9C8  }
0x6b: {  	[sflag:s16] =	ssyncset.done $0x0  }
0x6c: {  	[sflag:s16] =	ssyncadd.s32 $0xFFFFF638  }
0x6d: {  	_ =	sfence.sel $0x180000  }
0x6e: {  	[bflag:$0x0] =	sbarrier.arrive $0xFFFF  }
0x6f: {  	_ =	strace $0x90000050  }
0x70: {  	s0 =	stileid.u32;
	[bflag:$0x2] =	sbarrier.arrive $0xFFFF  }
0x71: {  	p0 =	sne.s32 s0, $0x0;
	s0 =	rddreg [dreg:$0x3]  }
0x72: {  	s0 =	sadd.s32 @!p0 $0x100000, s0  }
0x73: {  	[sflag:s0] =	ssyncadd.tile.s32 @!p0 $0x1;
	_ =	shalt  }
.Lfunc_end2:
_tile_overlayer_lowered:
.L_overlay_start_2:
0x74: {  	(tag) =	ssettag $0x2  }
0x75: {  	s0 =	rddreg [dreg:$0x0];
	s2 =	stileid.u32  }
0x76: {  	s1 =	rddreg [dreg:$0x1];
	p0 =	sne.s32 s2, $0x0  }
0x77: {  	s3 =	rddreg [dreg:$0x2];
	[bflag:$0x3] =	sbarrier.arrive $0xFFFF;
	s2 =	simm.s32 @!p0 $0x1C05  }
0x78: {  	[timem:s3], [sflag:s2] =	dma.local @!p0 [hbm:s0], s1  }
0x79: {  	s0 =	simm.s32 @!p0 $0x5  }
0x7a: {  	_ =	swait.ge @!p0 [sflag:s0], s1  }
0x7b: {  	s1 =	ssub.s32 @!p0 $0x0, s1;
	[sflag:s0] =	ssyncset.done @!p0 $0x0  }
0x7c: {  	[sflag:s0] =	ssyncadd.s32 @!p0 s1  }
0x7d: {  	[bflag:$0x3] =	sbarrier.arrive $0xFFFF  }
0x7e: {  	_ =	shalt  }

</sc_bundles>
